<compile_context>
chip_gen: v7x
topology: tpu7x:2x2x1
jax: 0.10.2.dev20260603
libtpu: 0.0.44.dev20260713+nightly
codegen_flags: <defaults>
</compile_context>

<pallas_src>
import functools

import jax
import jax.numpy as jnp
from jax import lax
from jax.experimental import pallas as pl
from jax.experimental.pallas import tpu as pltpu
from jax.experimental.pallas import tpu_sc as plsc

_PERM_TABLE = (
    (0, 1, 2, 3, 4, 5, 6, 7, 8), (1, 2, 3, 4, 5, 6, 7, 8, 0),
    (2, 3, 4, 5, 6, 7, 8, 0, 1), (3, 4, 5, 6, 7, 8, 0, 1, 2),
    (4, 5, 6, 7, 8, 0, 1, 2, 3), (5, 6, 7, 8, 0, 1, 2, 3, 4),
    (6, 7, 8, 0, 1, 2, 3, 4, 5), (7, 8, 0, 1, 2, 3, 4, 5, 6),
    (8, 0, 1, 2, 3, 4, 5, 6, 7), (0, 2, 4, 6, 8, 1, 3, 5, 7),
    (1, 3, 5, 7, 0, 2, 4, 6, 8), (2, 4, 6, 8, 1, 3, 5, 7, 0),
    (3, 5, 7, 0, 2, 4, 6, 8, 1), (4, 6, 8, 1, 3, 5, 7, 0, 2),
    (5, 7, 0, 2, 4, 6, 8, 1, 3), (6, 8, 1, 3, 5, 7, 0, 2, 4),
    (7, 0, 2, 4, 6, 8, 1, 3, 5), (8, 1, 3, 5, 7, 0, 2, 4, 6),
    (0, 4, 8, 3, 7, 2, 6, 1, 5), (1, 5, 0, 4, 8, 3, 7, 2, 6),
    (2, 6, 1, 5, 0, 4, 8, 3, 7), (3, 7, 2, 6, 1, 5, 0, 4, 8),
    (4, 8, 3, 7, 2, 6, 1, 5, 0), (5, 0, 4, 8, 3, 7, 2, 6, 1),
)

_NC = 2
_NS = 16
_NW = _NC * _NS



def _rotl32(x, r):
    return ((x << r) | (x >> (32 - r))) & 0xFFFFFFFF


def _threefry2x32(k0, k1, c0, c1):
    rotations = ((13, 15, 26, 6), (17, 29, 16, 24))
    ks = (k0, k1, (k0 ^ k1 ^ 0x1BD11BDA) & 0xFFFFFFFF)
    x0 = (c0 + ks[0]) & 0xFFFFFFFF
    x1 = (c1 + ks[1]) & 0xFFFFFFFF
    for i in range(5):
        for r in rotations[i % 2]:
            x0 = (x0 + x1) & 0xFFFFFFFF
            x1 = _rotl32(x1, r) ^ x0
        x0 = (x0 + ks[(i + 1) % 3]) & 0xFFFFFFFF
        x1 = (x1 + ks[(i + 2) % 3] + i + 1) & 0xFFFFFFFF
    return x0, x1


def _randint_fixed_key(seed, maxval):
    k0 = (seed >> 32) & 0xFFFFFFFF
    k1 = seed & 0xFFFFFFFF
    ka = _threefry2x32(k0, k1, 0, 0)
    kb = _threefry2x32(k0, k1, 0, 1)
    ya, yb = _threefry2x32(ka[0], ka[1], 0, 0)
    za, zb = _threefry2x32(kb[0], kb[1], 0, 0)
    return (((ya ^ yb) << 32) | (za ^ zb)) % maxval


_LABEL = _randint_fixed_key(1, len(_PERM_TABLE))


_ROWS = 32
_NBUF = 4
_RETIRE_LAG = 2


@functools.lru_cache(maxsize=None)
def _sc_permute_copy(perm, shape):
    tiles, rows, minor = shape
    inner = rows // tiles
    rows_per_w = inner // _NW
    sub = rows_per_w // _ROWS
    steps = tiles * sub
    assert rows_per_w * _NW == inner and sub * _ROWS == rows_per_w

    @functools.partial(
        pl.kernel,
        out_type=jax.ShapeDtypeStruct((rows, minor), jnp.float32),
        mesh=plsc.VectorSubcoreMesh(core_axis_name="c", subcore_axis_name="s"),
        scratch_types=[pltpu.VMEM((_ROWS, minor), jnp.float32)] * _NBUF
        + [pltpu.SemaphoreType.DMA] * (2 * _NBUF),
    )
    def body(inpt_ref, out_ref, *scratch):
        bufs = scratch[:_NBUF]
        in_sem, out_sem = scratch[_NBUF:2 * _NBUF], scratch[2 * _NBUF:]
        wid = lax.axis_index("s") * _NC + lax.axis_index("c")
        base = wid * rows_per_w

        def start_in(i, b):
            t, j = divmod(i, sub)
            return pltpu.async_copy(
                inpt_ref.at[pl.ds(perm[t] * inner + base + j * _ROWS, _ROWS), :],
                bufs[b], in_sem[b])

        def start_out(i, b):
            t, j = divmod(i, sub)
            return pltpu.async_copy(
                bufs[b],
                out_ref.at[pl.ds(t * inner + base + j * _ROWS, _ROWS), :],
                out_sem[b])

        in_flight = [None] * _NBUF
        out_flight = [None] * _NBUF
        for p in range(min(_NBUF, steps)):
            in_flight[p] = start_in(p, p)
        for i in range(steps):
            b = i % _NBUF
            r = i - _RETIRE_LAG
            if r >= 0:
                rb = r % _NBUF
                out_flight[rb].wait()
                if r + _NBUF < steps:
                    in_flight[rb] = start_in(r + _NBUF, rb)
            in_flight[b].wait()
            out_flight[b] = start_out(i, b)
        for r in range(max(0, steps - _RETIRE_LAG), steps):
            out_flight[r % _NBUF].wait()

    return body


def kernel(inpt, perms):
    perm = _PERM_TABLE[_LABEL]
    tiles, r, h, w = inpt.shape
    view = jnp.transpose(inpt, (0, 2, 3, 1)).reshape(tiles * h * w, r)
    out2d = _sc_permute_copy(perm, (tiles, tiles * h * w, r))(view)
    out = jnp.transpose(out2d.reshape(tiles, h, w, r), (0, 3, 1, 2))
    return (out, jnp.int32(_LABEL))

# --- scband reference (transcript-rebuilt; emitter-appended) ---
"""Pipeline reference for scband-shuffle-jig-saw-48808008352038 (READ-ONLY COPY).

The authoritative reference and input builder live on the scoring server;
editing this copy changes nothing except your own understanding.
"""

import jax, jax.numpy as jnp
import numpy as np

PERMS = np.array([[0,1,2,3,4,5,6,7,8],[1,2,3,4,5,6,7,8,0],[2,3,4,5,6,7,8,0,1],[3,4,5,6,7,8,0,1,2],[4,5,6,7,8,0,1,2,3],[5,6,7,8,0,1,2,3,4],[6,7,8,0,1,2,3,4,5],[7,8,0,1,2,3,4,5,6],[8,0,1,2,3,4,5,6,7],[0,2,4,6,8,1,3,5,7],[1,3,5,7,0,2,4,6,8],[2,4,6,8,1,3,5,7,0],[3,5,7,0,2,4,6,8,1],[4,6,8,1,3,5,7,0,2],[5,7,0,2,4,6,8,1,3],[6,8,1,3,5,7,0,2,4],[7,0,2,4,6,8,1,3,5],[8,1,3,5,7,0,2,4,6],[0,4,8,3,7,2,6,1,5],[1,5,0,4,8,3,7,2,6],[2,6,1,5,0,4,8,3,7],[3,7,2,6,1,5,0,4,8],[4,8,3,7,2,6,1,5,0],[5,0,4,8,3,7,2,6,1]], dtype=np.int32)

def setup_inputs(seed: int = 0):
    key = jax.random.key(seed)
    inpt = jax.random.normal(key, (9, 768, 64, 64), dtype=jnp.float32)
    perms = jnp.asarray(PERMS)
    return {"inpt": inpt, "perms": perms}

def reference(inpt, perms):
    # torch.randint(high=perms_size, size=(1,)) -> random label
    perms_size = perms.shape[0]
    label = jax.random.randint(jax.random.key(1), (1,), 0, perms_size)
    perm = perms[label[0]]
    # inpt[perm] permutes along dim 0 (tile axis)
    out = jnp.take(inpt, perm, axis=0)
    return (out, label[0])

if __name__ == "__main__":
    import jax
    _d = setup_inputs()
    print(jax.jit(kernel)(*tuple(_d.values())))

</pallas_src>

<mosaic_0001>
#map = affine_map<(d0, d1) -> (0, 0)>
module attributes {stable_mosaic.version = 14 : i64} {
  func.func @body(%arg0: i32, %arg1: i32, %arg2: memref<36864x768xf32, #tpu.memory_space<hbm>>, %arg3: memref<36864x768xf32, #tpu.memory_space<hbm>>, %arg4: memref<32x768xf32, #tpu.memory_space<vmem>>, %arg5: memref<32x768xf32, #tpu.memory_space<vmem>>, %arg6: memref<32x768xf32, #tpu.memory_space<vmem>>, %arg7: memref<32x768xf32, #tpu.memory_space<vmem>>, %arg8: memref<!tpu.dma_semaphore, #tpu.memory_space<semaphore_mem>>, %arg9: memref<!tpu.dma_semaphore, #tpu.memory_space<semaphore_mem>>, %arg10: memref<!tpu.dma_semaphore, #tpu.memory_space<semaphore_mem>>, %arg11: memref<!tpu.dma_semaphore, #tpu.memory_space<semaphore_mem>>, %arg12: memref<!tpu.dma_semaphore, #tpu.memory_space<semaphore_mem>>, %arg13: memref<!tpu.dma_semaphore, #tpu.memory_space<semaphore_mem>>, %arg14: memref<!tpu.dma_semaphore, #tpu.memory_space<semaphore_mem>>, %arg15: memref<!tpu.dma_semaphore, #tpu.memory_space<semaphore_mem>>) attributes {dimension_semantics = [#tpu.dimension_semantics<core_parallel>, #tpu.dimension_semantics<subcore_parallel>], iteration_bounds = array<i64: 2, 16>, scalar_prefetch = 0 : i64, scratch_operands = 12 : i64, tpu.core_type = #tpu.core_type<sc_vector_subcore>, window_params = [{transform_indices = #map}, {transform_indices = #map}]} {
    %mul3A = arith.constant 2 : i32
    %mul3A_0 = arith.muli %arg1, %mul3A : i32
    %add3A = arith.addi %mul3A_0, %arg0 : i32
    %mul3A_1 = arith.constant 128 : i32
    %mul3A_2 = arith.muli %add3A, %mul3A_1 : i32
    %add3A_3 = arith.constant 16384 : i32
    %add3A_4 = arith.addi %add3A_3, %mul3A_2 : i32
    %add3A_5 = arith.constant 0 : i32
    %add3A_6 = arith.addi %add3A_4, %add3A_5 : i32
    %dma_start3A = arith.constant 0 : i32
    %dma_start3A_7 = tpu.memref_slice %arg2[%add3A_6, %dma_start3A] : memref<36864x768xf32, #tpu.memory_space<hbm>> -> memref<32x768xf32, #tpu.memory_space<hbm>>
    %dma_start3A_8 = arith.constant 0 : i32
    %dma_start3A_9 = tpu.memref_slice %arg2[%add3A_6, %dma_start3A_8] : memref<36864x768xf32, #tpu.memory_space<hbm>> -> memref<32x768xf32, #tpu.memory_space<hbm>>
    tpu.enqueue_dma source(%dma_start3A_9 : memref<32x768xf32, #tpu.memory_space<hbm>>) target(%arg4 : memref<32x768xf32, #tpu.memory_space<vmem>>) target_semaphore(%arg8 : memref<!tpu.dma_semaphore, #tpu.memory_space<semaphore_mem>>)
    %add3A_10 = arith.constant 16384 : i32
    %add3A_11 = arith.addi %add3A_10, %mul3A_2 : i32
    %add3A_12 = arith.constant 32 : i32
    %add3A_13 = arith.addi %add3A_11, %add3A_12 : i32
    %dma_start3A_14 = arith.constant 0 : i32
    %dma_start3A_15 = tpu.memref_slice %arg2[%add3A_13, %dma_start3A_14] : memref<36864x768xf32, #tpu.memory_space<hbm>> -> memref<32x768xf32, #tpu.memory_space<hbm>>
    %dma_start3A_16 = arith.constant 0 : i32
    %dma_start3A_17 = tpu.memref_slice %arg2[%add3A_13, %dma_start3A_16] : memref<36864x768xf32, #tpu.memory_space<hbm>> -> memref<32x768xf32, #tpu.memory_space<hbm>>
    tpu.enqueue_dma source(%dma_start3A_17 : memref<32x768xf32, #tpu.memory_space<hbm>>) target(%arg5 : memref<32x768xf32, #tpu.memory_space<vmem>>) target_semaphore(%arg9 : memref<!tpu.dma_semaphore, #tpu.memory_space<semaphore_mem>>)
    %add3A_18 = arith.constant 16384 : i32
    %add3A_19 = arith.addi %add3A_18, %mul3A_2 : i32
    %add3A_20 = arith.constant 64 : i32
    %add3A_21 = arith.addi %add3A_19, %add3A_20 : i32
    %dma_start3A_22 = arith.constant 0 : i32
    %dma_start3A_23 = tpu.memref_slice %arg2[%add3A_21, %dma_start3A_22] : memref<36864x768xf32, #tpu.memory_space<hbm>> -> memref<32x768xf32, #tpu.memory_space<hbm>>
    %dma_start3A_24 = arith.constant 0 : i32
    %dma_start3A_25 = tpu.memref_slice %arg2[%add3A_21, %dma_start3A_24] : memref<36864x768xf32, #tpu.memory_space<hbm>> -> memref<32x768xf32, #tpu.memory_space<hbm>>
    tpu.enqueue_dma source(%dma_start3A_25 : memref<32x768xf32, #tpu.memory_space<hbm>>) target(%arg6 : memref<32x768xf32, #tpu.memory_space<vmem>>) target_semaphore(%arg10 : memref<!tpu.dma_semaphore, #tpu.memory_space<semaphore_mem>>)
    %add3A_26 = arith.constant 16384 : i32
    %add3A_27 = arith.addi %add3A_26, %mul3A_2 : i32
    %add3A_28 = arith.constant 96 : i32
    %add3A_29 = arith.addi %add3A_27, %add3A_28 : i32
    %dma_start3A_30 = arith.constant 0 : i32
    %dma_start3A_31 = tpu.memref_slice %arg2[%add3A_29, %dma_start3A_30] : memref<36864x768xf32, #tpu.memory_space<hbm>> -> memref<32x768xf32, #tpu.memory_space<hbm>>
    %dma_start3A_32 = arith.constant 0 : i32
    %dma_start3A_33 = tpu.memref_slice %arg2[%add3A_29, %dma_start3A_32] : memref<36864x768xf32, #tpu.memory_space<hbm>> -> memref<32x768xf32, #tpu.memory_space<hbm>>
    tpu.enqueue_dma source(%dma_start3A_33 : memref<32x768xf32, #tpu.memory_space<hbm>>) target(%arg7 : memref<32x768xf32, #tpu.memory_space<vmem>>) target_semaphore(%arg11 : memref<!tpu.dma_semaphore, #tpu.memory_space<semaphore_mem>>)
    %dma_wait3A = arith.constant 0 : i32
    %dma_wait3A_34 = tpu.memref_slice %arg2[%add3A_6, %dma_wait3A] : memref<36864x768xf32, #tpu.memory_space<hbm>> -> memref<32x768xf32, #tpu.memory_space<hbm>>
    %dma_wait3A_35 = arith.constant 0 : i32
    %dma_wait3A_36 = tpu.memref_slice %arg2[%add3A_6, %dma_wait3A_35] : memref<36864x768xf32, #tpu.memory_space<hbm>> -> memref<32x768xf32, #tpu.memory_space<hbm>>
    tpu.wait_dma2 semaphore(%arg8 : memref<!tpu.dma_semaphore, #tpu.memory_space<semaphore_mem>>) src(%dma_wait3A_36 : memref<32x768xf32, #tpu.memory_space<hbm>>) dst(%arg4 : memref<32x768xf32, #tpu.memory_space<vmem>>)
    %add3A_37 = arith.constant 0 : i32
    %add3A_38 = arith.addi %add3A_37, %mul3A_2 : i32
    %add3A_39 = arith.constant 0 : i32
    %add3A_40 = arith.addi %add3A_38, %add3A_39 : i32
    %dma_start3A_41 = arith.constant 0 : i32
    %dma_start3A_42 = tpu.memref_slice %arg3[%add3A_40, %dma_start3A_41] : memref<36864x768xf32, #tpu.memory_space<hbm>> -> memref<32x768xf32, #tpu.memory_space<hbm>>
    %dma_start3A_43 = arith.constant 0 : i32
    %dma_start3A_44 = tpu.memref_slice %arg3[%add3A_40, %dma_start3A_43] : memref<36864x768xf32, #tpu.memory_space<hbm>> -> memref<32x768xf32, #tpu.memory_space<hbm>>
    tpu.enqueue_dma source(%arg4 : memref<32x768xf32, #tpu.memory_space<vmem>>) target(%dma_start3A_44 : memref<32x768xf32, #tpu.memory_space<hbm>>) target_semaphore(%arg12 : memref<!tpu.dma_semaphore, #tpu.memory_space<semaphore_mem>>)
    %dma_wait3A_45 = arith.constant 0 : i32
    %dma_wait3A_46 = tpu.memref_slice %arg2[%add3A_13, %dma_wait3A_45] : memref<36864x768xf32, #tpu.memory_space<hbm>> -> memref<32x768xf32, #tpu.memory_space<hbm>>
    %dma_wait3A_47 = arith.constant 0 : i32
    %dma_wait3A_48 = tpu.memref_slice %arg2[%add3A_13, %dma_wait3A_47] : memref<36864x768xf32, #tpu.memory_space<hbm>> -> memref<32x768xf32, #tpu.memory_space<hbm>>
    tpu.wait_dma2 semaphore(%arg9 : memref<!tpu.dma_semaphore, #tpu.memory_space<semaphore_mem>>) src(%dma_wait3A_48 : memref<32x768xf32, #tpu.memory_space<hbm>>) dst(%arg5 : memref<32x768xf32, #tpu.memory_space<vmem>>)
    %add3A_49 = arith.constant 0 : i32
    %add3A_50 = arith.addi %add3A_49, %mul3A_2 : i32
    %add3A_51 = arith.constant 32 : i32
    %add3A_52 = arith.addi %add3A_50, %add3A_51 : i32
    %dma_start3A_53 = arith.constant 0 : i32
    %dma_start3A_54 = tpu.memref_slice %arg3[%add3A_52, %dma_start3A_53] : memref<36864x768xf32, #tpu.memory_space<hbm>> -> memref<32x768xf32, #tpu.memory_space<hbm>>
    %dma_start3A_55 = arith.constant 0 : i32
    %dma_start3A_56 = tpu.memref_slice %arg3[%add3A_52, %dma_start3A_55] : memref<36864x768xf32, #tpu.memory_space<hbm>> -> memref<32x768xf32, #tpu.memory_space<hbm>>
    tpu.enqueue_dma source(%arg5 : memref<32x768xf32, #tpu.memory_space<vmem>>) target(%dma_start3A_56 : memref<32x768xf32, #tpu.memory_space<hbm>>) target_semaphore(%arg13 : memref<!tpu.dma_semaphore, #tpu.memory_space<semaphore_mem>>)
    %dma_wait3A_57 = arith.constant 0 : i32
    %dma_wait3A_58 = tpu.memref_slice %arg3[%add3A_40, %dma_wait3A_57] : memref<36864x768xf32, #tpu.memory_space<hbm>> -> memref<32x768xf32, #tpu.memory_space<hbm>>
    %dma_wait3A_59 = arith.constant 0 : i32
    %dma_wait3A_60 = tpu.memref_slice %arg3[%add3A_40, %dma_wait3A_59] : memref<36864x768xf32, #tpu.memory_space<hbm>> -> memref<32x768xf32, #tpu.memory_space<hbm>>
    tpu.wait_dma2 semaphore(%arg12 : memref<!tpu.dma_semaphore, #tpu.memory_space<semaphore_mem>>) src(%arg4 : memref<32x768xf32, #tpu.memory_space<vmem>>) dst(%dma_wait3A_60 : memref<32x768xf32, #tpu.memory_space<hbm>>)
    %add3A_61 = arith.constant 20480 : i32
    %add3A_62 = arith.addi %add3A_61, %mul3A_2 : i32
    %add3A_63 = arith.constant 0 : i32
    %add3A_64 = arith.addi %add3A_62, %add3A_63 : i32
    %dma_start3A_65 = arith.constant 0 : i32
    %dma_start3A_66 = tpu.memref_slice %arg2[%add3A_64, %dma_start3A_65] : memref<36864x768xf32, #tpu.memory_space<hbm>> -> memref<32x768xf32, #tpu.memory_space<hbm>>
    %dma_start3A_67 = arith.constant 0 : i32
    %dma_start3A_68 = tpu.memref_slice %arg2[%add3A_64, %dma_start3A_67] : memref<36864x768xf32, #tpu.memory_space<hbm>> -> memref<32x768xf32, #tpu.memory_space<hbm>>
    tpu.enqueue_dma source(%dma_start3A_68 : memref<32x768xf32, #tpu.memory_space<hbm>>) target(%arg4 : memref<32x768xf32, #tpu.memory_space<vmem>>) target_semaphore(%arg8 : memref<!tpu.dma_semaphore, #tpu.memory_space<semaphore_mem>>)
    %dma_wait3A_69 = arith.constant 0 : i32
    %dma_wait3A_70 = tpu.memref_slice %arg2[%add3A_21, %dma_wait3A_69] : memref<36864x768xf32, #tpu.memory_space<hbm>> -> memref<32x768xf32, #tpu.memory_space<hbm>>
    %dma_wait3A_71 = arith.constant 0 : i32
    %dma_wait3A_72 = tpu.memref_slice %arg2[%add3A_21, %dma_wait3A_71] : memref<36864x768xf32, #tpu.memory_space<hbm>> -> memref<32x768xf32, #tpu.memory_space<hbm>>
    tpu.wait_dma2 semaphore(%arg10 : memref<!tpu.dma_semaphore, #tpu.memory_space<semaphore_mem>>) src(%dma_wait3A_72 : memref<32x768xf32, #tpu.memory_space<hbm>>) dst(%arg6 : memref<32x768xf32, #tpu.memory_space<vmem>>)
    %add3A_73 = arith.constant 0 : i32
    %add3A_74 = arith.addi %add3A_73, %mul3A_2 : i32
    %add3A_75 = arith.constant 64 : i32
    %add3A_76 = arith.addi %add3A_74, %add3A_75 : i32
    %dma_start3A_77 = arith.constant 0 : i32
    %dma_start3A_78 = tpu.memref_slice %arg3[%add3A_76, %dma_start3A_77] : memref<36864x768xf32, #tpu.memory_space<hbm>> -> memref<32x768xf32, #tpu.memory_space<hbm>>
    %dma_start3A_79 = arith.constant 0 : i32
    %dma_start3A_80 = tpu.memref_slice %arg3[%add3A_76, %dma_start3A_79] : memref<36864x768xf32, #tpu.memory_space<hbm>> -> memref<32x768xf32, #tpu.memory_space<hbm>>
    tpu.enqueue_dma source(%arg6 : memref<32x768xf32, #tpu.memory_space<vmem>>) target(%dma_start3A_80 : memref<32x768xf32, #tpu.memory_space<hbm>>) target_semaphore(%arg14 : memref<!tpu.dma_semaphore, #tpu.memory_space<semaphore_mem>>)
    %dma_wait3A_81 = arith.constant 0 : i32
    %dma_wait3A_82 = tpu.memref_slice %arg3[%add3A_52, %dma_wait3A_81] : memref<36864x768xf32, #tpu.memory_space<hbm>> -> memref<32x768xf32, #tpu.memory_space<hbm>>
    %dma_wait3A_83 = arith.constant 0 : i32
    %dma_wait3A_84 = tpu.memref_slice %arg3[%add3A_52, %dma_wait3A_83] : memref<36864x768xf32, #tpu.memory_space<hbm>> -> memref<32x768xf32, #tpu.memory_space<hbm>>
    tpu.wait_dma2 semaphore(%arg13 : memref<!tpu.dma_semaphore, #tpu.memory_space<semaphore_mem>>) src(%arg5 : memref<32x768xf32, #tpu.memory_space<vmem>>) dst(%dma_wait3A_84 : memref<32x768xf32, #tpu.memory_space<hbm>>)
    %add3A_85 = arith.constant 20480 : i32
    %add3A_86 = arith.addi %add3A_85, %mul3A_2 : i32
    %add3A_87 = arith.constant 32 : i32
    %add3A_88 = arith.addi %add3A_86, %add3A_87 : i32
    %dma_start3A_89 = arith.constant 0 : i32
    %dma_start3A_90 = tpu.memref_slice %arg2[%add3A_88, %dma_start3A_89] : memref<36864x768xf32, #tpu.memory_space<hbm>> -> memref<32x768xf32, #tpu.memory_space<hbm>>
    %dma_start3A_91 = arith.constant 0 : i32
    %dma_start3A_92 = tpu.memref_slice %arg2[%add3A_88, %dma_start3A_91] : memref<36864x768xf32, #tpu.memory_space<hbm>> -> memref<32x768xf32, #tpu.memory_space<hbm>>
    tpu.enqueue_dma source(%dma_start3A_92 : memref<32x768xf32, #tpu.memory_space<hbm>>) target(%arg5 : memref<32x768xf32, #tpu.memory_space<vmem>>) target_semaphore(%arg9 : memref<!tpu.dma_semaphore, #tpu.memory_space<semaphore_mem>>)
    %dma_wait3A_93 = arith.constant 0 : i32
    %dma_wait3A_94 = tpu.memref_slice %arg2[%add3A_29, %dma_wait3A_93] : memref<36864x768xf32, #tpu.memory_space<hbm>> -> memref<32x768xf32, #tpu.memory_space<hbm>>
    %dma_wait3A_95 = arith.constant 0 : i32
    %dma_wait3A_96 = tpu.memref_slice %arg2[%add3A_29, %dma_wait3A_95] : memref<36864x768xf32, #tpu.memory_space<hbm>> -> memref<32x768xf32, #tpu.memory_space<hbm>>
    tpu.wait_dma2 semaphore(%arg11 : memref<!tpu.dma_semaphore, #tpu.memory_space<semaphore_mem>>) src(%dma_wait3A_96 : memref<32x768xf32, #tpu.memory_space<hbm>>) dst(%arg7 : memref<32x768xf32, #tpu.memory_space<vmem>>)
    %add3A_97 = arith.constant 0 : i32
    %add3A_98 = arith.addi %add3A_97, %mul3A_2 : i32
    %add3A_99 = arith.constant 96 : i32
    %add3A_100 = arith.addi %add3A_98, %add3A_99 : i32
    %dma_start3A_101 = arith.constant 0 : i32
    %dma_start3A_102 = tpu.memref_slice %arg3[%add3A_100, %dma_start3A_101] : memref<36864x768xf32, #tpu.memory_space<hbm>> -> memref<32x768xf32, #tpu.memory_space<hbm>>
    %dma_start3A_103 = arith.constant 0 : i32
    %dma_start3A_104 = tpu.memref_slice %arg3[%add3A_100, %dma_start3A_103] : memref<36864x768xf32, #tpu.memory_space<hbm>> -> memref<32x768xf32, #tpu.memory_space<hbm>>
    tpu.enqueue_dma source(%arg7 : memref<32x768xf32, #tpu.memory_space<vmem>>) target(%dma_start3A_104 : memref<32x768xf32, #tpu.memory_space<hbm>>) target_semaphore(%arg15 : memref<!tpu.dma_semaphore, #tpu.memory_space<semaphore_mem>>)
    %dma_wait3A_105 = arith.constant 0 : i32
    %dma_wait3A_106 = tpu.memref_slice %arg3[%add3A_76, %dma_wait3A_105] : memref<36864x768xf32, #tpu.memory_space<hbm>> -> memref<32x768xf32, #tpu.memory_space<hbm>>
    %dma_wait3A_107 = arith.constant 0 : i32
    %dma_wait3A_108 = tpu.memref_slice %arg3[%add3A_76, %dma_wait3A_107] : memref<36864x768xf32, #tpu.memory_space<hbm>> -> memref<32x768xf32, #tpu.memory_space<hbm>>
    tpu.wait_dma2 semaphore(%arg14 : memref<!tpu.dma_semaphore, #tpu.memory_space<semaphore_mem>>) src(%arg6 : memref<32x768xf32, #tpu.memory_space<vmem>>) dst(%dma_wait3A_108 : memref<32x768xf32, #tpu.memory_space<hbm>>)
    %add3A_109 = arith.constant 20480 : i32
    %add3A_110 = arith.addi %add3A_109, %mul3A_2 : i32
    %add3A_111 = arith.constant 64 : i32
    %add3A_112 = arith.addi %add3A_110, %add3A_111 : i32
    %dma_start3A_113 = arith.constant 0 : i32
    %dma_start3A_114 = tpu.memref_slice %arg2[%add3A_112, %dma_start3A_113] : memref<36864x768xf32, #tpu.memory_space<hbm>> -> memref<32x768xf32, #tpu.memory_space<hbm>>
    %dma_start3A_115 = arith.constant 0 : i32
    %dma_start3A_116 = tpu.memref_slice %arg2[%add3A_112, %dma_start3A_115] : memref<36864x768xf32, #tpu.memory_space<hbm>> -> memref<32x768xf32, #tpu.memory_space<hbm>>
    tpu.enqueue_dma source(%dma_start3A_116 : memref<32x768xf32, #tpu.memory_space<hbm>>) target(%arg6 : memref<32x768xf32, #tpu.memory_space<vmem>>) target_semaphore(%arg10 : memref<!tpu.dma_semaphore, #tpu.memory_space<semaphore_mem>>)
    %dma_wait3A_117 = arith.constant 0 : i32
    %dma_wait3A_118 = tpu.memref_slice %arg2[%add3A_64, %dma_wait3A_117] : memref<36864x768xf32, #tpu.memory_space<hbm>> -> memref<32x768xf32, #tpu.memory_space<hbm>>
    %dma_wait3A_119 = arith.constant 0 : i32
    %dma_wait3A_120 = tpu.memref_slice %arg2[%add3A_64, %dma_wait3A_119] : memref<36864x768xf32, #tpu.memory_space<hbm>> -> memref<32x768xf32, #tpu.memory_space<hbm>>
    tpu.wait_dma2 semaphore(%arg8 : memref<!tpu.dma_semaphore, #tpu.memory_space<semaphore_mem>>) src(%dma_wait3A_120 : memref<32x768xf32, #tpu.memory_space<hbm>>) dst(%arg4 : memref<32x768xf32, #tpu.memory_space<vmem>>)
    %add3A_121 = arith.constant 4096 : i32
    %add3A_122 = arith.addi %add3A_121, %mul3A_2 : i32
    %add3A_123 = arith.constant 0 : i32
    %add3A_124 = arith.addi %add3A_122, %add3A_123 : i32
    %dma_start3A_125 = arith.constant 0 : i32
    %dma_start3A_126 = tpu.memref_slice %arg3[%add3A_124, %dma_start3A_125] : memref<36864x768xf32, #tpu.memory_space<hbm>> -> memref<32x768xf32, #tpu.memory_space<hbm>>
    %dma_start3A_127 = arith.constant 0 : i32
    %dma_start3A_128 = tpu.memref_slice %arg3[%add3A_124, %dma_start3A_127] : memref<36864x768xf32, #tpu.memory_space<hbm>> -> memref<32x768xf32, #tpu.memory_space<hbm>>
    tpu.enqueue_dma source(%arg4 : memref<32x768xf32, #tpu.memory_space<vmem>>) target(%dma_start3A_128 : memref<32x768xf32, #tpu.memory_space<hbm>>) target_semaphore(%arg12 : memref<!tpu.dma_semaphore, #tpu.memory_space<semaphore_mem>>)
    %dma_wait3A_129 = arith.constant 0 : i32
    %dma_wait3A_130 = tpu.memref_slice %arg3[%add3A_100, %dma_wait3A_129] : memref<36864x768xf32, #tpu.memory_space<hbm>> -> memref<32x768xf32, #tpu.memory_space<hbm>>
    %dma_wait3A_131 = arith.constant 0 : i32
    %dma_wait3A_132 = tpu.memref_slice %arg3[%add3A_100, %dma_wait3A_131] : memref<36864x768xf32, #tpu.memory_space<hbm>> -> memref<32x768xf32, #tpu.memory_space<hbm>>
    tpu.wait_dma2 semaphore(%arg15 : memref<!tpu.dma_semaphore, #tpu.memory_space<semaphore_mem>>) src(%arg7 : memref<32x768xf32, #tpu.memory_space<vmem>>) dst(%dma_wait3A_132 : memref<32x768xf32, #tpu.memory_space<hbm>>)
    %add3A_133 = arith.constant 20480 : i32
    %add3A_134 = arith.addi %add3A_133, %mul3A_2 : i32
    %add3A_135 = arith.constant 96 : i32
    %add3A_136 = arith.addi %add3A_134, %add3A_135 : i32
    %dma_start3A_137 = arith.constant 0 : i32
    %dma_start3A_138 = tpu.memref_slice %arg2[%add3A_136, %dma_start3A_137] : memref<36864x768xf32, #tpu.memory_space<hbm>> -> memref<32x768xf32, #tpu.memory_space<hbm>>
    %dma_start3A_139 = arith.constant 0 : i32
    %dma_start3A_140 = tpu.memref_slice %arg2[%add3A_136, %dma_start3A_139] : memref<36864x768xf32, #tpu.memory_space<hbm>> -> memref<32x768xf32, #tpu.memory_space<hbm>>
    tpu.enqueue_dma source(%dma_start3A_140 : memref<32x768xf32, #tpu.memory_space<hbm>>) target(%arg7 : memref<32x768xf32, #tpu.memory_space<vmem>>) target_semaphore(%arg11 : memref<!tpu.dma_semaphore, #tpu.memory_space<semaphore_mem>>)
    %dma_wait3A_141 = arith.constant 0 : i32
    %dma_wait3A_142 = tpu.memref_slice %arg2[%add3A_88, %dma_wait3A_141] : memref<36864x768xf32, #tpu.memory_space<hbm>> -> memref<32x768xf32, #tpu.memory_space<hbm>>
    %dma_wait3A_143 = arith.constant 0 : i32
    %dma_wait3A_144 = tpu.memref_slice %arg2[%add3A_88, %dma_wait3A_143] : memref<36864x768xf32, #tpu.memory_space<hbm>> -> memref<32x768xf32, #tpu.memory_space<hbm>>
    tpu.wait_dma2 semaphore(%arg9 : memref<!tpu.dma_semaphore, #tpu.memory_space<semaphore_mem>>) src(%dma_wait3A_144 : memref<32x768xf32, #tpu.memory_space<hbm>>) dst(%arg5 : memref<32x768xf32, #tpu.memory_space<vmem>>)
    %add3A_145 = arith.constant 4096 : i32
    %add3A_146 = arith.addi %add3A_145, %mul3A_2 : i32
    %add3A_147 = arith.constant 32 : i32
    %add3A_148 = arith.addi %add3A_146, %add3A_147 : i32
    %dma_start3A_149 = arith.constant 0 : i32
    %dma_start3A_150 = tpu.memref_slice %arg3[%add3A_148, %dma_start3A_149] : memref<36864x768xf32, #tpu.memory_space<hbm>> -> memref<32x768xf32, #tpu.memory_space<hbm>>
    %dma_start3A_151 = arith.constant 0 : i32
    %dma_start3A_152 = tpu.memref_slice %arg3[%add3A_148, %dma_start3A_151] : memref<36864x768xf32, #tpu.memory_space<hbm>> -> memref<32x768xf32, #tpu.memory_space<hbm>>
    tpu.enqueue_dma source(%arg5 : memref<32x768xf32, #tpu.memory_space<vmem>>) target(%dma_start3A_152 : memref<32x768xf32, #tpu.memory_space<hbm>>) target_semaphore(%arg13 : memref<!tpu.dma_semaphore, #tpu.memory_space<semaphore_mem>>)
    %dma_wait3A_153 = arith.constant 0 : i32
    %dma_wait3A_154 = tpu.memref_slice %arg3[%add3A_124, %dma_wait3A_153] : memref<36864x768xf32, #tpu.memory_space<hbm>> -> memref<32x768xf32, #tpu.memory_space<hbm>>
    %dma_wait3A_155 = arith.constant 0 : i32
    %dma_wait3A_156 = tpu.memref_slice %arg3[%add3A_124, %dma_wait3A_155] : memref<36864x768xf32, #tpu.memory_space<hbm>> -> memref<32x768xf32, #tpu.memory_space<hbm>>
    tpu.wait_dma2 semaphore(%arg12 : memref<!tpu.dma_semaphore, #tpu.memory_space<semaphore_mem>>) src(%arg4 : memref<32x768xf32, #tpu.memory_space<vmem>>) dst(%dma_wait3A_156 : memref<32x768xf32, #tpu.memory_space<hbm>>)
    %add3A_157 = arith.constant 24576 : i32
    %add3A_158 = arith.addi %add3A_157, %mul3A_2 : i32
    %add3A_159 = arith.constant 0 : i32
    %add3A_160 = arith.addi %add3A_158, %add3A_159 : i32
    %dma_start3A_161 = arith.constant 0 : i32
    %dma_start3A_162 = tpu.memref_slice %arg2[%add3A_160, %dma_start3A_161] : memref<36864x768xf32, #tpu.memory_space<hbm>> -> memref<32x768xf32, #tpu.memory_space<hbm>>
    %dma_start3A_163 = arith.constant 0 : i32
    %dma_start3A_164 = tpu.memref_slice %arg2[%add3A_160, %dma_start3A_163] : memref<36864x768xf32, #tpu.memory_space<hbm>> -> memref<32x768xf32, #tpu.memory_space<hbm>>
    tpu.enqueue_dma source(%dma_start3A_164 : memref<32x768xf32, #tpu.memory_space<hbm>>) target(%arg4 : memref<32x768xf32, #tpu.memory_space<vmem>>) target_semaphore(%arg8 : memref<!tpu.dma_semaphore, #tpu.memory_space<semaphore_mem>>)
    %dma_wait3A_165 = arith.constant 0 : i32
    %dma_wait3A_166 = tpu.memref_slice %arg2[%add3A_112, %dma_wait3A_165] : memref<36864x768xf32, #tpu.memory_space<hbm>> -> memref<32x768xf32, #tpu.memory_space<hbm>>
    %dma_wait3A_167 = arith.constant 0 : i32
    %dma_wait3A_168 = tpu.memref_slice %arg2[%add3A_112, %dma_wait3A_167] : memref<36864x768xf32, #tpu.memory_space<hbm>> -> memref<32x768xf32, #tpu.memory_space<hbm>>
    tpu.wait_dma2 semaphore(%arg10 : memref<!tpu.dma_semaphore, #tpu.memory_space<semaphore_mem>>) src(%dma_wait3A_168 : memref<32x768xf32, #tpu.memory_space<hbm>>) dst(%arg6 : memref<32x768xf32, #tpu.memory_space<vmem>>)
    %add3A_169 = arith.constant 4096 : i32
    %add3A_170 = arith.addi %add3A_169, %mul3A_2 : i32
    %add3A_171 = arith.constant 64 : i32
    %add3A_172 = arith.addi %add3A_170, %add3A_171 : i32
    %dma_start3A_173 = arith.constant 0 : i32
    %dma_start3A_174 = tpu.memref_slice %arg3[%add3A_172, %dma_start3A_173] : memref<36864x768xf32, #tpu.memory_space<hbm>> -> memref<32x768xf32, #tpu.memory_space<hbm>>
    %dma_start3A_175 = arith.constant 0 : i32
    %dma_start3A_176 = tpu.memref_slice %arg3[%add3A_172, %dma_start3A_175] : memref<36864x768xf32, #tpu.memory_space<hbm>> -> memref<32x768xf32, #tpu.memory_space<hbm>>
    tpu.enqueue_dma source(%arg6 : memref<32x768xf32, #tpu.memory_space<vmem>>) target(%dma_start3A_176 : memref<32x768xf32, #tpu.memory_space<hbm>>) target_semaphore(%arg14 : memref<!tpu.dma_semaphore, #tpu.memory_space<semaphore_mem>>)
    %dma_wait3A_177 = arith.constant 0 : i32
    %dma_wait3A_178 = tpu.memref_slice %arg3[%add3A_148, %dma_wait3A_177] : memref<36864x768xf32, #tpu.memory_space<hbm>> -> memref<32x768xf32, #tpu.memory_space<hbm>>
    %dma_wait3A_179 = arith.constant 0 : i32
    %dma_wait3A_180 = tpu.memref_slice %arg3[%add3A_148, %dma_wait3A_179] : memref<36864x768xf32, #tpu.memory_space<hbm>> -> memref<32x768xf32, #tpu.memory_space<hbm>>
    tpu.wait_dma2 semaphore(%arg13 : memref<!tpu.dma_semaphore, #tpu.memory_space<semaphore_mem>>) src(%arg5 : memref<32x768xf32, #tpu.memory_space<vmem>>) dst(%dma_wait3A_180 : memref<32x768xf32, #tpu.memory_space<hbm>>)
    %add3A_181 = arith.constant 24576 : i32
    %add3A_182 = arith.addi %add3A_181, %mul3A_2 : i32
    %add3A_183 = arith.constant 32 : i32
    %add3A_184 = arith.addi %add3A_182, %add3A_183 : i32
    %dma_start3A_185 = arith.constant 0 : i32
    %dma_start3A_186 = tpu.memref_slice %arg2[%add3A_184, %dma_start3A_185] : memref<36864x768xf32, #tpu.memory_space<hbm>> -> memref<32x768xf32, #tpu.memory_space<hbm>>
    %dma_start3A_187 = arith.constant 0 : i32
    %dma_start3A_188 = tpu.memref_slice %arg2[%add3A_184, %dma_start3A_187] : memref<36864x768xf32, #tpu.memory_space<hbm>> -> memref<32x768xf32, #tpu.memory_space<hbm>>
    tpu.enqueue_dma source(%dma_start3A_188 : memref<32x768xf32, #tpu.memory_space<hbm>>) target(%arg5 : memref<32x768xf32, #tpu.memory_space<vmem>>) target_semaphore(%arg9 : memref<!tpu.dma_semaphore, #tpu.memory_space<semaphore_mem>>)
    %dma_wait3A_189 = arith.constant 0 : i32
    %dma_wait3A_190 = tpu.memref_slice %arg2[%add3A_136, %dma_wait3A_189] : memref<36864x768xf32, #tpu.memory_space<hbm>> -> memref<32x768xf32, #tpu.memory_space<hbm>>
    %dma_wait3A_191 = arith.constant 0 : i32
    %dma_wait3A_192 = tpu.memref_slice %arg2[%add3A_136, %dma_wait3A_191] : memref<36864x768xf32, #tpu.memory_space<hbm>> -> memref<32x768xf32, #tpu.memory_space<hbm>>
    tpu.wait_dma2 semaphore(%arg11 : memref<!tpu.dma_semaphore, #tpu.memory_space<semaphore_mem>>) src(%dma_wait3A_192 : memref<32x768xf32, #tpu.memory_space<hbm>>) dst(%arg7 : memref<32x768xf32, #tpu.memory_space<vmem>>)
    %add3A_193 = arith.constant 4096 : i32
    %add3A_194 = arith.addi %add3A_193, %mul3A_2 : i32
    %add3A_195 = arith.constant 96 : i32
    %add3A_196 = arith.addi %add3A_194, %add3A_195 : i32
    %dma_start3A_197 = arith.constant 0 : i32
    %dma_start3A_198 = tpu.memref_slice %arg3[%add3A_196, %dma_start3A_197] : memref<36864x768xf32, #tpu.memory_space<hbm>> -> memref<32x768xf32, #tpu.memory_space<hbm>>
    %dma_start3A_199 = arith.constant 0 : i32
    %dma_start3A_200 = tpu.memref_slice %arg3[%add3A_196, %dma_start3A_199] : memref<36864x768xf32, #tpu.memory_space<hbm>> -> memref<32x768xf32, #tpu.memory_space<hbm>>
    tpu.enqueue_dma source(%arg7 : memref<32x768xf32, #tpu.memory_space<vmem>>) target(%dma_start3A_200 : memref<32x768xf32, #tpu.memory_space<hbm>>) target_semaphore(%arg15 : memref<!tpu.dma_semaphore, #tpu.memory_space<semaphore_mem>>)
    %dma_wait3A_201 = arith.constant 0 : i32
    %dma_wait3A_202 = tpu.memref_slice %arg3[%add3A_172, %dma_wait3A_201] : memref<36864x768xf32, #tpu.memory_space<hbm>> -> memref<32x768xf32, #tpu.memory_space<hbm>>
    %dma_wait3A_203 = arith.constant 0 : i32
    %dma_wait3A_204 = tpu.memref_slice %arg3[%add3A_172, %dma_wait3A_203] : memref<36864x768xf32, #tpu.memory_space<hbm>> -> memref<32x768xf32, #tpu.memory_space<hbm>>
    tpu.wait_dma2 semaphore(%arg14 : memref<!tpu.dma_semaphore, #tpu.memory_space<semaphore_mem>>) src(%arg6 : memref<32x768xf32, #tpu.memory_space<vmem>>) dst(%dma_wait3A_204 : memref<32x768xf32, #tpu.memory_space<hbm>>)
    %add3A_205 = arith.constant 24576 : i32
    %add3A_206 = arith.addi %add3A_205, %mul3A_2 : i32
    %add3A_207 = arith.constant 64 : i32
    %add3A_208 = arith.addi %add3A_206, %add3A_207 : i32
    %dma_start3A_209 = arith.constant 0 : i32
    %dma_start3A_210 = tpu.memref_slice %arg2[%add3A_208, %dma_start3A_209] : memref<36864x768xf32, #tpu.memory_space<hbm>> -> memref<32x768xf32, #tpu.memory_space<hbm>>
    %dma_start3A_211 = arith.constant 0 : i32
    %dma_start3A_212 = tpu.memref_slice %arg2[%add3A_208, %dma_start3A_211] : memref<36864x768xf32, #tpu.memory_space<hbm>> -> memref<32x768xf32, #tpu.memory_space<hbm>>
    tpu.enqueue_dma source(%dma_start3A_212 : memref<32x768xf32, #tpu.memory_space<hbm>>) target(%arg6 : memref<32x768xf32, #tpu.memory_space<vmem>>) target_semaphore(%arg10 : memref<!tpu.dma_semaphore, #tpu.memory_space<semaphore_mem>>)
    %dma_wait3A_213 = arith.constant 0 : i32
    %dma_wait3A_214 = tpu.memref_slice %arg2[%add3A_160, %dma_wait3A_213] : memref<36864x768xf32, #tpu.memory_space<hbm>> -> memref<32x768xf32, #tpu.memory_space<hbm>>
    %dma_wait3A_215 = arith.constant 0 : i32
    %dma_wait3A_216 = tpu.memref_slice %arg2[%add3A_160, %dma_wait3A_215] : memref<36864x768xf32, #tpu.memory_space<hbm>> -> memref<32x768xf32, #tpu.memory_space<hbm>>
    tpu.wait_dma2 semaphore(%arg8 : memref<!tpu.dma_semaphore, #tpu.memory_space<semaphore_mem>>) src(%dma_wait3A_216 : memref<32x768xf32, #tpu.memory_space<hbm>>) dst(%arg4 : memref<32x768xf32, #tpu.memory_space<vmem>>)
    %add3A_217 = arith.constant 8192 : i32
    %add3A_218 = arith.addi %add3A_217, %mul3A_2 : i32
    %add3A_219 = arith.constant 0 : i32
    %add3A_220 = arith.addi %add3A_218, %add3A_219 : i32
    %dma_start3A_221 = arith.constant 0 : i32
    %dma_start3A_222 = tpu.memref_slice %arg3[%add3A_220, %dma_start3A_221] : memref<36864x768xf32, #tpu.memory_space<hbm>> -> memref<32x768xf32, #tpu.memory_space<hbm>>
    %dma_start3A_223 = arith.constant 0 : i32
    %dma_start3A_224 = tpu.memref_slice %arg3[%add3A_220, %dma_start3A_223] : memref<36864x768xf32, #tpu.memory_space<hbm>> -> memref<32x768xf32, #tpu.memory_space<hbm>>
    tpu.enqueue_dma source(%arg4 : memref<32x768xf32, #tpu.memory_space<vmem>>) target(%dma_start3A_224 : memref<32x768xf32, #tpu.memory_space<hbm>>) target_semaphore(%arg12 : memref<!tpu.dma_semaphore, #tpu.memory_space<semaphore_mem>>)
    %dma_wait3A_225 = arith.constant 0 : i32
    %dma_wait3A_226 = tpu.memref_slice %arg3[%add3A_196, %dma_wait3A_225] : memref<36864x768xf32, #tpu.memory_space<hbm>> -> memref<32x768xf32, #tpu.memory_space<hbm>>
    %dma_wait3A_227 = arith.constant 0 : i32
    %dma_wait3A_228 = tpu.memref_slice %arg3[%add3A_196, %dma_wait3A_227] : memref<36864x768xf32, #tpu.memory_space<hbm>> -> memref<32x768xf32, #tpu.memory_space<hbm>>
    tpu.wait_dma2 semaphore(%arg15 : memref<!tpu.dma_semaphore, #tpu.memory_space<semaphore_mem>>) src(%arg7 : memref<32x768xf32, #tpu.memory_space<vmem>>) dst(%dma_wait3A_228 : memref<32x768xf32, #tpu.memory_space<hbm>>)
    %add3A_229 = arith.constant 24576 : i32
    %add3A_230 = arith.addi %add3A_229, %mul3A_2 : i32
    %add3A_231 = arith.constant 96 : i32
    %add3A_232 = arith.addi %add3A_230, %add3A_231 : i32
    %dma_start3A_233 = arith.constant 0 : i32
    %dma_start3A_234 = tpu.memref_slice %arg2[%add3A_232, %dma_start3A_233] : memref<36864x768xf32, #tpu.memory_space<hbm>> -> memref<32x768xf32, #tpu.memory_space<hbm>>
    %dma_start3A_235 = arith.constant 0 : i32
    %dma_start3A_236 = tpu.memref_slice %arg2[%add3A_232, %dma_start3A_235] : memref<36864x768xf32, #tpu.memory_space<hbm>> -> memref<32x768xf32, #tpu.memory_space<hbm>>
    tpu.enqueue_dma source(%dma_start3A_236 : memref<32x768xf32, #tpu.memory_space<hbm>>) target(%arg7 : memref<32x768xf32, #tpu.memory_space<vmem>>) target_semaphore(%arg11 : memref<!tpu.dma_semaphore, #tpu.memory_space<semaphore_mem>>)
    %dma_wait3A_237 = arith.constant 0 : i32
    %dma_wait3A_238 = tpu.memref_slice %arg2[%add3A_184, %dma_wait3A_237] : memref<36864x768xf32, #tpu.memory_space<hbm>> -> memref<32x768xf32, #tpu.memory_space<hbm>>
    %dma_wait3A_239 = arith.constant 0 : i32
    %dma_wait3A_240 = tpu.memref_slice %arg2[%add3A_184, %dma_wait3A_239] : memref<36864x768xf32, #tpu.memory_space<hbm>> -> memref<32x768xf32, #tpu.memory_space<hbm>>
    tpu.wait_dma2 semaphore(%arg9 : memref<!tpu.dma_semaphore, #tpu.memory_space<semaphore_mem>>) src(%dma_wait3A_240 : memref<32x768xf32, #tpu.memory_space<hbm>>) dst(%arg5 : memref<32x768xf32, #tpu.memory_space<vmem>>)
    %add3A_241 = arith.constant 8192 : i32
    %add3A_242 = arith.addi %add3A_241, %mul3A_2 : i32
    %add3A_243 = arith.constant 32 : i32
    %add3A_244 = arith.addi %add3A_242, %add3A_243 : i32
    %dma_start3A_245 = arith.constant 0 : i32
    %dma_start3A_246 = tpu.memref_slice %arg3[%add3A_244, %dma_start3A_245] : memref<36864x768xf32, #tpu.memory_space<hbm>> -> memref<32x768xf32, #tpu.memory_space<hbm>>
    %dma_start3A_247 = arith.constant 0 : i32
    %dma_start3A_248 = tpu.memref_slice %arg3[%add3A_244, %dma_start3A_247] : memref<36864x768xf32, #tpu.memory_space<hbm>> -> memref<32x768xf32, #tpu.memory_space<hbm>>
    tpu.enqueue_dma source(%arg5 : memref<32x768xf32, #tpu.memory_space<vmem>>) target(%dma_start3A_248 : memref<32x768xf32, #tpu.memory_space<hbm>>) target_semaphore(%arg13 : memref<!tpu.dma_semaphore, #tpu.memory_space<semaphore_mem>>)
    %dma_wait3A_249 = arith.constant 0 : i32
    %dma_wait3A_250 = tpu.memref_slice %arg3[%add3A_220, %dma_wait3A_249] : memref<36864x768xf32, #tpu.memory_space<hbm>> -> memref<32x768xf32, #tpu.memory_space<hbm>>
    %dma_wait3A_251 = arith.constant 0 : i32
    %dma_wait3A_252 = tpu.memref_slice %arg3[%add3A_220, %dma_wait3A_251] : memref<36864x768xf32, #tpu.memory_space<hbm>> -> memref<32x768xf32, #tpu.memory_space<hbm>>
    tpu.wait_dma2 semaphore(%arg12 : memref<!tpu.dma_semaphore, #tpu.memory_space<semaphore_mem>>) src(%arg4 : memref<32x768xf32, #tpu.memory_space<vmem>>) dst(%dma_wait3A_252 : memref<32x768xf32, #tpu.memory_space<hbm>>)
    %add3A_253 = arith.constant 28672 : i32
    %add3A_254 = arith.addi %add3A_253, %mul3A_2 : i32
    %add3A_255 = arith.constant 0 : i32
    %add3A_256 = arith.addi %add3A_254, %add3A_255 : i32
    %dma_start3A_257 = arith.constant 0 : i32
    %dma_start3A_258 = tpu.memref_slice %arg2[%add3A_256, %dma_start3A_257] : memref<36864x768xf32, #tpu.memory_space<hbm>> -> memref<32x768xf32, #tpu.memory_space<hbm>>
    %dma_start3A_259 = arith.constant 0 : i32
    %dma_start3A_260 = tpu.memref_slice %arg2[%add3A_256, %dma_start3A_259] : memref<36864x768xf32, #tpu.memory_space<hbm>> -> memref<32x768xf32, #tpu.memory_space<hbm>>
    tpu.enqueue_dma source(%dma_start3A_260 : memref<32x768xf32, #tpu.memory_space<hbm>>) target(%arg4 : memref<32x768xf32, #tpu.memory_space<vmem>>) target_semaphore(%arg8 : memref<!tpu.dma_semaphore, #tpu.memory_space<semaphore_mem>>)
    %dma_wait3A_261 = arith.constant 0 : i32
    %dma_wait3A_262 = tpu.memref_slice %arg2[%add3A_208, %dma_wait3A_261] : memref<36864x768xf32, #tpu.memory_space<hbm>> -> memref<32x768xf32, #tpu.memory_space<hbm>>
    %dma_wait3A_263 = arith.constant 0 : i32
    %dma_wait3A_264 = tpu.memref_slice %arg2[%add3A_208, %dma_wait3A_263] : memref<36864x768xf32, #tpu.memory_space<hbm>> -> memref<32x768xf32, #tpu.memory_space<hbm>>
    tpu.wait_dma2 semaphore(%arg10 : memref<!tpu.dma_semaphore, #tpu.memory_space<semaphore_mem>>) src(%dma_wait3A_264 : memref<32x768xf32, #tpu.memory_space<hbm>>) dst(%arg6 : memref<32x768xf32, #tpu.memory_space<vmem>>)
    %add3A_265 = arith.constant 8192 : i32
    %add3A_266 = arith.addi %add3A_265, %mul3A_2 : i32
    %add3A_267 = arith.constant 64 : i32
    %add3A_268 = arith.addi %add3A_266, %add3A_267 : i32
    %dma_start3A_269 = arith.constant 0 : i32
    %dma_start3A_270 = tpu.memref_slice %arg3[%add3A_268, %dma_start3A_269] : memref<36864x768xf32, #tpu.memory_space<hbm>> -> memref<32x768xf32, #tpu.memory_space<hbm>>
    %dma_start3A_271 = arith.constant 0 : i32
    %dma_start3A_272 = tpu.memref_slice %arg3[%add3A_268, %dma_start3A_271] : memref<36864x768xf32, #tpu.memory_space<hbm>> -> memref<32x768xf32, #tpu.memory_space<hbm>>
    tpu.enqueue_dma source(%arg6 : memref<32x768xf32, #tpu.memory_space<vmem>>) target(%dma_start3A_272 : memref<32x768xf32, #tpu.memory_space<hbm>>) target_semaphore(%arg14 : memref<!tpu.dma_semaphore, #tpu.memory_space<semaphore_mem>>)
    %dma_wait3A_273 = arith.constant 0 : i32
    %dma_wait3A_274 = tpu.memref_slice %arg3[%add3A_244, %dma_wait3A_273] : memref<36864x768xf32, #tpu.memory_space<hbm>> -> memref<32x768xf32, #tpu.memory_space<hbm>>
    %dma_wait3A_275 = arith.constant 0 : i32
    %dma_wait3A_276 = tpu.memref_slice %arg3[%add3A_244, %dma_wait3A_275] : memref<36864x768xf32, #tpu.memory_space<hbm>> -> memref<32x768xf32, #tpu.memory_space<hbm>>
    tpu.wait_dma2 semaphore(%arg13 : memref<!tpu.dma_semaphore, #tpu.memory_space<semaphore_mem>>) src(%arg5 : memref<32x768xf32, #tpu.memory_space<vmem>>) dst(%dma_wait3A_276 : memref<32x768xf32, #tpu.memory_space<hbm>>)
    %add3A_277 = arith.constant 28672 : i32
    %add3A_278 = arith.addi %add3A_277, %mul3A_2 : i32
    %add3A_279 = arith.constant 32 : i32
    %add3A_280 = arith.addi %add3A_278, %add3A_279 : i32
    %dma_start3A_281 = arith.constant 0 : i32
    %dma_start3A_282 = tpu.memref_slice %arg2[%add3A_280, %dma_start3A_281] : memref<36864x768xf32, #tpu.memory_space<hbm>> -> memref<32x768xf32, #tpu.memory_space<hbm>>
    %dma_start3A_283 = arith.constant 0 : i32
    %dma_start3A_284 = tpu.memref_slice %arg2[%add3A_280, %dma_start3A_283] : memref<36864x768xf32, #tpu.memory_space<hbm>> -> memref<32x768xf32, #tpu.memory_space<hbm>>
    tpu.enqueue_dma source(%dma_start3A_284 : memref<32x768xf32, #tpu.memory_space<hbm>>) target(%arg5 : memref<32x768xf32, #tpu.memory_space<vmem>>) target_semaphore(%arg9 : memref<!tpu.dma_semaphore, #tpu.memory_space<semaphore_mem>>)
    %dma_wait3A_285 = arith.constant 0 : i32
    %dma_wait3A_286 = tpu.memref_slice %arg2[%add3A_232, %dma_wait3A_285] : memref<36864x768xf32, #tpu.memory_space<hbm>> -> memref<32x768xf32, #tpu.memory_space<hbm>>
    %dma_wait3A_287 = arith.constant 0 : i32
    %dma_wait3A_288 = tpu.memref_slice %arg2[%add3A_232, %dma_wait3A_287] : memref<36864x768xf32, #tpu.memory_space<hbm>> -> memref<32x768xf32, #tpu.memory_space<hbm>>
    tpu.wait_dma2 semaphore(%arg11 : memref<!tpu.dma_semaphore, #tpu.memory_space<semaphore_mem>>) src(%dma_wait3A_288 : memref<32x768xf32, #tpu.memory_space<hbm>>) dst(%arg7 : memref<32x768xf32, #tpu.memory_space<vmem>>)
    %add3A_289 = arith.constant 8192 : i32
    %add3A_290 = arith.addi %add3A_289, %mul3A_2 : i32
    %add3A_291 = arith.constant 96 : i32
    %add3A_292 = arith.addi %add3A_290, %add3A_291 : i32
    %dma_start3A_293 = arith.constant 0 : i32
    %dma_start3A_294 = tpu.memref_slice %arg3[%add3A_292, %dma_start3A_293] : memref<36864x768xf32, #tpu.memory_space<hbm>> -> memref<32x768xf32, #tpu.memory_space<hbm>>
    %dma_start3A_295 = arith.constant 0 : i32
    %dma_start3A_296 = tpu.memref_slice %arg3[%add3A_292, %dma_start3A_295] : memref<36864x768xf32, #tpu.memory_space<hbm>> -> memref<32x768xf32, #tpu.memory_space<hbm>>
    tpu.enqueue_dma source(%arg7 : memref<32x768xf32, #tpu.memory_space<vmem>>) target(%dma_start3A_296 : memref<32x768xf32, #tpu.memory_space<hbm>>) target_semaphore(%arg15 : memref<!tpu.dma_semaphore, #tpu.memory_space<semaphore_mem>>)
    %dma_wait3A_297 = arith.constant 0 : i32
    %dma_wait3A_298 = tpu.memref_slice %arg3[%add3A_268, %dma_wait3A_297] : memref<36864x768xf32, #tpu.memory_space<hbm>> -> memref<32x768xf32, #tpu.memory_space<hbm>>
    %dma_wait3A_299 = arith.constant 0 : i32
    %dma_wait3A_300 = tpu.memref_slice %arg3[%add3A_268, %dma_wait3A_299] : memref<36864x768xf32, #tpu.memory_space<hbm>> -> memref<32x768xf32, #tpu.memory_space<hbm>>
    tpu.wait_dma2 semaphore(%arg14 : memref<!tpu.dma_semaphore, #tpu.memory_space<semaphore_mem>>) src(%arg6 : memref<32x768xf32, #tpu.memory_space<vmem>>) dst(%dma_wait3A_300 : memref<32x768xf32, #tpu.memory_space<hbm>>)
    %add3A_301 = arith.constant 28672 : i32
    %add3A_302 = arith.addi %add3A_301, %mul3A_2 : i32
    %add3A_303 = arith.constant 64 : i32
    %add3A_304 = arith.addi %add3A_302, %add3A_303 : i32
    %dma_start3A_305 = arith.constant 0 : i32
    %dma_start3A_306 = tpu.memref_slice %arg2[%add3A_304, %dma_start3A_305] : memref<36864x768xf32, #tpu.memory_space<hbm>> -> memref<32x768xf32, #tpu.memory_space<hbm>>
    %dma_start3A_307 = arith.constant 0 : i32
    %dma_start3A_308 = tpu.memref_slice %arg2[%add3A_304, %dma_start3A_307] : memref<36864x768xf32, #tpu.memory_space<hbm>> -> memref<32x768xf32, #tpu.memory_space<hbm>>
    tpu.enqueue_dma source(%dma_start3A_308 : memref<32x768xf32, #tpu.memory_space<hbm>>) target(%arg6 : memref<32x768xf32, #tpu.memory_space<vmem>>) target_semaphore(%arg10 : memref<!tpu.dma_semaphore, #tpu.memory_space<semaphore_mem>>)
    %dma_wait3A_309 = arith.constant 0 : i32
    %dma_wait3A_310 = tpu.memref_slice %arg2[%add3A_256, %dma_wait3A_309] : memref<36864x768xf32, #tpu.memory_space<hbm>> -> memref<32x768xf32, #tpu.memory_space<hbm>>
    %dma_wait3A_311 = arith.constant 0 : i32
    %dma_wait3A_312 = tpu.memref_slice %arg2[%add3A_256, %dma_wait3A_311] : memref<36864x768xf32, #tpu.memory_space<hbm>> -> memref<32x768xf32, #tpu.memory_space<hbm>>
    tpu.wait_dma2 semaphore(%arg8 : memref<!tpu.dma_semaphore, #tpu.memory_space<semaphore_mem>>) src(%dma_wait3A_312 : memref<32x768xf32, #tpu.memory_space<hbm>>) dst(%arg4 : memref<32x768xf32, #tpu.memory_space<vmem>>)
    %add3A_313 = arith.constant 12288 : i32
    %add3A_314 = arith.addi %add3A_313, %mul3A_2 : i32
    %add3A_315 = arith.constant 0 : i32
    %add3A_316 = arith.addi %add3A_314, %add3A_315 : i32
    %dma_start3A_317 = arith.constant 0 : i32
    %dma_start3A_318 = tpu.memref_slice %arg3[%add3A_316, %dma_start3A_317] : memref<36864x768xf32, #tpu.memory_space<hbm>> -> memref<32x768xf32, #tpu.memory_space<hbm>>
    %dma_start3A_319 = arith.constant 0 : i32
    %dma_start3A_320 = tpu.memref_slice %arg3[%add3A_316, %dma_start3A_319] : memref<36864x768xf32, #tpu.memory_space<hbm>> -> memref<32x768xf32, #tpu.memory_space<hbm>>
    tpu.enqueue_dma source(%arg4 : memref<32x768xf32, #tpu.memory_space<vmem>>) target(%dma_start3A_320 : memref<32x768xf32, #tpu.memory_space<hbm>>) target_semaphore(%arg12 : memref<!tpu.dma_semaphore, #tpu.memory_space<semaphore_mem>>)
    %dma_wait3A_321 = arith.constant 0 : i32
    %dma_wait3A_322 = tpu.memref_slice %arg3[%add3A_292, %dma_wait3A_321] : memref<36864x768xf32, #tpu.memory_space<hbm>> -> memref<32x768xf32, #tpu.memory_space<hbm>>
    %dma_wait3A_323 = arith.constant 0 : i32
    %dma_wait3A_324 = tpu.memref_slice %arg3[%add3A_292, %dma_wait3A_323] : memref<36864x768xf32, #tpu.memory_space<hbm>> -> memref<32x768xf32, #tpu.memory_space<hbm>>
    tpu.wait_dma2 semaphore(%arg15 : memref<!tpu.dma_semaphore, #tpu.memory_space<semaphore_mem>>) src(%arg7 : memref<32x768xf32, #tpu.memory_space<vmem>>) dst(%dma_wait3A_324 : memref<32x768xf32, #tpu.memory_space<hbm>>)
    %add3A_325 = arith.constant 28672 : i32
    %add3A_326 = arith.addi %add3A_325, %mul3A_2 : i32
    %add3A_327 = arith.constant 96 : i32
    %add3A_328 = arith.addi %add3A_326, %add3A_327 : i32
    %dma_start3A_329 = arith.constant 0 : i32
    %dma_start3A_330 = tpu.memref_slice %arg2[%add3A_328, %dma_start3A_329] : memref<36864x768xf32, #tpu.memory_space<hbm>> -> memref<32x768xf32, #tpu.memory_space<hbm>>
    %dma_start3A_331 = arith.constant 0 : i32
    %dma_start3A_332 = tpu.memref_slice %arg2[%add3A_328, %dma_start3A_331] : memref<36864x768xf32, #tpu.memory_space<hbm>> -> memref<32x768xf32, #tpu.memory_space<hbm>>
    tpu.enqueue_dma source(%dma_start3A_332 : memref<32x768xf32, #tpu.memory_space<hbm>>) target(%arg7 : memref<32x768xf32, #tpu.memory_space<vmem>>) target_semaphore(%arg11 : memref<!tpu.dma_semaphore, #tpu.memory_space<semaphore_mem>>)
    %dma_wait3A_333 = arith.constant 0 : i32
    %dma_wait3A_334 = tpu.memref_slice %arg2[%add3A_280, %dma_wait3A_333] : memref<36864x768xf32, #tpu.memory_space<hbm>> -> memref<32x768xf32, #tpu.memory_space<hbm>>
    %dma_wait3A_335 = arith.constant 0 : i32
    %dma_wait3A_336 = tpu.memref_slice %arg2[%add3A_280, %dma_wait3A_335] : memref<36864x768xf32, #tpu.memory_space<hbm>> -> memref<32x768xf32, #tpu.memory_space<hbm>>
    tpu.wait_dma2 semaphore(%arg9 : memref<!tpu.dma_semaphore, #tpu.memory_space<semaphore_mem>>) src(%dma_wait3A_336 : memref<32x768xf32, #tpu.memory_space<hbm>>) dst(%arg5 : memref<32x768xf32, #tpu.memory_space<vmem>>)
    %add3A_337 = arith.constant 12288 : i32
    %add3A_338 = arith.addi %add3A_337, %mul3A_2 : i32
    %add3A_339 = arith.constant 32 : i32
    %add3A_340 = arith.addi %add3A_338, %add3A_339 : i32
    %dma_start3A_341 = arith.constant 0 : i32
    %dma_start3A_342 = tpu.memref_slice %arg3[%add3A_340, %dma_start3A_341] : memref<36864x768xf32, #tpu.memory_space<hbm>> -> memref<32x768xf32, #tpu.memory_space<hbm>>
    %dma_start3A_343 = arith.constant 0 : i32
    %dma_start3A_344 = tpu.memref_slice %arg3[%add3A_340, %dma_start3A_343] : memref<36864x768xf32, #tpu.memory_space<hbm>> -> memref<32x768xf32, #tpu.memory_space<hbm>>
    tpu.enqueue_dma source(%arg5 : memref<32x768xf32, #tpu.memory_space<vmem>>) target(%dma_start3A_344 : memref<32x768xf32, #tpu.memory_space<hbm>>) target_semaphore(%arg13 : memref<!tpu.dma_semaphore, #tpu.memory_space<semaphore_mem>>)
    %dma_wait3A_345 = arith.constant 0 : i32
    %dma_wait3A_346 = tpu.memref_slice %arg3[%add3A_316, %dma_wait3A_345] : memref<36864x768xf32, #tpu.memory_space<hbm>> -> memref<32x768xf32, #tpu.memory_space<hbm>>
    %dma_wait3A_347 = arith.constant 0 : i32
    %dma_wait3A_348 = tpu.memref_slice %arg3[%add3A_316, %dma_wait3A_347] : memref<36864x768xf32, #tpu.memory_space<hbm>> -> memref<32x768xf32, #tpu.memory_space<hbm>>
    tpu.wait_dma2 semaphore(%arg12 : memref<!tpu.dma_semaphore, #tpu.memory_space<semaphore_mem>>) src(%arg4 : memref<32x768xf32, #tpu.memory_space<vmem>>) dst(%dma_wait3A_348 : memref<32x768xf32, #tpu.memory_space<hbm>>)
    %add3A_349 = arith.constant 32768 : i32
    %add3A_350 = arith.addi %add3A_349, %mul3A_2 : i32
    %add3A_351 = arith.constant 0 : i32
    %add3A_352 = arith.addi %add3A_350, %add3A_351 : i32
    %dma_start3A_353 = arith.constant 0 : i32
    %dma_start3A_354 = tpu.memref_slice %arg2[%add3A_352, %dma_start3A_353] : memref<36864x768xf32, #tpu.memory_space<hbm>> -> memref<32x768xf32, #tpu.memory_space<hbm>>
    %dma_start3A_355 = arith.constant 0 : i32
    %dma_start3A_356 = tpu.memref_slice %arg2[%add3A_352, %dma_start3A_355] : memref<36864x768xf32, #tpu.memory_space<hbm>> -> memref<32x768xf32, #tpu.memory_space<hbm>>
    tpu.enqueue_dma source(%dma_start3A_356 : memref<32x768xf32, #tpu.memory_space<hbm>>) target(%arg4 : memref<32x768xf32, #tpu.memory_space<vmem>>) target_semaphore(%arg8 : memref<!tpu.dma_semaphore, #tpu.memory_space<semaphore_mem>>)
    %dma_wait3A_357 = arith.constant 0 : i32
    %dma_wait3A_358 = tpu.memref_slice %arg2[%add3A_304, %dma_wait3A_357] : memref<36864x768xf32, #tpu.memory_space<hbm>> -> memref<32x768xf32, #tpu.memory_space<hbm>>
    %dma_wait3A_359 = arith.constant 0 : i32
    %dma_wait3A_360 = tpu.memref_slice %arg2[%add3A_304, %dma_wait3A_359] : memref<36864x768xf32, #tpu.memory_space<hbm>> -> memref<32x768xf32, #tpu.memory_space<hbm>>
    tpu.wait_dma2 semaphore(%arg10 : memref<!tpu.dma_semaphore, #tpu.memory_space<semaphore_mem>>) src(%dma_wait3A_360 : memref<32x768xf32, #tpu.memory_space<hbm>>) dst(%arg6 : memref<32x768xf32, #tpu.memory_space<vmem>>)
    %add3A_361 = arith.constant 12288 : i32
    %add3A_362 = arith.addi %add3A_361, %mul3A_2 : i32
    %add3A_363 = arith.constant 64 : i32
    %add3A_364 = arith.addi %add3A_362, %add3A_363 : i32
    %dma_start3A_365 = arith.constant 0 : i32
    %dma_start3A_366 = tpu.memref_slice %arg3[%add3A_364, %dma_start3A_365] : memref<36864x768xf32, #tpu.memory_space<hbm>> -> memref<32x768xf32, #tpu.memory_space<hbm>>
    %dma_start3A_367 = arith.constant 0 : i32
    %dma_start3A_368 = tpu.memref_slice %arg3[%add3A_364, %dma_start3A_367] : memref<36864x768xf32, #tpu.memory_space<hbm>> -> memref<32x768xf32, #tpu.memory_space<hbm>>
    tpu.enqueue_dma source(%arg6 : memref<32x768xf32, #tpu.memory_space<vmem>>) target(%dma_start3A_368 : memref<32x768xf32, #tpu.memory_space<hbm>>) target_semaphore(%arg14 : memref<!tpu.dma_semaphore, #tpu.memory_space<semaphore_mem>>)
    %dma_wait3A_369 = arith.constant 0 : i32
    %dma_wait3A_370 = tpu.memref_slice %arg3[%add3A_340, %dma_wait3A_369] : memref<36864x768xf32, #tpu.memory_space<hbm>> -> memref<32x768xf32, #tpu.memory_space<hbm>>
    %dma_wait3A_371 = arith.constant 0 : i32
    %dma_wait3A_372 = tpu.memref_slice %arg3[%add3A_340, %dma_wait3A_371] : memref<36864x768xf32, #tpu.memory_space<hbm>> -> memref<32x768xf32, #tpu.memory_space<hbm>>
    tpu.wait_dma2 semaphore(%arg13 : memref<!tpu.dma_semaphore, #tpu.memory_space<semaphore_mem>>) src(%arg5 : memref<32x768xf32, #tpu.memory_space<vmem>>) dst(%dma_wait3A_372 : memref<32x768xf32, #tpu.memory_space<hbm>>)
    %add3A_373 = arith.constant 32768 : i32
    %add3A_374 = arith.addi %add3A_373, %mul3A_2 : i32
    %add3A_375 = arith.constant 32 : i32
    %add3A_376 = arith.addi %add3A_374, %add3A_375 : i32
    %dma_start3A_377 = arith.constant 0 : i32
    %dma_start3A_378 = tpu.memref_slice %arg2[%add3A_376, %dma_start3A_377] : memref<36864x768xf32, #tpu.memory_space<hbm>> -> memref<32x768xf32, #tpu.memory_space<hbm>>
    %dma_start3A_379 = arith.constant 0 : i32
    %dma_start3A_380 = tpu.memref_slice %arg2[%add3A_376, %dma_start3A_379] : memref<36864x768xf32, #tpu.memory_space<hbm>> -> memref<32x768xf32, #tpu.memory_space<hbm>>
    tpu.enqueue_dma source(%dma_start3A_380 : memref<32x768xf32, #tpu.memory_space<hbm>>) target(%arg5 : memref<32x768xf32, #tpu.memory_space<vmem>>) target_semaphore(%arg9 : memref<!tpu.dma_semaphore, #tpu.memory_space<semaphore_mem>>)
    %dma_wait3A_381 = arith.constant 0 : i32
    %dma_wait3A_382 = tpu.memref_slice %arg2[%add3A_328, %dma_wait3A_381] : memref<36864x768xf32, #tpu.memory_space<hbm>> -> memref<32x768xf32, #tpu.memory_space<hbm>>
    %dma_wait3A_383 = arith.constant 0 : i32
    %dma_wait3A_384 = tpu.memref_slice %arg2[%add3A_328, %dma_wait3A_383] : memref<36864x768xf32, #tpu.memory_space<hbm>> -> memref<32x768xf32, #tpu.memory_space<hbm>>
    tpu.wait_dma2 semaphore(%arg11 : memref<!tpu.dma_semaphore, #tpu.memory_space<semaphore_mem>>) src(%dma_wait3A_384 : memref<32x768xf32, #tpu.memory_space<hbm>>) dst(%arg7 : memref<32x768xf32, #tpu.memory_space<vmem>>)
    %add3A_385 = arith.constant 12288 : i32
    %add3A_386 = arith.addi %add3A_385, %mul3A_2 : i32
    %add3A_387 = arith.constant 96 : i32
    %add3A_388 = arith.addi %add3A_386, %add3A_387 : i32
    %dma_start3A_389 = arith.constant 0 : i32
    %dma_start3A_390 = tpu.memref_slice %arg3[%add3A_388, %dma_start3A_389] : memref<36864x768xf32, #tpu.memory_space<hbm>> -> memref<32x768xf32, #tpu.memory_space<hbm>>
    %dma_start3A_391 = arith.constant 0 : i32
    %dma_start3A_392 = tpu.memref_slice %arg3[%add3A_388, %dma_start3A_391] : memref<36864x768xf32, #tpu.memory_space<hbm>> -> memref<32x768xf32, #tpu.memory_space<hbm>>
    tpu.enqueue_dma source(%arg7 : memref<32x768xf32, #tpu.memory_space<vmem>>) target(%dma_start3A_392 : memref<32x768xf32, #tpu.memory_space<hbm>>) target_semaphore(%arg15 : memref<!tpu.dma_semaphore, #tpu.memory_space<semaphore_mem>>)
    %dma_wait3A_393 = arith.constant 0 : i32
    %dma_wait3A_394 = tpu.memref_slice %arg3[%add3A_364, %dma_wait3A_393] : memref<36864x768xf32, #tpu.memory_space<hbm>> -> memref<32x768xf32, #tpu.memory_space<hbm>>
    %dma_wait3A_395 = arith.constant 0 : i32
    %dma_wait3A_396 = tpu.memref_slice %arg3[%add3A_364, %dma_wait3A_395] : memref<36864x768xf32, #tpu.memory_space<hbm>> -> memref<32x768xf32, #tpu.memory_space<hbm>>
    tpu.wait_dma2 semaphore(%arg14 : memref<!tpu.dma_semaphore, #tpu.memory_space<semaphore_mem>>) src(%arg6 : memref<32x768xf32, #tpu.memory_space<vmem>>) dst(%dma_wait3A_396 : memref<32x768xf32, #tpu.memory_space<hbm>>)
    %add3A_397 = arith.constant 32768 : i32
    %add3A_398 = arith.addi %add3A_397, %mul3A_2 : i32
    %add3A_399 = arith.constant 64 : i32
    %add3A_400 = arith.addi %add3A_398, %add3A_399 : i32
    %dma_start3A_401 = arith.constant 0 : i32
    %dma_start3A_402 = tpu.memref_slice %arg2[%add3A_400, %dma_start3A_401] : memref<36864x768xf32, #tpu.memory_space<hbm>> -> memref<32x768xf32, #tpu.memory_space<hbm>>
    %dma_start3A_403 = arith.constant 0 : i32
    %dma_start3A_404 = tpu.memref_slice %arg2[%add3A_400, %dma_start3A_403] : memref<36864x768xf32, #tpu.memory_space<hbm>> -> memref<32x768xf32, #tpu.memory_space<hbm>>
    tpu.enqueue_dma source(%dma_start3A_404 : memref<32x768xf32, #tpu.memory_space<hbm>>) target(%arg6 : memref<32x768xf32, #tpu.memory_space<vmem>>) target_semaphore(%arg10 : memref<!tpu.dma_semaphore, #tpu.memory_space<semaphore_mem>>)
    %dma_wait3A_405 = arith.constant 0 : i32
    %dma_wait3A_406 = tpu.memref_slice %arg2[%add3A_352, %dma_wait3A_405] : memref<36864x768xf32, #tpu.memory_space<hbm>> -> memref<32x768xf32, #tpu.memory_space<hbm>>
    %dma_wait3A_407 = arith.constant 0 : i32
    %dma_wait3A_408 = tpu.memref_slice %arg2[%add3A_352, %dma_wait3A_407] : memref<36864x768xf32, #tpu.memory_space<hbm>> -> memref<32x768xf32, #tpu.memory_space<hbm>>
    tpu.wait_dma2 semaphore(%arg8 : memref<!tpu.dma_semaphore, #tpu.memory_space<semaphore_mem>>) src(%dma_wait3A_408 : memref<32x768xf32, #tpu.memory_space<hbm>>) dst(%arg4 : memref<32x768xf32, #tpu.memory_space<vmem>>)
    %add3A_409 = arith.constant 16384 : i32
    %add3A_410 = arith.addi %add3A_409, %mul3A_2 : i32
    %add3A_411 = arith.constant 0 : i32
    %add3A_412 = arith.addi %add3A_410, %add3A_411 : i32
    %dma_start3A_413 = arith.constant 0 : i32
    %dma_start3A_414 = tpu.memref_slice %arg3[%add3A_412, %dma_start3A_413] : memref<36864x768xf32, #tpu.memory_space<hbm>> -> memref<32x768xf32, #tpu.memory_space<hbm>>
    %dma_start3A_415 = arith.constant 0 : i32
    %dma_start3A_416 = tpu.memref_slice %arg3[%add3A_412, %dma_start3A_415] : memref<36864x768xf32, #tpu.memory_space<hbm>> -> memref<32x768xf32, #tpu.memory_space<hbm>>
    tpu.enqueue_dma source(%arg4 : memref<32x768xf32, #tpu.memory_space<vmem>>) target(%dma_start3A_416 : memref<32x768xf32, #tpu.memory_space<hbm>>) target_semaphore(%arg12 : memref<!tpu.dma_semaphore, #tpu.memory_space<semaphore_mem>>)
    %dma_wait3A_417 = arith.constant 0 : i32
    %dma_wait3A_418 = tpu.memref_slice %arg3[%add3A_388, %dma_wait3A_417] : memref<36864x768xf32, #tpu.memory_space<hbm>> -> memref<32x768xf32, #tpu.memory_space<hbm>>
    %dma_wait3A_419 = arith.constant 0 : i32
    %dma_wait3A_420 = tpu.memref_slice %arg3[%add3A_388, %dma_wait3A_419] : memref<36864x768xf32, #tpu.memory_space<hbm>> -> memref<32x768xf32, #tpu.memory_space<hbm>>
    tpu.wait_dma2 semaphore(%arg15 : memref<!tpu.dma_semaphore, #tpu.memory_space<semaphore_mem>>) src(%arg7 : memref<32x768xf32, #tpu.memory_space<vmem>>) dst(%dma_wait3A_420 : memref<32x768xf32, #tpu.memory_space<hbm>>)
    %add3A_421 = arith.constant 32768 : i32
    %add3A_422 = arith.addi %add3A_421, %mul3A_2 : i32
    %add3A_423 = arith.constant 96 : i32
    %add3A_424 = arith.addi %add3A_422, %add3A_423 : i32
    %dma_start3A_425 = arith.constant 0 : i32
    %dma_start3A_426 = tpu.memref_slice %arg2[%add3A_424, %dma_start3A_425] : memref<36864x768xf32, #tpu.memory_space<hbm>> -> memref<32x768xf32, #tpu.memory_space<hbm>>
    %dma_start3A_427 = arith.constant 0 : i32
    %dma_start3A_428 = tpu.memref_slice %arg2[%add3A_424, %dma_start3A_427] : memref<36864x768xf32, #tpu.memory_space<hbm>> -> memref<32x768xf32, #tpu.memory_space<hbm>>
    tpu.enqueue_dma source(%dma_start3A_428 : memref<32x768xf32, #tpu.memory_space<hbm>>) target(%arg7 : memref<32x768xf32, #tpu.memory_space<vmem>>) target_semaphore(%arg11 : memref<!tpu.dma_semaphore, #tpu.memory_space<semaphore_mem>>)
    %dma_wait3A_429 = arith.constant 0 : i32
    %dma_wait3A_430 = tpu.memref_slice %arg2[%add3A_376, %dma_wait3A_429] : memref<36864x768xf32, #tpu.memory_space<hbm>> -> memref<32x768xf32, #tpu.memory_space<hbm>>
    %dma_wait3A_431 = arith.constant 0 : i32
    %dma_wait3A_432 = tpu.memref_slice %arg2[%add3A_376, %dma_wait3A_431] : memref<36864x768xf32, #tpu.memory_space<hbm>> -> memref<32x768xf32, #tpu.memory_space<hbm>>
    tpu.wait_dma2 semaphore(%arg9 : memref<!tpu.dma_semaphore, #tpu.memory_space<semaphore_mem>>) src(%dma_wait3A_432 : memref<32x768xf32, #tpu.memory_space<hbm>>) dst(%arg5 : memref<32x768xf32, #tpu.memory_space<vmem>>)
    %add3A_433 = arith.constant 16384 : i32
    %add3A_434 = arith.addi %add3A_433, %mul3A_2 : i32
    %add3A_435 = arith.constant 32 : i32
    %add3A_436 = arith.addi %add3A_434, %add3A_435 : i32
    %dma_start3A_437 = arith.constant 0 : i32
    %dma_start3A_438 = tpu.memref_slice %arg3[%add3A_436, %dma_start3A_437] : memref<36864x768xf32, #tpu.memory_space<hbm>> -> memref<32x768xf32, #tpu.memory_space<hbm>>
    %dma_start3A_439 = arith.constant 0 : i32
    %dma_start3A_440 = tpu.memref_slice %arg3[%add3A_436, %dma_start3A_439] : memref<36864x768xf32, #tpu.memory_space<hbm>> -> memref<32x768xf32, #tpu.memory_space<hbm>>
    tpu.enqueue_dma source(%arg5 : memref<32x768xf32, #tpu.memory_space<vmem>>) target(%dma_start3A_440 : memref<32x768xf32, #tpu.memory_space<hbm>>) target_semaphore(%arg13 : memref<!tpu.dma_semaphore, #tpu.memory_space<semaphore_mem>>)
    %dma_wait3A_441 = arith.constant 0 : i32
    %dma_wait3A_442 = tpu.memref_slice %arg3[%add3A_412, %dma_wait3A_441] : memref<36864x768xf32, #tpu.memory_space<hbm>> -> memref<32x768xf32, #tpu.memory_space<hbm>>
    %dma_wait3A_443 = arith.constant 0 : i32
    %dma_wait3A_444 = tpu.memref_slice %arg3[%add3A_412, %dma_wait3A_443] : memref<36864x768xf32, #tpu.memory_space<hbm>> -> memref<32x768xf32, #tpu.memory_space<hbm>>
    tpu.wait_dma2 semaphore(%arg12 : memref<!tpu.dma_semaphore, #tpu.memory_space<semaphore_mem>>) src(%arg4 : memref<32x768xf32, #tpu.memory_space<vmem>>) dst(%dma_wait3A_444 : memref<32x768xf32, #tpu.memory_space<hbm>>)
    %add3A_445 = arith.constant 0 : i32
    %add3A_446 = arith.addi %add3A_445, %mul3A_2 : i32
    %add3A_447 = arith.constant 0 : i32
    %add3A_448 = arith.addi %add3A_446, %add3A_447 : i32
    %dma_start3A_449 = arith.constant 0 : i32
    %dma_start3A_450 = tpu.memref_slice %arg2[%add3A_448, %dma_start3A_449] : memref<36864x768xf32, #tpu.memory_space<hbm>> -> memref<32x768xf32, #tpu.memory_space<hbm>>
    %dma_start3A_451 = arith.constant 0 : i32
    %dma_start3A_452 = tpu.memref_slice %arg2[%add3A_448, %dma_start3A_451] : memref<36864x768xf32, #tpu.memory_space<hbm>> -> memref<32x768xf32, #tpu.memory_space<hbm>>
    tpu.enqueue_dma source(%dma_start3A_452 : memref<32x768xf32, #tpu.memory_space<hbm>>) target(%arg4 : memref<32x768xf32, #tpu.memory_space<vmem>>) target_semaphore(%arg8 : memref<!tpu.dma_semaphore, #tpu.memory_space<semaphore_mem>>)
    %dma_wait3A_453 = arith.constant 0 : i32
    %dma_wait3A_454 = tpu.memref_slice %arg2[%add3A_400, %dma_wait3A_453] : memref<36864x768xf32, #tpu.memory_space<hbm>> -> memref<32x768xf32, #tpu.memory_space<hbm>>
    %dma_wait3A_455 = arith.constant 0 : i32
    %dma_wait3A_456 = tpu.memref_slice %arg2[%add3A_400, %dma_wait3A_455] : memref<36864x768xf32, #tpu.memory_space<hbm>> -> memref<32x768xf32, #tpu.memory_space<hbm>>
    tpu.wait_dma2 semaphore(%arg10 : memref<!tpu.dma_semaphore, #tpu.memory_space<semaphore_mem>>) src(%dma_wait3A_456 : memref<32x768xf32, #tpu.memory_space<hbm>>) dst(%arg6 : memref<32x768xf32, #tpu.memory_space<vmem>>)
    %add3A_457 = arith.constant 16384 : i32
    %add3A_458 = arith.addi %add3A_457, %mul3A_2 : i32
    %add3A_459 = arith.constant 64 : i32
    %add3A_460 = arith.addi %add3A_458, %add3A_459 : i32
    %dma_start3A_461 = arith.constant 0 : i32
    %dma_start3A_462 = tpu.memref_slice %arg3[%add3A_460, %dma_start3A_461] : memref<36864x768xf32, #tpu.memory_space<hbm>> -> memref<32x768xf32, #tpu.memory_space<hbm>>
    %dma_start3A_463 = arith.constant 0 : i32
    %dma_start3A_464 = tpu.memref_slice %arg3[%add3A_460, %dma_start3A_463] : memref<36864x768xf32, #tpu.memory_space<hbm>> -> memref<32x768xf32, #tpu.memory_space<hbm>>
    tpu.enqueue_dma source(%arg6 : memref<32x768xf32, #tpu.memory_space<vmem>>) target(%dma_start3A_464 : memref<32x768xf32, #tpu.memory_space<hbm>>) target_semaphore(%arg14 : memref<!tpu.dma_semaphore, #tpu.memory_space<semaphore_mem>>)
    %dma_wait3A_465 = arith.constant 0 : i32
    %dma_wait3A_466 = tpu.memref_slice %arg3[%add3A_436, %dma_wait3A_465] : memref<36864x768xf32, #tpu.memory_space<hbm>> -> memref<32x768xf32, #tpu.memory_space<hbm>>
    %dma_wait3A_467 = arith.constant 0 : i32
    %dma_wait3A_468 = tpu.memref_slice %arg3[%add3A_436, %dma_wait3A_467] : memref<36864x768xf32, #tpu.memory_space<hbm>> -> memref<32x768xf32, #tpu.memory_space<hbm>>
    tpu.wait_dma2 semaphore(%arg13 : memref<!tpu.dma_semaphore, #tpu.memory_space<semaphore_mem>>) src(%arg5 : memref<32x768xf32, #tpu.memory_space<vmem>>) dst(%dma_wait3A_468 : memref<32x768xf32, #tpu.memory_space<hbm>>)
    %add3A_469 = arith.constant 0 : i32
    %add3A_470 = arith.addi %add3A_469, %mul3A_2 : i32
    %add3A_471 = arith.constant 32 : i32
    %add3A_472 = arith.addi %add3A_470, %add3A_471 : i32
    %dma_start3A_473 = arith.constant 0 : i32
    %dma_start3A_474 = tpu.memref_slice %arg2[%add3A_472, %dma_start3A_473] : memref<36864x768xf32, #tpu.memory_space<hbm>> -> memref<32x768xf32, #tpu.memory_space<hbm>>
    %dma_start3A_475 = arith.constant 0 : i32
    %dma_start3A_476 = tpu.memref_slice %arg2[%add3A_472, %dma_start3A_475] : memref<36864x768xf32, #tpu.memory_space<hbm>> -> memref<32x768xf32, #tpu.memory_space<hbm>>
    tpu.enqueue_dma source(%dma_start3A_476 : memref<32x768xf32, #tpu.memory_space<hbm>>) target(%arg5 : memref<32x768xf32, #tpu.memory_space<vmem>>) target_semaphore(%arg9 : memref<!tpu.dma_semaphore, #tpu.memory_space<semaphore_mem>>)
    %dma_wait3A_477 = arith.constant 0 : i32
    %dma_wait3A_478 = tpu.memref_slice %arg2[%add3A_424, %dma_wait3A_477] : memref<36864x768xf32, #tpu.memory_space<hbm>> -> memref<32x768xf32, #tpu.memory_space<hbm>>
    %dma_wait3A_479 = arith.constant 0 : i32
    %dma_wait3A_480 = tpu.memref_slice %arg2[%add3A_424, %dma_wait3A_479] : memref<36864x768xf32, #tpu.memory_space<hbm>> -> memref<32x768xf32, #tpu.memory_space<hbm>>
    tpu.wait_dma2 semaphore(%arg11 : memref<!tpu.dma_semaphore, #tpu.memory_space<semaphore_mem>>) src(%dma_wait3A_480 : memref<32x768xf32, #tpu.memory_space<hbm>>) dst(%arg7 : memref<32x768xf32, #tpu.memory_space<vmem>>)
    %add3A_481 = arith.constant 16384 : i32
    %add3A_482 = arith.addi %add3A_481, %mul3A_2 : i32
    %add3A_483 = arith.constant 96 : i32
    %add3A_484 = arith.addi %add3A_482, %add3A_483 : i32
    %dma_start3A_485 = arith.constant 0 : i32
    %dma_start3A_486 = tpu.memref_slice %arg3[%add3A_484, %dma_start3A_485] : memref<36864x768xf32, #tpu.memory_space<hbm>> -> memref<32x768xf32, #tpu.memory_space<hbm>>
    %dma_start3A_487 = arith.constant 0 : i32
    %dma_start3A_488 = tpu.memref_slice %arg3[%add3A_484, %dma_start3A_487] : memref<36864x768xf32, #tpu.memory_space<hbm>> -> memref<32x768xf32, #tpu.memory_space<hbm>>
    tpu.enqueue_dma source(%arg7 : memref<32x768xf32, #tpu.memory_space<vmem>>) target(%dma_start3A_488 : memref<32x768xf32, #tpu.memory_space<hbm>>) target_semaphore(%arg15 : memref<!tpu.dma_semaphore, #tpu.memory_space<semaphore_mem>>)
    %dma_wait3A_489 = arith.constant 0 : i32
    %dma_wait3A_490 = tpu.memref_slice %arg3[%add3A_460, %dma_wait3A_489] : memref<36864x768xf32, #tpu.memory_space<hbm>> -> memref<32x768xf32, #tpu.memory_space<hbm>>
    %dma_wait3A_491 = arith.constant 0 : i32
    %dma_wait3A_492 = tpu.memref_slice %arg3[%add3A_460, %dma_wait3A_491] : memref<36864x768xf32, #tpu.memory_space<hbm>> -> memref<32x768xf32, #tpu.memory_space<hbm>>
    tpu.wait_dma2 semaphore(%arg14 : memref<!tpu.dma_semaphore, #tpu.memory_space<semaphore_mem>>) src(%arg6 : memref<32x768xf32, #tpu.memory_space<vmem>>) dst(%dma_wait3A_492 : memref<32x768xf32, #tpu.memory_space<hbm>>)
    %add3A_493 = arith.constant 0 : i32
    %add3A_494 = arith.addi %add3A_493, %mul3A_2 : i32
    %add3A_495 = arith.constant 64 : i32
    %add3A_496 = arith.addi %add3A_494, %add3A_495 : i32
    %dma_start3A_497 = arith.constant 0 : i32
    %dma_start3A_498 = tpu.memref_slice %arg2[%add3A_496, %dma_start3A_497] : memref<36864x768xf32, #tpu.memory_space<hbm>> -> memref<32x768xf32, #tpu.memory_space<hbm>>
    %dma_start3A_499 = arith.constant 0 : i32
    %dma_start3A_500 = tpu.memref_slice %arg2[%add3A_496, %dma_start3A_499] : memref<36864x768xf32, #tpu.memory_space<hbm>> -> memref<32x768xf32, #tpu.memory_space<hbm>>
    tpu.enqueue_dma source(%dma_start3A_500 : memref<32x768xf32, #tpu.memory_space<hbm>>) target(%arg6 : memref<32x768xf32, #tpu.memory_space<vmem>>) target_semaphore(%arg10 : memref<!tpu.dma_semaphore, #tpu.memory_space<semaphore_mem>>)
    %dma_wait3A_501 = arith.constant 0 : i32
    %dma_wait3A_502 = tpu.memref_slice %arg2[%add3A_448, %dma_wait3A_501] : memref<36864x768xf32, #tpu.memory_space<hbm>> -> memref<32x768xf32, #tpu.memory_space<hbm>>
    %dma_wait3A_503 = arith.constant 0 : i32
    %dma_wait3A_504 = tpu.memref_slice %arg2[%add3A_448, %dma_wait3A_503] : memref<36864x768xf32, #tpu.memory_space<hbm>> -> memref<32x768xf32, #tpu.memory_space<hbm>>
    tpu.wait_dma2 semaphore(%arg8 : memref<!tpu.dma_semaphore, #tpu.memory_space<semaphore_mem>>) src(%dma_wait3A_504 : memref<32x768xf32, #tpu.memory_space<hbm>>) dst(%arg4 : memref<32x768xf32, #tpu.memory_space<vmem>>)
    %add3A_505 = arith.constant 20480 : i32
    %add3A_506 = arith.addi %add3A_505, %mul3A_2 : i32
    %add3A_507 = arith.constant 0 : i32
    %add3A_508 = arith.addi %add3A_506, %add3A_507 : i32
    %dma_start3A_509 = arith.constant 0 : i32
    %dma_start3A_510 = tpu.memref_slice %arg3[%add3A_508, %dma_start3A_509] : memref<36864x768xf32, #tpu.memory_space<hbm>> -> memref<32x768xf32, #tpu.memory_space<hbm>>
    %dma_start3A_511 = arith.constant 0 : i32
    %dma_start3A_512 = tpu.memref_slice %arg3[%add3A_508, %dma_start3A_511] : memref<36864x768xf32, #tpu.memory_space<hbm>> -> memref<32x768xf32, #tpu.memory_space<hbm>>
    tpu.enqueue_dma source(%arg4 : memref<32x768xf32, #tpu.memory_space<vmem>>) target(%dma_start3A_512 : memref<32x768xf32, #tpu.memory_space<hbm>>) target_semaphore(%arg12 : memref<!tpu.dma_semaphore, #tpu.memory_space<semaphore_mem>>)
    %dma_wait3A_513 = arith.constant 0 : i32
    %dma_wait3A_514 = tpu.memref_slice %arg3[%add3A_484, %dma_wait3A_513] : memref<36864x768xf32, #tpu.memory_space<hbm>> -> memref<32x768xf32, #tpu.memory_space<hbm>>
    %dma_wait3A_515 = arith.constant 0 : i32
    %dma_wait3A_516 = tpu.memref_slice %arg3[%add3A_484, %dma_wait3A_515] : memref<36864x768xf32, #tpu.memory_space<hbm>> -> memref<32x768xf32, #tpu.memory_space<hbm>>
    tpu.wait_dma2 semaphore(%arg15 : memref<!tpu.dma_semaphore, #tpu.memory_space<semaphore_mem>>) src(%arg7 : memref<32x768xf32, #tpu.memory_space<vmem>>) dst(%dma_wait3A_516 : memref<32x768xf32, #tpu.memory_space<hbm>>)
    %add3A_517 = arith.constant 0 : i32
    %add3A_518 = arith.addi %add3A_517, %mul3A_2 : i32
    %add3A_519 = arith.constant 96 : i32
    %add3A_520 = arith.addi %add3A_518, %add3A_519 : i32
    %dma_start3A_521 = arith.constant 0 : i32
    %dma_start3A_522 = tpu.memref_slice %arg2[%add3A_520, %dma_start3A_521] : memref<36864x768xf32, #tpu.memory_space<hbm>> -> memref<32x768xf32, #tpu.memory_space<hbm>>
    %dma_start3A_523 = arith.constant 0 : i32
    %dma_start3A_524 = tpu.memref_slice %arg2[%add3A_520, %dma_start3A_523] : memref<36864x768xf32, #tpu.memory_space<hbm>> -> memref<32x768xf32, #tpu.memory_space<hbm>>
    tpu.enqueue_dma source(%dma_start3A_524 : memref<32x768xf32, #tpu.memory_space<hbm>>) target(%arg7 : memref<32x768xf32, #tpu.memory_space<vmem>>) target_semaphore(%arg11 : memref<!tpu.dma_semaphore, #tpu.memory_space<semaphore_mem>>)
    %dma_wait3A_525 = arith.constant 0 : i32
    %dma_wait3A_526 = tpu.memref_slice %arg2[%add3A_472, %dma_wait3A_525] : memref<36864x768xf32, #tpu.memory_space<hbm>> -> memref<32x768xf32, #tpu.memory_space<hbm>>
    %dma_wait3A_527 = arith.constant 0 : i32
    %dma_wait3A_528 = tpu.memref_slice %arg2[%add3A_472, %dma_wait3A_527] : memref<36864x768xf32, #tpu.memory_space<hbm>> -> memref<32x768xf32, #tpu.memory_space<hbm>>
    tpu.wait_dma2 semaphore(%arg9 : memref<!tpu.dma_semaphore, #tpu.memory_space<semaphore_mem>>) src(%dma_wait3A_528 : memref<32x768xf32, #tpu.memory_space<hbm>>) dst(%arg5 : memref<32x768xf32, #tpu.memory_space<vmem>>)
    %add3A_529 = arith.constant 20480 : i32
    %add3A_530 = arith.addi %add3A_529, %mul3A_2 : i32
    %add3A_531 = arith.constant 32 : i32
    %add3A_532 = arith.addi %add3A_530, %add3A_531 : i32
    %dma_start3A_533 = arith.constant 0 : i32
    %dma_start3A_534 = tpu.memref_slice %arg3[%add3A_532, %dma_start3A_533] : memref<36864x768xf32, #tpu.memory_space<hbm>> -> memref<32x768xf32, #tpu.memory_space<hbm>>
    %dma_start3A_535 = arith.constant 0 : i32
    %dma_start3A_536 = tpu.memref_slice %arg3[%add3A_532, %dma_start3A_535] : memref<36864x768xf32, #tpu.memory_space<hbm>> -> memref<32x768xf32, #tpu.memory_space<hbm>>
    tpu.enqueue_dma source(%arg5 : memref<32x768xf32, #tpu.memory_space<vmem>>) target(%dma_start3A_536 : memref<32x768xf32, #tpu.memory_space<hbm>>) target_semaphore(%arg13 : memref<!tpu.dma_semaphore, #tpu.memory_space<semaphore_mem>>)
    %dma_wait3A_537 = arith.constant 0 : i32
    %dma_wait3A_538 = tpu.memref_slice %arg3[%add3A_508, %dma_wait3A_537] : memref<36864x768xf32, #tpu.memory_space<hbm>> -> memref<32x768xf32, #tpu.memory_space<hbm>>
    %dma_wait3A_539 = arith.constant 0 : i32
    %dma_wait3A_540 = tpu.memref_slice %arg3[%add3A_508, %dma_wait3A_539] : memref<36864x768xf32, #tpu.memory_space<hbm>> -> memref<32x768xf32, #tpu.memory_space<hbm>>
    tpu.wait_dma2 semaphore(%arg12 : memref<!tpu.dma_semaphore, #tpu.memory_space<semaphore_mem>>) src(%arg4 : memref<32x768xf32, #tpu.memory_space<vmem>>) dst(%dma_wait3A_540 : memref<32x768xf32, #tpu.memory_space<hbm>>)
    %add3A_541 = arith.constant 4096 : i32
    %add3A_542 = arith.addi %add3A_541, %mul3A_2 : i32
    %add3A_543 = arith.constant 0 : i32
    %add3A_544 = arith.addi %add3A_542, %add3A_543 : i32
    %dma_start3A_545 = arith.constant 0 : i32
    %dma_start3A_546 = tpu.memref_slice %arg2[%add3A_544, %dma_start3A_545] : memref<36864x768xf32, #tpu.memory_space<hbm>> -> memref<32x768xf32, #tpu.memory_space<hbm>>
    %dma_start3A_547 = arith.constant 0 : i32
    %dma_start3A_548 = tpu.memref_slice %arg2[%add3A_544, %dma_start3A_547] : memref<36864x768xf32, #tpu.memory_space<hbm>> -> memref<32x768xf32, #tpu.memory_space<hbm>>
    tpu.enqueue_dma source(%dma_start3A_548 : memref<32x768xf32, #tpu.memory_space<hbm>>) target(%arg4 : memref<32x768xf32, #tpu.memory_space<vmem>>) target_semaphore(%arg8 : memref<!tpu.dma_semaphore, #tpu.memory_space<semaphore_mem>>)
    %dma_wait3A_549 = arith.constant 0 : i32
    %dma_wait3A_550 = tpu.memref_slice %arg2[%add3A_496, %dma_wait3A_549] : memref<36864x768xf32, #tpu.memory_space<hbm>> -> memref<32x768xf32, #tpu.memory_space<hbm>>
    %dma_wait3A_551 = arith.constant 0 : i32
    %dma_wait3A_552 = tpu.memref_slice %arg2[%add3A_496, %dma_wait3A_551] : memref<36864x768xf32, #tpu.memory_space<hbm>> -> memref<32x768xf32, #tpu.memory_space<hbm>>
    tpu.wait_dma2 semaphore(%arg10 : memref<!tpu.dma_semaphore, #tpu.memory_space<semaphore_mem>>) src(%dma_wait3A_552 : memref<32x768xf32, #tpu.memory_space<hbm>>) dst(%arg6 : memref<32x768xf32, #tpu.memory_space<vmem>>)
    %add3A_553 = arith.constant 20480 : i32
    %add3A_554 = arith.addi %add3A_553, %mul3A_2 : i32
    %add3A_555 = arith.constant 64 : i32
    %add3A_556 = arith.addi %add3A_554, %add3A_555 : i32
    %dma_start3A_557 = arith.constant 0 : i32
    %dma_start3A_558 = tpu.memref_slice %arg3[%add3A_556, %dma_start3A_557] : memref<36864x768xf32, #tpu.memory_space<hbm>> -> memref<32x768xf32, #tpu.memory_space<hbm>>
    %dma_start3A_559 = arith.constant 0 : i32
    %dma_start3A_560 = tpu.memref_slice %arg3[%add3A_556, %dma_start3A_559] : memref<36864x768xf32, #tpu.memory_space<hbm>> -> memref<32x768xf32, #tpu.memory_space<hbm>>
    tpu.enqueue_dma source(%arg6 : memref<32x768xf32, #tpu.memory_space<vmem>>) target(%dma_start3A_560 : memref<32x768xf32, #tpu.memory_space<hbm>>) target_semaphore(%arg14 : memref<!tpu.dma_semaphore, #tpu.memory_space<semaphore_mem>>)
    %dma_wait3A_561 = arith.constant 0 : i32
    %dma_wait3A_562 = tpu.memref_slice %arg3[%add3A_532, %dma_wait3A_561] : memref<36864x768xf32, #tpu.memory_space<hbm>> -> memref<32x768xf32, #tpu.memory_space<hbm>>
    %dma_wait3A_563 = arith.constant 0 : i32
    %dma_wait3A_564 = tpu.memref_slice %arg3[%add3A_532, %dma_wait3A_563] : memref<36864x768xf32, #tpu.memory_space<hbm>> -> memref<32x768xf32, #tpu.memory_space<hbm>>
    tpu.wait_dma2 semaphore(%arg13 : memref<!tpu.dma_semaphore, #tpu.memory_space<semaphore_mem>>) src(%arg5 : memref<32x768xf32, #tpu.memory_space<vmem>>) dst(%dma_wait3A_564 : memref<32x768xf32, #tpu.memory_space<hbm>>)
    %add3A_565 = arith.constant 4096 : i32
    %add3A_566 = arith.addi %add3A_565, %mul3A_2 : i32
    %add3A_567 = arith.constant 32 : i32
    %add3A_568 = arith.addi %add3A_566, %add3A_567 : i32
    %dma_start3A_569 = arith.constant 0 : i32
    %dma_start3A_570 = tpu.memref_slice %arg2[%add3A_568, %dma_start3A_569] : memref<36864x768xf32, #tpu.memory_space<hbm>> -> memref<32x768xf32, #tpu.memory_space<hbm>>
    %dma_start3A_571 = arith.constant 0 : i32
    %dma_start3A_572 = tpu.memref_slice %arg2[%add3A_568, %dma_start3A_571] : memref<36864x768xf32, #tpu.memory_space<hbm>> -> memref<32x768xf32, #tpu.memory_space<hbm>>
    tpu.enqueue_dma source(%dma_start3A_572 : memref<32x768xf32, #tpu.memory_space<hbm>>) target(%arg5 : memref<32x768xf32, #tpu.memory_space<vmem>>) target_semaphore(%arg9 : memref<!tpu.dma_semaphore, #tpu.memory_space<semaphore_mem>>)
    %dma_wait3A_573 = arith.constant 0 : i32
    %dma_wait3A_574 = tpu.memref_slice %arg2[%add3A_520, %dma_wait3A_573] : memref<36864x768xf32, #tpu.memory_space<hbm>> -> memref<32x768xf32, #tpu.memory_space<hbm>>
    %dma_wait3A_575 = arith.constant 0 : i32
    %dma_wait3A_576 = tpu.memref_slice %arg2[%add3A_520, %dma_wait3A_575] : memref<36864x768xf32, #tpu.memory_space<hbm>> -> memref<32x768xf32, #tpu.memory_space<hbm>>
    tpu.wait_dma2 semaphore(%arg11 : memref<!tpu.dma_semaphore, #tpu.memory_space<semaphore_mem>>) src(%dma_wait3A_576 : memref<32x768xf32, #tpu.memory_space<hbm>>) dst(%arg7 : memref<32x768xf32, #tpu.memory_space<vmem>>)
    %add3A_577 = arith.constant 20480 : i32
    %add3A_578 = arith.addi %add3A_577, %mul3A_2 : i32
    %add3A_579 = arith.constant 96 : i32
    %add3A_580 = arith.addi %add3A_578, %add3A_579 : i32
    %dma_start3A_581 = arith.constant 0 : i32
    %dma_start3A_582 = tpu.memref_slice %arg3[%add3A_580, %dma_start3A_581] : memref<36864x768xf32, #tpu.memory_space<hbm>> -> memref<32x768xf32, #tpu.memory_space<hbm>>
    %dma_start3A_583 = arith.constant 0 : i32
    %dma_start3A_584 = tpu.memref_slice %arg3[%add3A_580, %dma_start3A_583] : memref<36864x768xf32, #tpu.memory_space<hbm>> -> memref<32x768xf32, #tpu.memory_space<hbm>>
    tpu.enqueue_dma source(%arg7 : memref<32x768xf32, #tpu.memory_space<vmem>>) target(%dma_start3A_584 : memref<32x768xf32, #tpu.memory_space<hbm>>) target_semaphore(%arg15 : memref<!tpu.dma_semaphore, #tpu.memory_space<semaphore_mem>>)
    %dma_wait3A_585 = arith.constant 0 : i32
    %dma_wait3A_586 = tpu.memref_slice %arg3[%add3A_556, %dma_wait3A_585] : memref<36864x768xf32, #tpu.memory_space<hbm>> -> memref<32x768xf32, #tpu.memory_space<hbm>>
    %dma_wait3A_587 = arith.constant 0 : i32
    %dma_wait3A_588 = tpu.memref_slice %arg3[%add3A_556, %dma_wait3A_587] : memref<36864x768xf32, #tpu.memory_space<hbm>> -> memref<32x768xf32, #tpu.memory_space<hbm>>
    tpu.wait_dma2 semaphore(%arg14 : memref<!tpu.dma_semaphore, #tpu.memory_space<semaphore_mem>>) src(%arg6 : memref<32x768xf32, #tpu.memory_space<vmem>>) dst(%dma_wait3A_588 : memref<32x768xf32, #tpu.memory_space<hbm>>)
    %add3A_589 = arith.constant 4096 : i32
    %add3A_590 = arith.addi %add3A_589, %mul3A_2 : i32
    %add3A_591 = arith.constant 64 : i32
    %add3A_592 = arith.addi %add3A_590, %add3A_591 : i32
    %dma_start3A_593 = arith.constant 0 : i32
    %dma_start3A_594 = tpu.memref_slice %arg2[%add3A_592, %dma_start3A_593] : memref<36864x768xf32, #tpu.memory_space<hbm>> -> memref<32x768xf32, #tpu.memory_space<hbm>>
    %dma_start3A_595 = arith.constant 0 : i32
    %dma_start3A_596 = tpu.memref_slice %arg2[%add3A_592, %dma_start3A_595] : memref<36864x768xf32, #tpu.memory_space<hbm>> -> memref<32x768xf32, #tpu.memory_space<hbm>>
    tpu.enqueue_dma source(%dma_start3A_596 : memref<32x768xf32, #tpu.memory_space<hbm>>) target(%arg6 : memref<32x768xf32, #tpu.memory_space<vmem>>) target_semaphore(%arg10 : memref<!tpu.dma_semaphore, #tpu.memory_space<semaphore_mem>>)
    %dma_wait3A_597 = arith.constant 0 : i32
    %dma_wait3A_598 = tpu.memref_slice %arg2[%add3A_544, %dma_wait3A_597] : memref<36864x768xf32, #tpu.memory_space<hbm>> -> memref<32x768xf32, #tpu.memory_space<hbm>>
    %dma_wait3A_599 = arith.constant 0 : i32
    %dma_wait3A_600 = tpu.memref_slice %arg2[%add3A_544, %dma_wait3A_599] : memref<36864x768xf32, #tpu.memory_space<hbm>> -> memref<32x768xf32, #tpu.memory_space<hbm>>
    tpu.wait_dma2 semaphore(%arg8 : memref<!tpu.dma_semaphore, #tpu.memory_space<semaphore_mem>>) src(%dma_wait3A_600 : memref<32x768xf32, #tpu.memory_space<hbm>>) dst(%arg4 : memref<32x768xf32, #tpu.memory_space<vmem>>)
    %add3A_601 = arith.constant 24576 : i32
    %add3A_602 = arith.addi %add3A_601, %mul3A_2 : i32
    %add3A_603 = arith.constant 0 : i32
    %add3A_604 = arith.addi %add3A_602, %add3A_603 : i32
    %dma_start3A_605 = arith.constant 0 : i32
    %dma_start3A_606 = tpu.memref_slice %arg3[%add3A_604, %dma_start3A_605] : memref<36864x768xf32, #tpu.memory_space<hbm>> -> memref<32x768xf32, #tpu.memory_space<hbm>>
    %dma_start3A_607 = arith.constant 0 : i32
    %dma_start3A_608 = tpu.memref_slice %arg3[%add3A_604, %dma_start3A_607] : memref<36864x768xf32, #tpu.memory_space<hbm>> -> memref<32x768xf32, #tpu.memory_space<hbm>>
    tpu.enqueue_dma source(%arg4 : memref<32x768xf32, #tpu.memory_space<vmem>>) target(%dma_start3A_608 : memref<32x768xf32, #tpu.memory_space<hbm>>) target_semaphore(%arg12 : memref<!tpu.dma_semaphore, #tpu.memory_space<semaphore_mem>>)
    %dma_wait3A_609 = arith.constant 0 : i32
    %dma_wait3A_610 = tpu.memref_slice %arg3[%add3A_580, %dma_wait3A_609] : memref<36864x768xf32, #tpu.memory_space<hbm>> -> memref<32x768xf32, #tpu.memory_space<hbm>>
    %dma_wait3A_611 = arith.constant 0 : i32
    %dma_wait3A_612 = tpu.memref_slice %arg3[%add3A_580, %dma_wait3A_611] : memref<36864x768xf32, #tpu.memory_space<hbm>> -> memref<32x768xf32, #tpu.memory_space<hbm>>
    tpu.wait_dma2 semaphore(%arg15 : memref<!tpu.dma_semaphore, #tpu.memory_space<semaphore_mem>>) src(%arg7 : memref<32x768xf32, #tpu.memory_space<vmem>>) dst(%dma_wait3A_612 : memref<32x768xf32, #tpu.memory_space<hbm>>)
    %add3A_613 = arith.constant 4096 : i32
    %add3A_614 = arith.addi %add3A_613, %mul3A_2 : i32
    %add3A_615 = arith.constant 96 : i32
    %add3A_616 = arith.addi %add3A_614, %add3A_615 : i32
    %dma_start3A_617 = arith.constant 0 : i32
    %dma_start3A_618 = tpu.memref_slice %arg2[%add3A_616, %dma_start3A_617] : memref<36864x768xf32, #tpu.memory_space<hbm>> -> memref<32x768xf32, #tpu.memory_space<hbm>>
    %dma_start3A_619 = arith.constant 0 : i32
    %dma_start3A_620 = tpu.memref_slice %arg2[%add3A_616, %dma_start3A_619] : memref<36864x768xf32, #tpu.memory_space<hbm>> -> memref<32x768xf32, #tpu.memory_space<hbm>>
    tpu.enqueue_dma source(%dma_start3A_620 : memref<32x768xf32, #tpu.memory_space<hbm>>) target(%arg7 : memref<32x768xf32, #tpu.memory_space<vmem>>) target_semaphore(%arg11 : memref<!tpu.dma_semaphore, #tpu.memory_space<semaphore_mem>>)
    %dma_wait3A_621 = arith.constant 0 : i32
    %dma_wait3A_622 = tpu.memref_slice %arg2[%add3A_568, %dma_wait3A_621] : memref<36864x768xf32, #tpu.memory_space<hbm>> -> memref<32x768xf32, #tpu.memory_space<hbm>>
    %dma_wait3A_623 = arith.constant 0 : i32
    %dma_wait3A_624 = tpu.memref_slice %arg2[%add3A_568, %dma_wait3A_623] : memref<36864x768xf32, #tpu.memory_space<hbm>> -> memref<32x768xf32, #tpu.memory_space<hbm>>
    tpu.wait_dma2 semaphore(%arg9 : memref<!tpu.dma_semaphore, #tpu.memory_space<semaphore_mem>>) src(%dma_wait3A_624 : memref<32x768xf32, #tpu.memory_space<hbm>>) dst(%arg5 : memref<32x768xf32, #tpu.memory_space<vmem>>)
    %add3A_625 = arith.constant 24576 : i32
    %add3A_626 = arith.addi %add3A_625, %mul3A_2 : i32
    %add3A_627 = arith.constant 32 : i32
    %add3A_628 = arith.addi %add3A_626, %add3A_627 : i32
    %dma_start3A_629 = arith.constant 0 : i32
    %dma_start3A_630 = tpu.memref_slice %arg3[%add3A_628, %dma_start3A_629] : memref<36864x768xf32, #tpu.memory_space<hbm>> -> memref<32x768xf32, #tpu.memory_space<hbm>>
    %dma_start3A_631 = arith.constant 0 : i32
    %dma_start3A_632 = tpu.memref_slice %arg3[%add3A_628, %dma_start3A_631] : memref<36864x768xf32, #tpu.memory_space<hbm>> -> memref<32x768xf32, #tpu.memory_space<hbm>>
    tpu.enqueue_dma source(%arg5 : memref<32x768xf32, #tpu.memory_space<vmem>>) target(%dma_start3A_632 : memref<32x768xf32, #tpu.memory_space<hbm>>) target_semaphore(%arg13 : memref<!tpu.dma_semaphore, #tpu.memory_space<semaphore_mem>>)
    %dma_wait3A_633 = arith.constant 0 : i32
    %dma_wait3A_634 = tpu.memref_slice %arg3[%add3A_604, %dma_wait3A_633] : memref<36864x768xf32, #tpu.memory_space<hbm>> -> memref<32x768xf32, #tpu.memory_space<hbm>>
    %dma_wait3A_635 = arith.constant 0 : i32
    %dma_wait3A_636 = tpu.memref_slice %arg3[%add3A_604, %dma_wait3A_635] : memref<36864x768xf32, #tpu.memory_space<hbm>> -> memref<32x768xf32, #tpu.memory_space<hbm>>
    tpu.wait_dma2 semaphore(%arg12 : memref<!tpu.dma_semaphore, #tpu.memory_space<semaphore_mem>>) src(%arg4 : memref<32x768xf32, #tpu.memory_space<vmem>>) dst(%dma_wait3A_636 : memref<32x768xf32, #tpu.memory_space<hbm>>)
    %add3A_637 = arith.constant 8192 : i32
    %add3A_638 = arith.addi %add3A_637, %mul3A_2 : i32
    %add3A_639 = arith.constant 0 : i32
    %add3A_640 = arith.addi %add3A_638, %add3A_639 : i32
    %dma_start3A_641 = arith.constant 0 : i32
    %dma_start3A_642 = tpu.memref_slice %arg2[%add3A_640, %dma_start3A_641] : memref<36864x768xf32, #tpu.memory_space<hbm>> -> memref<32x768xf32, #tpu.memory_space<hbm>>
    %dma_start3A_643 = arith.constant 0 : i32
    %dma_start3A_644 = tpu.memref_slice %arg2[%add3A_640, %dma_start3A_643] : memref<36864x768xf32, #tpu.memory_space<hbm>> -> memref<32x768xf32, #tpu.memory_space<hbm>>
    tpu.enqueue_dma source(%dma_start3A_644 : memref<32x768xf32, #tpu.memory_space<hbm>>) target(%arg4 : memref<32x768xf32, #tpu.memory_space<vmem>>) target_semaphore(%arg8 : memref<!tpu.dma_semaphore, #tpu.memory_space<semaphore_mem>>)
    %dma_wait3A_645 = arith.constant 0 : i32
    %dma_wait3A_646 = tpu.memref_slice %arg2[%add3A_592, %dma_wait3A_645] : memref<36864x768xf32, #tpu.memory_space<hbm>> -> memref<32x768xf32, #tpu.memory_space<hbm>>
    %dma_wait3A_647 = arith.constant 0 : i32
    %dma_wait3A_648 = tpu.memref_slice %arg2[%add3A_592, %dma_wait3A_647] : memref<36864x768xf32, #tpu.memory_space<hbm>> -> memref<32x768xf32, #tpu.memory_space<hbm>>
    tpu.wait_dma2 semaphore(%arg10 : memref<!tpu.dma_semaphore, #tpu.memory_space<semaphore_mem>>) src(%dma_wait3A_648 : memref<32x768xf32, #tpu.memory_space<hbm>>) dst(%arg6 : memref<32x768xf32, #tpu.memory_space<vmem>>)
    %add3A_649 = arith.constant 24576 : i32
    %add3A_650 = arith.addi %add3A_649, %mul3A_2 : i32
    %add3A_651 = arith.constant 64 : i32
    %add3A_652 = arith.addi %add3A_650, %add3A_651 : i32
    %dma_start3A_653 = arith.constant 0 : i32
    %dma_start3A_654 = tpu.memref_slice %arg3[%add3A_652, %dma_start3A_653] : memref<36864x768xf32, #tpu.memory_space<hbm>> -> memref<32x768xf32, #tpu.memory_space<hbm>>
    %dma_start3A_655 = arith.constant 0 : i32
    %dma_start3A_656 = tpu.memref_slice %arg3[%add3A_652, %dma_start3A_655] : memref<36864x768xf32, #tpu.memory_space<hbm>> -> memref<32x768xf32, #tpu.memory_space<hbm>>
    tpu.enqueue_dma source(%arg6 : memref<32x768xf32, #tpu.memory_space<vmem>>) target(%dma_start3A_656 : memref<32x768xf32, #tpu.memory_space<hbm>>) target_semaphore(%arg14 : memref<!tpu.dma_semaphore, #tpu.memory_space<semaphore_mem>>)
    %dma_wait3A_657 = arith.constant 0 : i32
    %dma_wait3A_658 = tpu.memref_slice %arg3[%add3A_628, %dma_wait3A_657] : memref<36864x768xf32, #tpu.memory_space<hbm>> -> memref<32x768xf32, #tpu.memory_space<hbm>>
    %dma_wait3A_659 = arith.constant 0 : i32
    %dma_wait3A_660 = tpu.memref_slice %arg3[%add3A_628, %dma_wait3A_659] : memref<36864x768xf32, #tpu.memory_space<hbm>> -> memref<32x768xf32, #tpu.memory_space<hbm>>
    tpu.wait_dma2 semaphore(%arg13 : memref<!tpu.dma_semaphore, #tpu.memory_space<semaphore_mem>>) src(%arg5 : memref<32x768xf32, #tpu.memory_space<vmem>>) dst(%dma_wait3A_660 : memref<32x768xf32, #tpu.memory_space<hbm>>)
    %add3A_661 = arith.constant 8192 : i32
    %add3A_662 = arith.addi %add3A_661, %mul3A_2 : i32
    %add3A_663 = arith.constant 32 : i32
    %add3A_664 = arith.addi %add3A_662, %add3A_663 : i32
    %dma_start3A_665 = arith.constant 0 : i32
    %dma_start3A_666 = tpu.memref_slice %arg2[%add3A_664, %dma_start3A_665] : memref<36864x768xf32, #tpu.memory_space<hbm>> -> memref<32x768xf32, #tpu.memory_space<hbm>>
    %dma_start3A_667 = arith.constant 0 : i32
    %dma_start3A_668 = tpu.memref_slice %arg2[%add3A_664, %dma_start3A_667] : memref<36864x768xf32, #tpu.memory_space<hbm>> -> memref<32x768xf32, #tpu.memory_space<hbm>>
    tpu.enqueue_dma source(%dma_start3A_668 : memref<32x768xf32, #tpu.memory_space<hbm>>) target(%arg5 : memref<32x768xf32, #tpu.memory_space<vmem>>) target_semaphore(%arg9 : memref<!tpu.dma_semaphore, #tpu.memory_space<semaphore_mem>>)
    %dma_wait3A_669 = arith.constant 0 : i32
    %dma_wait3A_670 = tpu.memref_slice %arg2[%add3A_616, %dma_wait3A_669] : memref<36864x768xf32, #tpu.memory_space<hbm>> -> memref<32x768xf32, #tpu.memory_space<hbm>>
    %dma_wait3A_671 = arith.constant 0 : i32
    %dma_wait3A_672 = tpu.memref_slice %arg2[%add3A_616, %dma_wait3A_671] : memref<36864x768xf32, #tpu.memory_space<hbm>> -> memref<32x768xf32, #tpu.memory_space<hbm>>
    tpu.wait_dma2 semaphore(%arg11 : memref<!tpu.dma_semaphore, #tpu.memory_space<semaphore_mem>>) src(%dma_wait3A_672 : memref<32x768xf32, #tpu.memory_space<hbm>>) dst(%arg7 : memref<32x768xf32, #tpu.memory_space<vmem>>)
    %add3A_673 = arith.constant 24576 : i32
    %add3A_674 = arith.addi %add3A_673, %mul3A_2 : i32
    %add3A_675 = arith.constant 96 : i32
    %add3A_676 = arith.addi %add3A_674, %add3A_675 : i32
    %dma_start3A_677 = arith.constant 0 : i32
    %dma_start3A_678 = tpu.memref_slice %arg3[%add3A_676, %dma_start3A_677] : memref<36864x768xf32, #tpu.memory_space<hbm>> -> memref<32x768xf32, #tpu.memory_space<hbm>>
    %dma_start3A_679 = arith.constant 0 : i32
    %dma_start3A_680 = tpu.memref_slice %arg3[%add3A_676, %dma_start3A_679] : memref<36864x768xf32, #tpu.memory_space<hbm>> -> memref<32x768xf32, #tpu.memory_space<hbm>>
    tpu.enqueue_dma source(%arg7 : memref<32x768xf32, #tpu.memory_space<vmem>>) target(%dma_start3A_680 : memref<32x768xf32, #tpu.memory_space<hbm>>) target_semaphore(%arg15 : memref<!tpu.dma_semaphore, #tpu.memory_space<semaphore_mem>>)
    %dma_wait3A_681 = arith.constant 0 : i32
    %dma_wait3A_682 = tpu.memref_slice %arg3[%add3A_652, %dma_wait3A_681] : memref<36864x768xf32, #tpu.memory_space<hbm>> -> memref<32x768xf32, #tpu.memory_space<hbm>>
    %dma_wait3A_683 = arith.constant 0 : i32
    %dma_wait3A_684 = tpu.memref_slice %arg3[%add3A_652, %dma_wait3A_683] : memref<36864x768xf32, #tpu.memory_space<hbm>> -> memref<32x768xf32, #tpu.memory_space<hbm>>
    tpu.wait_dma2 semaphore(%arg14 : memref<!tpu.dma_semaphore, #tpu.memory_space<semaphore_mem>>) src(%arg6 : memref<32x768xf32, #tpu.memory_space<vmem>>) dst(%dma_wait3A_684 : memref<32x768xf32, #tpu.memory_space<hbm>>)
    %add3A_685 = arith.constant 8192 : i32
    %add3A_686 = arith.addi %add3A_685, %mul3A_2 : i32
    %add3A_687 = arith.constant 64 : i32
    %add3A_688 = arith.addi %add3A_686, %add3A_687 : i32
    %dma_start3A_689 = arith.constant 0 : i32
    %dma_start3A_690 = tpu.memref_slice %arg2[%add3A_688, %dma_start3A_689] : memref<36864x768xf32, #tpu.memory_space<hbm>> -> memref<32x768xf32, #tpu.memory_space<hbm>>
    %dma_start3A_691 = arith.constant 0 : i32
    %dma_start3A_692 = tpu.memref_slice %arg2[%add3A_688, %dma_start3A_691] : memref<36864x768xf32, #tpu.memory_space<hbm>> -> memref<32x768xf32, #tpu.memory_space<hbm>>
    tpu.enqueue_dma source(%dma_start3A_692 : memref<32x768xf32, #tpu.memory_space<hbm>>) target(%arg6 : memref<32x768xf32, #tpu.memory_space<vmem>>) target_semaphore(%arg10 : memref<!tpu.dma_semaphore, #tpu.memory_space<semaphore_mem>>)
    %dma_wait3A_693 = arith.constant 0 : i32
    %dma_wait3A_694 = tpu.memref_slice %arg2[%add3A_640, %dma_wait3A_693] : memref<36864x768xf32, #tpu.memory_space<hbm>> -> memref<32x768xf32, #tpu.memory_space<hbm>>
    %dma_wait3A_695 = arith.constant 0 : i32
    %dma_wait3A_696 = tpu.memref_slice %arg2[%add3A_640, %dma_wait3A_695] : memref<36864x768xf32, #tpu.memory_space<hbm>> -> memref<32x768xf32, #tpu.memory_space<hbm>>
    tpu.wait_dma2 semaphore(%arg8 : memref<!tpu.dma_semaphore, #tpu.memory_space<semaphore_mem>>) src(%dma_wait3A_696 : memref<32x768xf32, #tpu.memory_space<hbm>>) dst(%arg4 : memref<32x768xf32, #tpu.memory_space<vmem>>)
    %add3A_697 = arith.constant 28672 : i32
    %add3A_698 = arith.addi %add3A_697, %mul3A_2 : i32
    %add3A_699 = arith.constant 0 : i32
    %add3A_700 = arith.addi %add3A_698, %add3A_699 : i32
    %dma_start3A_701 = arith.constant 0 : i32
    %dma_start3A_702 = tpu.memref_slice %arg3[%add3A_700, %dma_start3A_701] : memref<36864x768xf32, #tpu.memory_space<hbm>> -> memref<32x768xf32, #tpu.memory_space<hbm>>
    %dma_start3A_703 = arith.constant 0 : i32
    %dma_start3A_704 = tpu.memref_slice %arg3[%add3A_700, %dma_start3A_703] : memref<36864x768xf32, #tpu.memory_space<hbm>> -> memref<32x768xf32, #tpu.memory_space<hbm>>
    tpu.enqueue_dma source(%arg4 : memref<32x768xf32, #tpu.memory_space<vmem>>) target(%dma_start3A_704 : memref<32x768xf32, #tpu.memory_space<hbm>>) target_semaphore(%arg12 : memref<!tpu.dma_semaphore, #tpu.memory_space<semaphore_mem>>)
    %dma_wait3A_705 = arith.constant 0 : i32
    %dma_wait3A_706 = tpu.memref_slice %arg3[%add3A_676, %dma_wait3A_705] : memref<36864x768xf32, #tpu.memory_space<hbm>> -> memref<32x768xf32, #tpu.memory_space<hbm>>
    %dma_wait3A_707 = arith.constant 0 : i32
    %dma_wait3A_708 = tpu.memref_slice %arg3[%add3A_676, %dma_wait3A_707] : memref<36864x768xf32, #tpu.memory_space<hbm>> -> memref<32x768xf32, #tpu.memory_space<hbm>>
    tpu.wait_dma2 semaphore(%arg15 : memref<!tpu.dma_semaphore, #tpu.memory_space<semaphore_mem>>) src(%arg7 : memref<32x768xf32, #tpu.memory_space<vmem>>) dst(%dma_wait3A_708 : memref<32x768xf32, #tpu.memory_space<hbm>>)
    %add3A_709 = arith.constant 8192 : i32
    %add3A_710 = arith.addi %add3A_709, %mul3A_2 : i32
    %add3A_711 = arith.constant 96 : i32
    %add3A_712 = arith.addi %add3A_710, %add3A_711 : i32
    %dma_start3A_713 = arith.constant 0 : i32
    %dma_start3A_714 = tpu.memref_slice %arg2[%add3A_712, %dma_start3A_713] : memref<36864x768xf32, #tpu.memory_space<hbm>> -> memref<32x768xf32, #tpu.memory_space<hbm>>
    %dma_start3A_715 = arith.constant 0 : i32
    %dma_start3A_716 = tpu.memref_slice %arg2[%add3A_712, %dma_start3A_715] : memref<36864x768xf32, #tpu.memory_space<hbm>> -> memref<32x768xf32, #tpu.memory_space<hbm>>
    tpu.enqueue_dma source(%dma_start3A_716 : memref<32x768xf32, #tpu.memory_space<hbm>>) target(%arg7 : memref<32x768xf32, #tpu.memory_space<vmem>>) target_semaphore(%arg11 : memref<!tpu.dma_semaphore, #tpu.memory_space<semaphore_mem>>)
    %dma_wait3A_717 = arith.constant 0 : i32
    %dma_wait3A_718 = tpu.memref_slice %arg2[%add3A_664, %dma_wait3A_717] : memref<36864x768xf32, #tpu.memory_space<hbm>> -> memref<32x768xf32, #tpu.memory_space<hbm>>
    %dma_wait3A_719 = arith.constant 0 : i32
    %dma_wait3A_720 = tpu.memref_slice %arg2[%add3A_664, %dma_wait3A_719] : memref<36864x768xf32, #tpu.memory_space<hbm>> -> memref<32x768xf32, #tpu.memory_space<hbm>>
    tpu.wait_dma2 semaphore(%arg9 : memref<!tpu.dma_semaphore, #tpu.memory_space<semaphore_mem>>) src(%dma_wait3A_720 : memref<32x768xf32, #tpu.memory_space<hbm>>) dst(%arg5 : memref<32x768xf32, #tpu.memory_space<vmem>>)
    %add3A_721 = arith.constant 28672 : i32
    %add3A_722 = arith.addi %add3A_721, %mul3A_2 : i32
    %add3A_723 = arith.constant 32 : i32
    %add3A_724 = arith.addi %add3A_722, %add3A_723 : i32
    %dma_start3A_725 = arith.constant 0 : i32
    %dma_start3A_726 = tpu.memref_slice %arg3[%add3A_724, %dma_start3A_725] : memref<36864x768xf32, #tpu.memory_space<hbm>> -> memref<32x768xf32, #tpu.memory_space<hbm>>
    %dma_start3A_727 = arith.constant 0 : i32
    %dma_start3A_728 = tpu.memref_slice %arg3[%add3A_724, %dma_start3A_727] : memref<36864x768xf32, #tpu.memory_space<hbm>> -> memref<32x768xf32, #tpu.memory_space<hbm>>
    tpu.enqueue_dma source(%arg5 : memref<32x768xf32, #tpu.memory_space<vmem>>) target(%dma_start3A_728 : memref<32x768xf32, #tpu.memory_space<hbm>>) target_semaphore(%arg13 : memref<!tpu.dma_semaphore, #tpu.memory_space<semaphore_mem>>)
    %dma_wait3A_729 = arith.constant 0 : i32
    %dma_wait3A_730 = tpu.memref_slice %arg3[%add3A_700, %dma_wait3A_729] : memref<36864x768xf32, #tpu.memory_space<hbm>> -> memref<32x768xf32, #tpu.memory_space<hbm>>
    %dma_wait3A_731 = arith.constant 0 : i32
    %dma_wait3A_732 = tpu.memref_slice %arg3[%add3A_700, %dma_wait3A_731] : memref<36864x768xf32, #tpu.memory_space<hbm>> -> memref<32x768xf32, #tpu.memory_space<hbm>>
    tpu.wait_dma2 semaphore(%arg12 : memref<!tpu.dma_semaphore, #tpu.memory_space<semaphore_mem>>) src(%arg4 : memref<32x768xf32, #tpu.memory_space<vmem>>) dst(%dma_wait3A_732 : memref<32x768xf32, #tpu.memory_space<hbm>>)
    %add3A_733 = arith.constant 12288 : i32
    %add3A_734 = arith.addi %add3A_733, %mul3A_2 : i32
    %add3A_735 = arith.constant 0 : i32
    %add3A_736 = arith.addi %add3A_734, %add3A_735 : i32
    %dma_start3A_737 = arith.constant 0 : i32
    %dma_start3A_738 = tpu.memref_slice %arg2[%add3A_736, %dma_start3A_737] : memref<36864x768xf32, #tpu.memory_space<hbm>> -> memref<32x768xf32, #tpu.memory_space<hbm>>
    %dma_start3A_739 = arith.constant 0 : i32
    %dma_start3A_740 = tpu.memref_slice %arg2[%add3A_736, %dma_start3A_739] : memref<36864x768xf32, #tpu.memory_space<hbm>> -> memref<32x768xf32, #tpu.memory_space<hbm>>
    tpu.enqueue_dma source(%dma_start3A_740 : memref<32x768xf32, #tpu.memory_space<hbm>>) target(%arg4 : memref<32x768xf32, #tpu.memory_space<vmem>>) target_semaphore(%arg8 : memref<!tpu.dma_semaphore, #tpu.memory_space<semaphore_mem>>)
    %dma_wait3A_741 = arith.constant 0 : i32
    %dma_wait3A_742 = tpu.memref_slice %arg2[%add3A_688, %dma_wait3A_741] : memref<36864x768xf32, #tpu.memory_space<hbm>> -> memref<32x768xf32, #tpu.memory_space<hbm>>
    %dma_wait3A_743 = arith.constant 0 : i32
    %dma_wait3A_744 = tpu.memref_slice %arg2[%add3A_688, %dma_wait3A_743] : memref<36864x768xf32, #tpu.memory_space<hbm>> -> memref<32x768xf32, #tpu.memory_space<hbm>>
    tpu.wait_dma2 semaphore(%arg10 : memref<!tpu.dma_semaphore, #tpu.memory_space<semaphore_mem>>) src(%dma_wait3A_744 : memref<32x768xf32, #tpu.memory_space<hbm>>) dst(%arg6 : memref<32x768xf32, #tpu.memory_space<vmem>>)
    %add3A_745 = arith.constant 28672 : i32
    %add3A_746 = arith.addi %add3A_745, %mul3A_2 : i32
    %add3A_747 = arith.constant 64 : i32
    %add3A_748 = arith.addi %add3A_746, %add3A_747 : i32
    %dma_start3A_749 = arith.constant 0 : i32
    %dma_start3A_750 = tpu.memref_slice %arg3[%add3A_748, %dma_start3A_749] : memref<36864x768xf32, #tpu.memory_space<hbm>> -> memref<32x768xf32, #tpu.memory_space<hbm>>
    %dma_start3A_751 = arith.constant 0 : i32
    %dma_start3A_752 = tpu.memref_slice %arg3[%add3A_748, %dma_start3A_751] : memref<36864x768xf32, #tpu.memory_space<hbm>> -> memref<32x768xf32, #tpu.memory_space<hbm>>
    tpu.enqueue_dma source(%arg6 : memref<32x768xf32, #tpu.memory_space<vmem>>) target(%dma_start3A_752 : memref<32x768xf32, #tpu.memory_space<hbm>>) target_semaphore(%arg14 : memref<!tpu.dma_semaphore, #tpu.memory_space<semaphore_mem>>)
    %dma_wait3A_753 = arith.constant 0 : i32
    %dma_wait3A_754 = tpu.memref_slice %arg3[%add3A_724, %dma_wait3A_753] : memref<36864x768xf32, #tpu.memory_space<hbm>> -> memref<32x768xf32, #tpu.memory_space<hbm>>
    %dma_wait3A_755 = arith.constant 0 : i32
    %dma_wait3A_756 = tpu.memref_slice %arg3[%add3A_724, %dma_wait3A_755] : memref<36864x768xf32, #tpu.memory_space<hbm>> -> memref<32x768xf32, #tpu.memory_space<hbm>>
    tpu.wait_dma2 semaphore(%arg13 : memref<!tpu.dma_semaphore, #tpu.memory_space<semaphore_mem>>) src(%arg5 : memref<32x768xf32, #tpu.memory_space<vmem>>) dst(%dma_wait3A_756 : memref<32x768xf32, #tpu.memory_space<hbm>>)
    %add3A_757 = arith.constant 12288 : i32
    %add3A_758 = arith.addi %add3A_757, %mul3A_2 : i32
    %add3A_759 = arith.constant 32 : i32
    %add3A_760 = arith.addi %add3A_758, %add3A_759 : i32
    %dma_start3A_761 = arith.constant 0 : i32
    %dma_start3A_762 = tpu.memref_slice %arg2[%add3A_760, %dma_start3A_761] : memref<36864x768xf32, #tpu.memory_space<hbm>> -> memref<32x768xf32, #tpu.memory_space<hbm>>
    %dma_start3A_763 = arith.constant 0 : i32
    %dma_start3A_764 = tpu.memref_slice %arg2[%add3A_760, %dma_start3A_763] : memref<36864x768xf32, #tpu.memory_space<hbm>> -> memref<32x768xf32, #tpu.memory_space<hbm>>
    tpu.enqueue_dma source(%dma_start3A_764 : memref<32x768xf32, #tpu.memory_space<hbm>>) target(%arg5 : memref<32x768xf32, #tpu.memory_space<vmem>>) target_semaphore(%arg9 : memref<!tpu.dma_semaphore, #tpu.memory_space<semaphore_mem>>)
    %dma_wait3A_765 = arith.constant 0 : i32
    %dma_wait3A_766 = tpu.memref_slice %arg2[%add3A_712, %dma_wait3A_765] : memref<36864x768xf32, #tpu.memory_space<hbm>> -> memref<32x768xf32, #tpu.memory_space<hbm>>
    %dma_wait3A_767 = arith.constant 0 : i32
    %dma_wait3A_768 = tpu.memref_slice %arg2[%add3A_712, %dma_wait3A_767] : memref<36864x768xf32, #tpu.memory_space<hbm>> -> memref<32x768xf32, #tpu.memory_space<hbm>>
    tpu.wait_dma2 semaphore(%arg11 : memref<!tpu.dma_semaphore, #tpu.memory_space<semaphore_mem>>) src(%dma_wait3A_768 : memref<32x768xf32, #tpu.memory_space<hbm>>) dst(%arg7 : memref<32x768xf32, #tpu.memory_space<vmem>>)
    %add3A_769 = arith.constant 28672 : i32
    %add3A_770 = arith.addi %add3A_769, %mul3A_2 : i32
    %add3A_771 = arith.constant 96 : i32
    %add3A_772 = arith.addi %add3A_770, %add3A_771 : i32
    %dma_start3A_773 = arith.constant 0 : i32
    %dma_start3A_774 = tpu.memref_slice %arg3[%add3A_772, %dma_start3A_773] : memref<36864x768xf32, #tpu.memory_space<hbm>> -> memref<32x768xf32, #tpu.memory_space<hbm>>
    %dma_start3A_775 = arith.constant 0 : i32
    %dma_start3A_776 = tpu.memref_slice %arg3[%add3A_772, %dma_start3A_775] : memref<36864x768xf32, #tpu.memory_space<hbm>> -> memref<32x768xf32, #tpu.memory_space<hbm>>
    tpu.enqueue_dma source(%arg7 : memref<32x768xf32, #tpu.memory_space<vmem>>) target(%dma_start3A_776 : memref<32x768xf32, #tpu.memory_space<hbm>>) target_semaphore(%arg15 : memref<!tpu.dma_semaphore, #tpu.memory_space<semaphore_mem>>)
    %dma_wait3A_777 = arith.constant 0 : i32
    %dma_wait3A_778 = tpu.memref_slice %arg3[%add3A_748, %dma_wait3A_777] : memref<36864x768xf32, #tpu.memory_space<hbm>> -> memref<32x768xf32, #tpu.memory_space<hbm>>
    %dma_wait3A_779 = arith.constant 0 : i32
    %dma_wait3A_780 = tpu.memref_slice %arg3[%add3A_748, %dma_wait3A_779] : memref<36864x768xf32, #tpu.memory_space<hbm>> -> memref<32x768xf32, #tpu.memory_space<hbm>>
    tpu.wait_dma2 semaphore(%arg14 : memref<!tpu.dma_semaphore, #tpu.memory_space<semaphore_mem>>) src(%arg6 : memref<32x768xf32, #tpu.memory_space<vmem>>) dst(%dma_wait3A_780 : memref<32x768xf32, #tpu.memory_space<hbm>>)
    %add3A_781 = arith.constant 12288 : i32
    %add3A_782 = arith.addi %add3A_781, %mul3A_2 : i32
    %add3A_783 = arith.constant 64 : i32
    %add3A_784 = arith.addi %add3A_782, %add3A_783 : i32
    %dma_start3A_785 = arith.constant 0 : i32
    %dma_start3A_786 = tpu.memref_slice %arg2[%add3A_784, %dma_start3A_785] : memref<36864x768xf32, #tpu.memory_space<hbm>> -> memref<32x768xf32, #tpu.memory_space<hbm>>
    %dma_start3A_787 = arith.constant 0 : i32
    %dma_start3A_788 = tpu.memref_slice %arg2[%add3A_784, %dma_start3A_787] : memref<36864x768xf32, #tpu.memory_space<hbm>> -> memref<32x768xf32, #tpu.memory_space<hbm>>
    tpu.enqueue_dma source(%dma_start3A_788 : memref<32x768xf32, #tpu.memory_space<hbm>>) target(%arg6 : memref<32x768xf32, #tpu.memory_space<vmem>>) target_semaphore(%arg10 : memref<!tpu.dma_semaphore, #tpu.memory_space<semaphore_mem>>)
    %dma_wait3A_789 = arith.constant 0 : i32
    %dma_wait3A_790 = tpu.memref_slice %arg2[%add3A_736, %dma_wait3A_789] : memref<36864x768xf32, #tpu.memory_space<hbm>> -> memref<32x768xf32, #tpu.memory_space<hbm>>
    %dma_wait3A_791 = arith.constant 0 : i32
    %dma_wait3A_792 = tpu.memref_slice %arg2[%add3A_736, %dma_wait3A_791] : memref<36864x768xf32, #tpu.memory_space<hbm>> -> memref<32x768xf32, #tpu.memory_space<hbm>>
    tpu.wait_dma2 semaphore(%arg8 : memref<!tpu.dma_semaphore, #tpu.memory_space<semaphore_mem>>) src(%dma_wait3A_792 : memref<32x768xf32, #tpu.memory_space<hbm>>) dst(%arg4 : memref<32x768xf32, #tpu.memory_space<vmem>>)
    %add3A_793 = arith.constant 32768 : i32
    %add3A_794 = arith.addi %add3A_793, %mul3A_2 : i32
    %add3A_795 = arith.constant 0 : i32
    %add3A_796 = arith.addi %add3A_794, %add3A_795 : i32
    %dma_start3A_797 = arith.constant 0 : i32
    %dma_start3A_798 = tpu.memref_slice %arg3[%add3A_796, %dma_start3A_797] : memref<36864x768xf32, #tpu.memory_space<hbm>> -> memref<32x768xf32, #tpu.memory_space<hbm>>
    %dma_start3A_799 = arith.constant 0 : i32
    %dma_start3A_800 = tpu.memref_slice %arg3[%add3A_796, %dma_start3A_799] : memref<36864x768xf32, #tpu.memory_space<hbm>> -> memref<32x768xf32, #tpu.memory_space<hbm>>
    tpu.enqueue_dma source(%arg4 : memref<32x768xf32, #tpu.memory_space<vmem>>) target(%dma_start3A_800 : memref<32x768xf32, #tpu.memory_space<hbm>>) target_semaphore(%arg12 : memref<!tpu.dma_semaphore, #tpu.memory_space<semaphore_mem>>)
    %dma_wait3A_801 = arith.constant 0 : i32
    %dma_wait3A_802 = tpu.memref_slice %arg3[%add3A_772, %dma_wait3A_801] : memref<36864x768xf32, #tpu.memory_space<hbm>> -> memref<32x768xf32, #tpu.memory_space<hbm>>
    %dma_wait3A_803 = arith.constant 0 : i32
    %dma_wait3A_804 = tpu.memref_slice %arg3[%add3A_772, %dma_wait3A_803] : memref<36864x768xf32, #tpu.memory_space<hbm>> -> memref<32x768xf32, #tpu.memory_space<hbm>>
    tpu.wait_dma2 semaphore(%arg15 : memref<!tpu.dma_semaphore, #tpu.memory_space<semaphore_mem>>) src(%arg7 : memref<32x768xf32, #tpu.memory_space<vmem>>) dst(%dma_wait3A_804 : memref<32x768xf32, #tpu.memory_space<hbm>>)
    %add3A_805 = arith.constant 12288 : i32
    %add3A_806 = arith.addi %add3A_805, %mul3A_2 : i32
    %add3A_807 = arith.constant 96 : i32
    %add3A_808 = arith.addi %add3A_806, %add3A_807 : i32
    %dma_start3A_809 = arith.constant 0 : i32
    %dma_start3A_810 = tpu.memref_slice %arg2[%add3A_808, %dma_start3A_809] : memref<36864x768xf32, #tpu.memory_space<hbm>> -> memref<32x768xf32, #tpu.memory_space<hbm>>
    %dma_start3A_811 = arith.constant 0 : i32
    %dma_start3A_812 = tpu.memref_slice %arg2[%add3A_808, %dma_start3A_811] : memref<36864x768xf32, #tpu.memory_space<hbm>> -> memref<32x768xf32, #tpu.memory_space<hbm>>
    tpu.enqueue_dma source(%dma_start3A_812 : memref<32x768xf32, #tpu.memory_space<hbm>>) target(%arg7 : memref<32x768xf32, #tpu.memory_space<vmem>>) target_semaphore(%arg11 : memref<!tpu.dma_semaphore, #tpu.memory_space<semaphore_mem>>)
    %dma_wait3A_813 = arith.constant 0 : i32
    %dma_wait3A_814 = tpu.memref_slice %arg2[%add3A_760, %dma_wait3A_813] : memref<36864x768xf32, #tpu.memory_space<hbm>> -> memref<32x768xf32, #tpu.memory_space<hbm>>
    %dma_wait3A_815 = arith.constant 0 : i32
    %dma_wait3A_816 = tpu.memref_slice %arg2[%add3A_760, %dma_wait3A_815] : memref<36864x768xf32, #tpu.memory_space<hbm>> -> memref<32x768xf32, #tpu.memory_space<hbm>>
    tpu.wait_dma2 semaphore(%arg9 : memref<!tpu.dma_semaphore, #tpu.memory_space<semaphore_mem>>) src(%dma_wait3A_816 : memref<32x768xf32, #tpu.memory_space<hbm>>) dst(%arg5 : memref<32x768xf32, #tpu.memory_space<vmem>>)
    %add3A_817 = arith.constant 32768 : i32
    %add3A_818 = arith.addi %add3A_817, %mul3A_2 : i32
    %add3A_819 = arith.constant 32 : i32
    %add3A_820 = arith.addi %add3A_818, %add3A_819 : i32
    %dma_start3A_821 = arith.constant 0 : i32
    %dma_start3A_822 = tpu.memref_slice %arg3[%add3A_820, %dma_start3A_821] : memref<36864x768xf32, #tpu.memory_space<hbm>> -> memref<32x768xf32, #tpu.memory_space<hbm>>
    %dma_start3A_823 = arith.constant 0 : i32
    %dma_start3A_824 = tpu.memref_slice %arg3[%add3A_820, %dma_start3A_823] : memref<36864x768xf32, #tpu.memory_space<hbm>> -> memref<32x768xf32, #tpu.memory_space<hbm>>
    tpu.enqueue_dma source(%arg5 : memref<32x768xf32, #tpu.memory_space<vmem>>) target(%dma_start3A_824 : memref<32x768xf32, #tpu.memory_space<hbm>>) target_semaphore(%arg13 : memref<!tpu.dma_semaphore, #tpu.memory_space<semaphore_mem>>)
    %dma_wait3A_825 = arith.constant 0 : i32
    %dma_wait3A_826 = tpu.memref_slice %arg3[%add3A_796, %dma_wait3A_825] : memref<36864x768xf32, #tpu.memory_space<hbm>> -> memref<32x768xf32, #tpu.memory_space<hbm>>
    %dma_wait3A_827 = arith.constant 0 : i32
    %dma_wait3A_828 = tpu.memref_slice %arg3[%add3A_796, %dma_wait3A_827] : memref<36864x768xf32, #tpu.memory_space<hbm>> -> memref<32x768xf32, #tpu.memory_space<hbm>>
    tpu.wait_dma2 semaphore(%arg12 : memref<!tpu.dma_semaphore, #tpu.memory_space<semaphore_mem>>) src(%arg4 : memref<32x768xf32, #tpu.memory_space<vmem>>) dst(%dma_wait3A_828 : memref<32x768xf32, #tpu.memory_space<hbm>>)
    %dma_wait3A_829 = arith.constant 0 : i32
    %dma_wait3A_830 = tpu.memref_slice %arg2[%add3A_784, %dma_wait3A_829] : memref<36864x768xf32, #tpu.memory_space<hbm>> -> memref<32x768xf32, #tpu.memory_space<hbm>>
    %dma_wait3A_831 = arith.constant 0 : i32
    %dma_wait3A_832 = tpu.memref_slice %arg2[%add3A_784, %dma_wait3A_831] : memref<36864x768xf32, #tpu.memory_space<hbm>> -> memref<32x768xf32, #tpu.memory_space<hbm>>
    tpu.wait_dma2 semaphore(%arg10 : memref<!tpu.dma_semaphore, #tpu.memory_space<semaphore_mem>>) src(%dma_wait3A_832 : memref<32x768xf32, #tpu.memory_space<hbm>>) dst(%arg6 : memref<32x768xf32, #tpu.memory_space<vmem>>)
    %add3A_833 = arith.constant 32768 : i32
    %add3A_834 = arith.addi %add3A_833, %mul3A_2 : i32
    %add3A_835 = arith.constant 64 : i32
    %add3A_836 = arith.addi %add3A_834, %add3A_835 : i32
    %dma_start3A_837 = arith.constant 0 : i32
    %dma_start3A_838 = tpu.memref_slice %arg3[%add3A_836, %dma_start3A_837] : memref<36864x768xf32, #tpu.memory_space<hbm>> -> memref<32x768xf32, #tpu.memory_space<hbm>>
    %dma_start3A_839 = arith.constant 0 : i32
    %dma_start3A_840 = tpu.memref_slice %arg3[%add3A_836, %dma_start3A_839] : memref<36864x768xf32, #tpu.memory_space<hbm>> -> memref<32x768xf32, #tpu.memory_space<hbm>>
    tpu.enqueue_dma source(%arg6 : memref<32x768xf32, #tpu.memory_space<vmem>>) target(%dma_start3A_840 : memref<32x768xf32, #tpu.memory_space<hbm>>) target_semaphore(%arg14 : memref<!tpu.dma_semaphore, #tpu.memory_space<semaphore_mem>>)
    %dma_wait3A_841 = arith.constant 0 : i32
    %dma_wait3A_842 = tpu.memref_slice %arg3[%add3A_820, %dma_wait3A_841] : memref<36864x768xf32, #tpu.memory_space<hbm>> -> memref<32x768xf32, #tpu.memory_space<hbm>>
    %dma_wait3A_843 = arith.constant 0 : i32
    %dma_wait3A_844 = tpu.memref_slice %arg3[%add3A_820, %dma_wait3A_843] : memref<36864x768xf32, #tpu.memory_space<hbm>> -> memref<32x768xf32, #tpu.memory_space<hbm>>
    tpu.wait_dma2 semaphore(%arg13 : memref<!tpu.dma_semaphore, #tpu.memory_space<semaphore_mem>>) src(%arg5 : memref<32x768xf32, #tpu.memory_space<vmem>>) dst(%dma_wait3A_844 : memref<32x768xf32, #tpu.memory_space<hbm>>)
    %dma_wait3A_845 = arith.constant 0 : i32
    %dma_wait3A_846 = tpu.memref_slice %arg2[%add3A_808, %dma_wait3A_845] : memref<36864x768xf32, #tpu.memory_space<hbm>> -> memref<32x768xf32, #tpu.memory_space<hbm>>
    %dma_wait3A_847 = arith.constant 0 : i32
    %dma_wait3A_848 = tpu.memref_slice %arg2[%add3A_808, %dma_wait3A_847] : memref<36864x768xf32, #tpu.memory_space<hbm>> -> memref<32x768xf32, #tpu.memory_space<hbm>>
    tpu.wait_dma2 semaphore(%arg11 : memref<!tpu.dma_semaphore, #tpu.memory_space<semaphore_mem>>) src(%dma_wait3A_848 : memref<32x768xf32, #tpu.memory_space<hbm>>) dst(%arg7 : memref<32x768xf32, #tpu.memory_space<vmem>>)
    %add3A_849 = arith.constant 32768 : i32
    %add3A_850 = arith.addi %add3A_849, %mul3A_2 : i32
    %add3A_851 = arith.constant 96 : i32
    %add3A_852 = arith.addi %add3A_850, %add3A_851 : i32
    %dma_start3A_853 = arith.constant 0 : i32
    %dma_start3A_854 = tpu.memref_slice %arg3[%add3A_852, %dma_start3A_853] : memref<36864x768xf32, #tpu.memory_space<hbm>> -> memref<32x768xf32, #tpu.memory_space<hbm>>
    %dma_start3A_855 = arith.constant 0 : i32
    %dma_start3A_856 = tpu.memref_slice %arg3[%add3A_852, %dma_start3A_855] : memref<36864x768xf32, #tpu.memory_space<hbm>> -> memref<32x768xf32, #tpu.memory_space<hbm>>
    tpu.enqueue_dma source(%arg7 : memref<32x768xf32, #tpu.memory_space<vmem>>) target(%dma_start3A_856 : memref<32x768xf32, #tpu.memory_space<hbm>>) target_semaphore(%arg15 : memref<!tpu.dma_semaphore, #tpu.memory_space<semaphore_mem>>)
    %dma_wait3A_857 = arith.constant 0 : i32
    %dma_wait3A_858 = tpu.memref_slice %arg3[%add3A_836, %dma_wait3A_857] : memref<36864x768xf32, #tpu.memory_space<hbm>> -> memref<32x768xf32, #tpu.memory_space<hbm>>
    %dma_wait3A_859 = arith.constant 0 : i32
    %dma_wait3A_860 = tpu.memref_slice %arg3[%add3A_836, %dma_wait3A_859] : memref<36864x768xf32, #tpu.memory_space<hbm>> -> memref<32x768xf32, #tpu.memory_space<hbm>>
    tpu.wait_dma2 semaphore(%arg14 : memref<!tpu.dma_semaphore, #tpu.memory_space<semaphore_mem>>) src(%arg6 : memref<32x768xf32, #tpu.memory_space<vmem>>) dst(%dma_wait3A_860 : memref<32x768xf32, #tpu.memory_space<hbm>>)
    %dma_wait3A_861 = arith.constant 0 : i32
    %dma_wait3A_862 = tpu.memref_slice %arg3[%add3A_852, %dma_wait3A_861] : memref<36864x768xf32, #tpu.memory_space<hbm>> -> memref<32x768xf32, #tpu.memory_space<hbm>>
    %dma_wait3A_863 = arith.constant 0 : i32
    %dma_wait3A_864 = tpu.memref_slice %arg3[%add3A_852, %dma_wait3A_863] : memref<36864x768xf32, #tpu.memory_space<hbm>> -> memref<32x768xf32, #tpu.memory_space<hbm>>
    tpu.wait_dma2 semaphore(%arg15 : memref<!tpu.dma_semaphore, #tpu.memory_space<semaphore_mem>>) src(%arg7 : memref<32x768xf32, #tpu.memory_space<vmem>>) dst(%dma_wait3A_864 : memref<32x768xf32, #tpu.memory_space<hbm>>)
    return
  }
}

</mosaic_0001>

<sc_bundles>
// kernel: kernel.3.cloned.1.call-start
scs
__scs_entry_jumppad:
0x0: {  	(pc) =	sbr.rel $0x88, $3  }
0x1: {  	(tag) =	ssettag $0x0;
	lr =	simm.s32 $0x1  }
0x2: {  	[smem:$0x3FA0] =	sst lr;
	_ =	strace $0xD0000000  }
0x3: {  	_ = 	snop  }
0x4: {  	_ = 	snop  }
0x5: {  	_ = 	snop  }
0x6: {  	_ = 	snop  }
0x7: {  	_ = 	snop  }
__scs_overlays_trampoline_lowered:
0x8: {  	[smem:$0x3FAF] =	sst s0  }
0x9: {  	[smem:$0x3FB0] =	sst s1  }
0xa: {  	[smem:$0x3FB1] =	sst s2  }
0xb: {  	[smem:$0x3FB2] =	sst s3  }
0xc: {  	[smem:$0x3FB3] =	sst s4  }
0xd: {  	[smem:$0x3FB4] =	sst s5  }
0xe: {  	[smem:$0x3FB5] =	sst s6  }
0xf: {  	[smem:$0x3FB6] =	sst s7  }
0x10: {  	[smem:$0x3FB7] =	sst s8  }
0x11: {  	[smem:$0x3FB8] =	sst s9;
	s0 =	simm.s32 @!p0 $0x0  }
0x12: {  	s1 =	sld [smem:$0x3F9E];
	s0 =	simm.s32 @p0 $0x1  }
0x13: {  	[smem:$0x3FB9] =	sst s0;
	s0 =	simm.s32 @!p1 $0x0  }
0x14: {  	s2 =	sld [smem:$0x3F9D];
	s0 =	simm.s32 @p1 $0x1  }
0x15: {  	[smem:$0x3FBA] =	sst s0;
	s0 =	simm.s32 @!p2 $0x0  }
0x16: {  	s3 =	sld [smem:$0x3FDB];
	s0 =	simm.s32 @p2 $0x1  }
0x17: {  	s4 =	simm.s32 $0x1BF5;
	[smem:$0x3FBC] =	sst s0  }
0x18: {  	s0 =	sld [smem:$0x3F9F];
	_ =	swait.ge [sflag:s4], $0x0  }
0x19: {  	s7 =	sld [smem:$0x3FA0]  }
0x1a: {  	s8 =	sadd.s32 $0xFFFFE003, lr  }
0x1b: {  	s9 =	sadd.s32 $0xFFFFFEF7, lr;
	s5 =	simm.s32 $0xFFFFFFFF;
	p2 =	slt.u32 s8, $0xFFFFF086  }
0x1c: {  	p1 =	slt.u32 s9, $0xF7A;
	s5 =	simm.s32 @!p2 $0x0  }
0x1d: {  	s5 =	simm.s32 @p1 $0x1;
	p0 =	seq.s32 s7, s2  }
0x1e: {  	s7 =	smul.u32 @!p0 $0xF7A, s2;
	p2 =	seq.s32 @!p0 s5, $0x0  }
0x1f: {  	s9 =	smul.u32 $0xF7A, s1;
	s8 =	simm.s32 @!p0 $0x1BF5;
	p2 =	por !p2, p0  }
0x20: {  	[sflag:s8] =	ssyncset.s32 @!p0 $0xFFFFF086;
	s6 =	sadd.s32 @!p0 s3, s7;
	s7 =	simm.s32 @!p0 $0x108  }
0x21: {  	s3 =	sadd.s32 s3, s9;
	s6 =	sadd.s32 @!p0 $0x88, s6;
	s7 =	simm.s32 @p2 $0x1082  }
0x22: {  	[simem:s7], [sflag:s8] =	dma.local @!p0 [hbm:s6], $0xF7A  }
0x23: {  	s9 =	sor.u32 $0xD0000000, s2;
	s6 =	simm.s32 $0x108;
	_ =	swait.ge @!p0 [sflag:s8], $0x0  }
0x24: {  	s3 =	sadd.s32 $0x88, s3;
	s6 =	simm.s32 @!p1 $0x1082;
	[sflag:s4] =	ssyncset.s32 $0xFFFFF086  }
0x25: {  	[simem:s6], [sflag:s4] =	dma.local [hbm:s3], $0xF7A  }
0x26: {  	[smem:$0x3FA0] =	sst s1;
	(tag) =	ssettag s2;
	_ =	strace s9  }
0x27: {  	s1 =	sld [smem:$0x3FB0]  }
0x28: {  	s2 =	sld [smem:$0x3FB1]  }
0x29: {  	s4 =	sld [smem:$0x3FB3]  }
0x2a: {  	p0 =	seq.s32 s5, $0x0;
	s5 =	sld [smem:$0x3FB4]  }
0x2b: {  	s6 =	sld [smem:$0x3FB5]  }
0x2c: {  	s7 =	sld [smem:$0x3FB6]  }
0x2d: {  	s3 =	simm.s32 $0x108;
	s8 =	sld [smem:$0x3FB7]  }
0x2e: {  	s3 =	simm.s32 @!p0 $0x1082;
	s9 =	sld [smem:$0x3FB8]  }
0x2f: {  	lr =	sadd.s32 s0, s3;
	s0 =	sld [smem:$0x3FAF]  }
0x30: {  	s3 =	sld [smem:$0x3FB2]  }
0x31: {  	[smem:$0x3FBB] =	sst s10  }
0x32: {  	s10 =	sld [smem:$0x3FB9];
	_ =	sdelay $0x3  }
0x33: {  	p0 =	seq.s32 s10, $0x1;
	s10 =	sld [smem:$0x3FBB];
	_ =	sdelay $0x3  }
0x34: {  	[smem:$0x3FBB] =	sst s10  }
0x35: {  	s10 =	sld [smem:$0x3FBA];
	_ =	sdelay $0x3  }
0x36: {  	p1 =	seq.s32 s10, $0x1;
	s10 =	sld [smem:$0x3FBB];
	_ =	sdelay $0x3  }
0x37: {  	[smem:$0x3FBB] =	sst s10  }
0x38: {  	s10 =	sld [smem:$0x3FBC]  }
0x39: {  	_ = 	snop;
	(pc) =	sbr.ind lr, $3  }
0x3a: {  	_ = 	snop  }
0x3b: {  	_ = 	snop  }
0x3c: {  	p2 =	seq.s32 s10, $0x1;
	s10 =	sld [smem:$0x3FBB]  }
0x3d: {  	_ =	shalt  }
0x3e: {  	_ =	shalt  }
0x3f: {  	_ =	shalt  }
0x40: {  	_ =	shalt  }
0x41: {  	_ =	shalt  }
0x42: {  	_ =	shalt  }
0x43: {  	_ =	shalt  }
0x44: {  	_ =	shalt  }
0x45: {  	_ =	shalt  }
0x46: {  	_ =	shalt  }
0x47: {  	_ =	shalt  }
0x48: {  	_ =	shalt  }
0x49: {  	_ =	shalt  }
0x4a: {  	_ =	shalt  }
0x4b: {  	_ =	shalt  }
0x4c: {  	_ =	shalt  }
0x4d: {  	_ =	shalt  }
0x4e: {  	_ =	shalt  }
0x4f: {  	_ =	shalt  }
0x50: {  	_ =	shalt  }
0x51: {  	_ =	shalt  }
0x52: {  	_ =	shalt  }
0x53: {  	_ =	shalt  }
0x54: {  	_ =	shalt  }
0x55: {  	_ =	shalt  }
0x56: {  	_ =	shalt  }
0x57: {  	_ =	shalt  }
0x58: {  	_ =	shalt  }
0x59: {  	_ =	shalt  }
0x5a: {  	_ =	shalt  }
0x5b: {  	_ =	shalt  }
0x5c: {  	_ =	shalt  }
0x5d: {  	_ =	shalt  }
0x5e: {  	_ =	shalt  }
0x5f: {  	_ =	shalt  }
0x60: {  	_ =	shalt  }
0x61: {  	_ =	shalt  }
0x62: {  	_ =	shalt  }
0x63: {  	_ =	shalt  }
0x64: {  	_ =	shalt  }
0x65: {  	_ =	shalt  }
0x66: {  	_ =	shalt  }
0x67: {  	_ =	shalt  }
0x68: {  	_ =	shalt  }
0x69: {  	_ =	shalt  }
0x6a: {  	_ =	shalt  }
0x6b: {  	_ =	shalt  }
0x6c: {  	_ =	shalt  }
0x6d: {  	_ =	shalt  }
0x6e: {  	_ =	shalt  }
0x6f: {  	_ =	shalt  }
0x70: {  	_ =	shalt  }
0x71: {  	_ =	shalt  }
0x72: {  	_ =	shalt  }
0x73: {  	_ =	shalt  }
0x74: {  	_ =	shalt  }
0x75: {  	_ =	shalt  }
0x76: {  	_ =	shalt  }
0x77: {  	_ =	shalt  }
0x78: {  	_ =	shalt  }
0x79: {  	_ =	shalt  }
0x7a: {  	_ =	shalt  }
0x7b: {  	_ =	shalt  }
0x7c: {  	_ =	shalt  }
0x7d: {  	_ =	shalt  }
0x7e: {  	_ =	shalt  }
0x7f: {  	_ =	shalt  }
0x80: {  	_ =	shalt  }
0x81: {  	_ =	shalt  }
0x82: {  	_ =	shalt  }
0x83: {  	_ =	shalt  }
0x84: {  	_ =	shalt  }
0x85: {  	_ =	shalt  }
0x86: {  	_ =	shalt  }
0x87: {  	_ =	shalt  }
.Lfunc_end0:
.L_simem_size_0:
called_computation_lowered:
.L_overlay_start_0:
0x88: {  	s2 =	sld [smem:$0x3FD9]  }
0x89: {  	s3 =	sld [smem:$0x3FFE];
	_ =	sdelay $0x1  }
0x8a: {  	s1 =	srdreg.scid  }
0x8b: {  	s0 =	sand.u32 $0x1, s1  }
0x8c: {  	s15 =	sshll.u32 s0, $0xA;
	s2 =	sadd.s32 s3, s2  }
0x8d: {  	s2 =	sadd.s32 s2, s15  }
0x8e: {  	[smem:$0x3FC7] =	sst s2  }
0x8f: {  	_ = 	snop  }
0x90: {  	s2 =	sld [smem:$0x3FD0];
	_ =	sdelay $0x2  }
0x91: {  	s4 =	simm.s32 $0xA;
	s5 =	simm.s32 $0x10;
	s16 =	sld [smem:$0x3FC9]  }
0x92: {  	[smem:s5], [sflag:s4] =	dma.local [hbm:s2], $0x1  }
0x93: {  	_ =	swait.eq [sflag:s4], $0x1  }
0x94: {  	[sflag:s4] =	ssyncset.done $0x0  }
0x95: {  	[sflag:s4] =	ssyncadd.s32 $0xFFFFFFFF  }
0x96: {  	s17 =	sld [smem:$0x10];
	(tm) =	ssettm $0x1  }
0x97: {  	s18 =	sld [smem:$0x3FFB];
	_ =	sdelay $0x3  }
0x98: {  	_ =	strace s18  }
0x99: {  	s4 =	sld [smem:$0x3FFC];
	_ =	sdelay $0x3  }
0x9a: {  	_ =	strace s4  }
0x9b: {  	s4 =	sld [smem:$0x3FFD];
	_ =	sdelay $0x3  }
0x9c: {  	_ =	strace s4  }
0x9d: {  	_ =	strace $0x8FFFFFFF  }
0x9e: {  	s19 =	sld [smem:$0x3FDB];
	_ =	sdelay $0x1  }
0x9f: {  	s20 =	simm.s32 $_scs_section_size  }
0xa0: {  	s6 =	simm.s32 $_size__tile_overlayer_lowered;
	s7 =	simm.s32 $_tile_overlayer_lowered  }
0xa1: {  	s23 =	simm.s32 $0x1BFF;
	s22 =	sshll.u32 s7, $0x1;
	s4 =	sadd.s32 s20, s19  }
0xa2: {  	s8 =	simm.s32 $0x0;
	s21 =	sshll.u32 s6, $0x1;
	s6 =	sadd.s32 s22, s4  }
0xa3: {  	[timem:s8], [sflag:s23] =	dma.local [hbm:s6], s21  }
0xa4: {  	_ =	swait.ge [sflag:s23], s21  }
0xa5: {  	s5 =	ssub.s32 $0x0, s21;
	[sflag:s23] =	ssyncset.done $0x0  }
0xa6: {  	[sflag:s23] =	ssyncadd.s32 s5;
	_ =	sdelay $0x1  }
0xa7: {  	s24 =	simm.s32 $0x1B8B  }
0xa8: {  	_ =	swait.ge [sflag:s24], $0x1  }
0xa9: {  	[sflag:s24] =	ssyncset.done $0x0  }
0xaa: {  	s25 =	simm.s32 $0x1B8E;
	[sflag:s24] =	ssyncadd.s32 $0xFFFFFFFF  }
0xab: {  	s26 =	simm.s32 $execute0_lowered;
	[smem:$0x3FD2] =	sst s25  }
0xac: {  	s5 =	sshll.u32 s26, $0x1;
	_ =	strace $0x80000046;
	[dreg:$0x1] =	wrdreg $0xFFFFFFFF  }
0xad: {  	s28 =	simm.s32 $_size_execute0_lowered;
	s4 =	sadd.s32 s4, s5;
	[dreg:$0x0] =	wrdreg $0x0  }
0xae: {  	s5 =	sshll.u32 s28, $0x1;
	[dreg:$0x2] =	wrdreg s4  }
0xaf: {  	[dreg:$0x3] =	wrdreg s5  }
0xb0: {  	[dreg:$0x4] =	wrdreg $0xC0  }
0xb1: {  	_ =	task [dreg:s8], $0x5FFFF  }
0xb2: {  	[dreg:$0x1] =	wrdreg $0xFFFFFFFF  }
0xb3: {  	[dreg:$0x0] =	wrdreg $0x60  }
0xb4: {  	[dreg:$0x2] =	wrdreg s16  }
0xb5: {  	[dreg:$0x3] =	wrdreg s17  }
0xb6: {  	[dreg:$0x4] =	wrdreg $0x9  }
0xb7: {  	_ =	task.clear_ibuf [dreg:s8], $0x5FFFF;
	_ =	strace $0x90000046  }
0xb8: {  	s29 =	simm.s32 $0x9;
	_ =	strace $0x80000048  }
0xb9: {  	_ =	swait.ge [sflag:s29], $0x1  }
0xba: {  	[sflag:s29] =	ssyncadd.s32 $0xFFFFFFFF  }
0xbb: {  	_ =	strace $0x90000048  }
0xbc: {  	_ =	sfence  }
0xbd: {  	s30 =	sld [smem:$0x0];
	_ =	sdelay $0x2  }
0xbe: {  	s31 =	sshll.u32 s1, $0xD;
	s1 =	sshrl.u32 s1, $0x2  }
0xbf: {  	s3 =	sand.u32 $0x4000, s31;
	s1 =	sadd.s32 s1, s30  }
0xc0: {  	s0 =	sor.u32 s3, s0;
	s1 =	sshll.u32 s1, $0x11  }
0xc1: {  	s0 =	sor.u32 s1, s0  }
0xc2: {  	s0 =	sadd.s32 $0x8F2B, s0  }
0xc3: {  	[sflag:s0] =	ssyncadd.remote.s32 $0x1  }
0xc4: {  	_ =	sfence.sel $0xFFFF  }
0xc5: {  	[dreg:$0x0] =	wrdreg $0xFFFFFFFF;
	(pc) =	sbr.abs _section_cstart, $3  }
0xc6: {  	[dreg:$0x1] =	wrdreg $0xFFFFFFFF  }
0xc7: {  	_ =	task.clear_ibuf [dreg:s8], $0x2FFFF;
	_ =	strace $0x9FFFFFFF  }
0xc8: {  	(tm) =	ssettm $0x7FFFFFFF  }
0xc9: {  	_ =	shalt  }
tec
execute0_lowered:
.L_overlay_start_1:
0x0: {  	(tag) =	ssettag $0x1  }
0x1: {  	s0 =	srdreg.scid  }
0x2: {  	s1 =	stileid.u32;
	s2 =	sand.u32 $0x1, s0  }
0x3: {  	s4 =	sshll.u32 s1, $0x5;
	s5 =	sshll.u32 s2, $0x4  }
0x4: {  	s3 =	rddreg [dreg:$0x0];
	s0 =	sor.u32 s5, s4  }
0x5: {  	s1 =	rddreg [dreg:$0x1];
	s5 =	smul.u32 $0x300, s0  }
0x6: {  	[smem:$0x7FA] =	sst s2;
	s2 =	simm.s32 $0x0  }
0x7: {  	[smem:$0x7FF] =	sst s2;
	s4 =	sor.u32 $0x180000, s5  }
0x8: {  	s6 =	sor.u32 $0x180C00, s5;
	[smem:$0x7E0] =	sst s4  }
0x9: {  	s4 =	sadd.s32 s3, s4;
	_ =	strace $0x80000047;
	[smem:$0x7E3] =	sst s6  }
0xa: {  	s7 =	sadd.s32 $0x181800, s5;
	[dreg:$0x3] =	wrdreg s4  }
0xb: {  	s9 =	sadd.s32 $0x182400, s5;
	[smem:$0x7E6] =	sst s7  }
0xc: {  	s8 =	sadd.s32 s3, s7;
	[smem:$0x7EA] =	sst s9  }
0xd: {  	s10 =	sadd.s32 s3, s9;
	[dreg:$0x5] =	wrdreg s8  }
0xe: {  	s0 =	smul.u32 $0x1800, s0;
	s11 =	sadd.s32 s1, s5;
	[dreg:$0x6] =	wrdreg s10  }
0xf: {  	s12 =	sor.u32 $0xC00, s5;
	[dreg:$0x7] =	wrdreg s11  }
0x10: {  	s13 =	sadd.s32 $0x1E0000, s5;
	s0 =	sshrl.u32 s0, $0x3;
	[smem:$0x7E8] =	sst s12  }
0x11: {  	s15 =	sadd.s32 $0x1800, s0;
	[smem:$0x7EE] =	sst s13  }
0x12: {  	s14 =	sadd.s32 s3, s13;
	[smem:$0x7EC] =	sst s15  }
0x13: {  	s17 =	sadd.s32 $0x1E0C00, s5;
	[dreg:$0x9] =	wrdreg s14  }
0x14: {  	s18 =	sadd.s32 s3, s17;
	[smem:$0x7F1] =	sst s17  }
0x15: {  	s19 =	sadd.s32 $0x1E1800, s5;
	[dreg:$0xb] =	wrdreg s18  }
0x16: {  	s31 =	sadd.s32 $0x1E2400, s5;
	s20 =	sadd.s32 s3, s19;
	[smem:$0x7F4] =	sst s19  }
0x17: {  	s29 =	sadd.s32 $0x240000, s5;
	s22 =	sadd.s32 s3, s31;
	[dreg:$0xd] =	wrdreg s20  }
0x18: {  	s24 =	sadd.s32 s3, s29;
	[dreg:$0xf] =	wrdreg s22  }
0x19: {  	s6 =	sadd.s32 s3, s6;
	[dreg:$0x11] =	wrdreg s24  }
0x1a: {  	s4 =	sadd.s32 s1, s12;
	[dreg:$0x4] =	wrdreg s6  }
0x1b: {  	s28 =	sadd.s32 $0xC1800, s5;
	s16 =	sadd.s32 s1, s15;
	[dreg:$0x8] =	wrdreg s4  }
0x1c: {  	s18 =	sadd.s32 $0x60000, s5;
	s11 =	sadd.s32 s1, s28;
	[dreg:$0xa] =	wrdreg s16  }
0x1d: {  	s22 =	sadd.s32 $0x61800, s5;
	s21 =	sadd.s32 s1, s18;
	[dreg:$0x1a] =	wrdreg s11  }
0x1e: {  	s19 =	sadd.s32 $0x240C00, s5;
	s25 =	sadd.s32 s1, s22;
	[dreg:$0xe] =	wrdreg s21  }
0x1f: {  	s24 =	sadd.s32 $0x62400, s5;
	s26 =	sadd.s32 s3, s19;
	[dreg:$0x12] =	wrdreg s25  }
0x20: {  	s20 =	sadd.s32 $0x241800, s5;
	s4 =	sadd.s32 s1, s24;
	[dreg:$0x13] =	wrdreg s26  }
0x21: {  	s17 =	sadd.s32 $0x2A0000, s5;
	s6 =	sadd.s32 s3, s20;
	[dreg:$0x14] =	wrdreg s4  }
0x22: {  	s14 =	sadd.s32 $0xC2400, s5;
	s10 =	sadd.s32 s3, s17;
	[dreg:$0x15] =	wrdreg s6  }
0x23: {  	s16 =	sadd.s32 $0x2A0C00, s5;
	s13 =	sadd.s32 s1, s14;
	[dreg:$0x19] =	wrdreg s10  }
0x24: {  	s15 =	sadd.s32 $0x2A1800, s5;
	s12 =	sadd.s32 s3, s16;
	[dreg:$0x1c] =	wrdreg s13  }
0x25: {  	s21 =	sadd.s32 $0x60C00, s5;
	s4 =	sadd.s32 s3, s15;
	[dreg:$0x1b] =	wrdreg s12  }
0x26: {  	s25 =	sadd.s32 $0xC0000, s5;
	s23 =	sadd.s32 s1, s21;
	[dreg:$0x1d] =	wrdreg s4  }
0x27: {  	s26 =	sadd.s32 $0xC0C00, s5;
	s7 =	sadd.s32 s1, s25;
	[dreg:$0x10] =	wrdreg s23  }
0x28: {  	s9 =	sadd.s32 s1, s26;
	s12 =	sadd.s32 $0x120000, s5;
	[dreg:$0x16] =	wrdreg s7  }
0x29: {  	s13 =	sadd.s32 $0x2A2400, s5;
	[dreg:$0x18] =	wrdreg s9;
	s6 =	sadd.s32 s1, s12  }
0x2a: {  	s11 =	sor.u32 $0x300000, s5;
	s7 =	sadd.s32 s3, s13;
	[dreg:$0x1e] =	wrdreg s6  }
0x2b: {  	s23 =	sadd.s32 $0x242400, s5;
	s9 =	sadd.s32 s3, s11;
	[dreg:$0x1f] =	wrdreg s7  }
0x2c: {  	s10 =	sadd.s32 $0x120C00, s5;
	s8 =	sadd.s32 s3, s23;
	[smem:$0x7DB] =	sst s9  }
0x2d: {  	s9 =	sor.u32 $0x300C00, s5;
	[dreg:$0x17] =	wrdreg s8;
	s8 =	sadd.s32 s1, s10  }
0x2e: {  	s6 =	sadd.s32 s3, s9;
	[smem:$0x7DA] =	sst s8;
	s8 =	sadd.s32 $0x121800, s5  }
0x2f: {  	s7 =	sadd.s32 $0x122400, s5;
	[smem:$0x7DD] =	sst s6;
	s4 =	sadd.s32 s1, s8  }
0x30: {  	s6 =	sadd.s32 $0x301800, s5;
	[smem:$0x7DC] =	sst s4;
	s4 =	sadd.s32 s1, s7  }
0x31: {  	[smem:$0x7DE] =	sst s4;
	s4 =	sadd.s32 s3, s6  }
0x32: {  	[smem:$0x7DF] =	sst s4  }
0x33: {  	s4 =	sld [smem:$0x7E0]  }
0x34: {  	s30 =	sadd.s32 $0x2400, s0  }
0x35: {  	s0 =	sadd.s32 s1, s30  }
0x36: {  	[dreg:$0xc] =	wrdreg s0;
	s0 =	sadd.s32 s1, s4;
	s4 =	sadd.s32 $0x302400, s5  }
0x37: {  	[smem:$0x7E1] =	sst s0;
	s0 =	sadd.s32 s3, s4  }
0x38: {  	[smem:$0x7E2] =	sst s0  }
0x39: {  	s5 =	sadd.s32 s3, s5;
	s0 =	sld [smem:$0x7E3]  }
0x3a: {  	[smem:$0x7E5] =	sst s5  }
0x3b: {  	s5 =	sld [smem:$0x7E6]  }
0x3c: {  	s0 =	sadd.s32 s1, s0  }
0x3d: {  	[smem:$0x7E4] =	sst s0  }
0x3e: {  	s18 =	sadd.s32 s3, s18;
	s0 =	sadd.s32 s1, s5;
	s5 =	sld [smem:$0x7E8]  }
0x3f: {  	[smem:$0x7F3] =	sst s18  }
0x40: {  	[smem:$0x7E7] =	sst s0  }
0x41: {  	s22 =	sadd.s32 s3, s22;
	s0 =	sadd.s32 s3, s5;
	s5 =	sld [smem:$0x7EA]  }
0x42: {  	[smem:$0x7F8] =	sst s22  }
0x43: {  	[smem:$0x7E9] =	sst s0  }
0x44: {  	s22 =	sadd.s32 s1, s19;
	s0 =	sadd.s32 s1, s5;
	s5 =	sld [smem:$0x7EC]  }
0x45: {  	[smem:$0x7FC] =	sst s22  }
0x46: {  	[smem:$0x7EB] =	sst s0  }
0x47: {  	s18 =	sadd.s32 s3, s21;
	s0 =	sadd.s32 s3, s5;
	s5 =	sld [smem:$0x7EE]  }
0x48: {  	s21 =	sadd.s32 s1, s31;
	[smem:$0x7F6] =	sst s18  }
0x49: {  	[smem:$0x7F7] =	sst s21  }
0x4a: {  	[smem:$0x7ED] =	sst s0;
	s0 =	sadd.s32 s1, s5;
	s5 =	sadd.s32 s3, s30  }
0x4b: {  	[smem:$0x7F0] =	sst s5  }
0x4c: {  	p0 =	por $0x0, $0x0;
	s28 =	sadd.s32 s3, s28;
	s5 =	sld [smem:$0x7F1]  }
0x4d: {  	s25 =	sadd.s32 s3, s25;
	s31 =	sadd.s32 s1, s20;
	s21 =	sld [smem:$0x7FA]  }
0x4e: {  	s22 =	sadd.s32 s1, s15;
	s20 =	sadd.s32 s3, s10;
	[smem:$0x7EF] =	sst s0  }
0x4f: {  	s19 =	sadd.s32 s1, s13;
	s0 =	sadd.s32 s1, s5;
	s5 =	sld [smem:$0x7F4]  }
0x50: {  	s15 =	simm.s32 $0x3;
	s18 =	sadd.s32 s3, s24;
	[smem:$0x7FD] =	sst s25  }
0x51: {  	s25 =	sadd.s32 s3, s14;
	s14 =	sadd.s32 s1, s11;
	[smem:$0x7FB] =	sst s18  }
0x52: {  	[smem:$0x7F2] =	sst s0;
	s0 =	sadd.s32 s1, s5;
	s5 =	sadd.s32 s1, s29  }
0x53: {  	s13 =	simm.s32 $0x6;
	[smem:$0x7F9] =	sst s5;
	s5 =	ssub.s32 $0x2, s21  }
0x54: {  	s11 =	sadd.s32 s3, s7;
	s9 =	sadd.s32 s1, s9;
	s24 =	sshrl.u32 s5, $0x1  }
0x55: {  	s10 =	simm.s32 $0x4;
	s7 =	simm.s32 $0xC000;
	s18 =	ssub.s32 s5, s24  }
0x56: {  	s30 =	sadd.s32 s3, s26;
	s26 =	sadd.s32 s1, s17;
	s18 =	smax.u32 s18, $0x1  }
0x57: {  	s17 =	simm.s32 $0x2;
	s29 =	sadd.s32 s1, s23;
	p1 =	sne.s32 s18, $0x1  }
.Ltmp0:
0x58: {  	s23 =	sadd.s32 s3, s12;
	[smem:$0x7F5] =	sst s0;
	(pc) =	sbr.rel @!p1 .LBB2_3-.Ltmp0, $4  }
0x59: {  	s12 =	simm.s32 $0x6000;
	s21 =	simm.s32 $0x1;
	s0 =	rddreg [dreg:$0x3]  }
0x5a: {  	s24 =	sadd.s32 s1, s16;
	s16 =	sadd.s32 s3, s8;
	s5 =	sadd.s32 s1, s6  }
0x5b: {  	s3 =	sadd.s32 s1, s4;
	s4 =	simm.s32 $0x12000;
	s8 =	simm.s32 $0x7  }
0x5c: {  	s6 =	simm.s32 $0x8;
	s1 =	sadd.s32 $0xFFFFFFFF, s18;
	s18 =	simm.s32 $0x5  }
0x5d: {  	[smem:$0x7D9] =	sst s1  }
0x5e: {  	[tilespmem:s2], [sflag:$0x1] =	stream.linear.gather [hbm4b:s0+s2], $0x6000, $0x38;
	[tilespmem:$0x18000] =	vst v63  }
0x5f: {  	s1 =	rddreg [dreg:$0x4]  }
0x60: {  	[tilespmem:s12], [sflag:$0x2] =	stream.linear.gather [hbm4b:s1+s2], $0x6000, $0x38;
	[tilespmem:$0x18000] =	vst v63  }
0x61: {  	s0 =	rddreg [dreg:$0x5]  }
0x62: {  	[tilespmem:s7], [sflag:$0x3] =	stream.linear.gather [hbm4b:s0+s2], $0x6000, $0x38;
	[tilespmem:$0x18000] =	vst v63  }
0x63: {  	s1 =	rddreg [dreg:$0x6]  }
0x64: {  	[tilespmem:s4], [sflag:$0x4] =	stream.linear.gather [hbm4b:s1+s2], $0x6000, $0x38;
	[tilespmem:$0x18000] =	vst v63  }
0x65: {  	_ =	swait.ge [sflag:s21], $0x6000  }
0x66: {  	[sflag:s21] =	ssyncset.done $0x0  }
0x67: {  	s1 =	rddreg [dreg:$0x7];
	[sflag:s21] =	ssyncadd.s32 $0xFFFFA000  }
0x68: {  	[hbm4b:s1+s2] =	stream.linear.scatter [tilespmem:s2], [sflag:$0x5], $0x6000, $0x38;
	[tilespmem:$0x18000] =	vst v63  }
0x69: {  	_ =	swait.ge [sflag:s17], $0x6000  }
0x6a: {  	[sflag:s17] =	ssyncset.done $0x0  }
0x6b: {  	s1 =	rddreg [dreg:$0x8];
	[sflag:s17] =	ssyncadd.s32 $0xFFFFA000  }
0x6c: {  	[hbm4b:s1+s2] =	stream.linear.scatter [tilespmem:s12], [sflag:$0x6], $0x6000, $0x38;
	[tilespmem:$0x18000] =	vst v63  }
0x6d: {  	_ =	swait.ge [sflag:s18], $0x6000  }
0x6e: {  	[sflag:s18] =	ssyncset.done $0x0  }
0x6f: {  	s1 =	rddreg [dreg:$0x9];
	[sflag:s18] =	ssyncadd.s32 $0xFFFFA000  }
0x70: {  	[tilespmem:s2], [sflag:$0x1] =	stream.linear.gather [hbm4b:s1+s2], $0x6000, $0x38;
	[tilespmem:$0x18000] =	vst v63  }
0x71: {  	_ =	swait.ge [sflag:s15], $0x6000  }
0x72: {  	[sflag:s15] =	ssyncset.done $0x0  }
0x73: {  	s1 =	rddreg [dreg:$0xa];
	[sflag:s15] =	ssyncadd.s32 $0xFFFFA000  }
0x74: {  	[hbm4b:s1+s2] =	stream.linear.scatter [tilespmem:s7], [sflag:$0x7], $0x6000, $0x38;
	[tilespmem:$0x18000] =	vst v63  }
0x75: {  	_ =	swait.ge [sflag:s13], $0x6000  }
0x76: {  	[sflag:s13] =	ssyncset.done $0x0  }
0x77: {  	s1 =	rddreg [dreg:$0xb];
	[sflag:s13] =	ssyncadd.s32 $0xFFFFA000  }
0x78: {  	[tilespmem:s12], [sflag:$0x2] =	stream.linear.gather [hbm4b:s1+s2], $0x6000, $0x38;
	[tilespmem:$0x18000] =	vst v63  }
0x79: {  	_ =	swait.ge [sflag:s10], $0x6000  }
0x7a: {  	[sflag:s10] =	ssyncset.done $0x0  }
0x7b: {  	s1 =	rddreg [dreg:$0xc];
	[sflag:s10] =	ssyncadd.s32 $0xFFFFA000  }
0x7c: {  	[hbm4b:s1+s2] =	stream.linear.scatter [tilespmem:s4], [sflag:$0x8], $0x6000, $0x38;
	[tilespmem:$0x18000] =	vst v63  }
0x7d: {  	_ =	swait.ge [sflag:s8], $0x6000  }
0x7e: {  	[sflag:s8] =	ssyncset.done $0x0  }
0x7f: {  	s1 =	rddreg [dreg:$0xd];
	[sflag:s8] =	ssyncadd.s32 $0xFFFFA000  }
0x80: {  	[tilespmem:s7], [sflag:$0x3] =	stream.linear.gather [hbm4b:s1+s2], $0x6000, $0x38;
	[tilespmem:$0x18000] =	vst v63  }
0x81: {  	_ =	swait.ge [sflag:s21], $0x6000  }
0x82: {  	[sflag:s21] =	ssyncset.done $0x0  }
0x83: {  	s1 =	rddreg [dreg:$0xe];
	[sflag:s21] =	ssyncadd.s32 $0xFFFFA000  }
0x84: {  	[hbm4b:s1+s2] =	stream.linear.scatter [tilespmem:s2], [sflag:$0x5], $0x6000, $0x38;
	[tilespmem:$0x18000] =	vst v63  }
0x85: {  	_ =	swait.ge [sflag:s6], $0x6000  }
0x86: {  	[sflag:s6] =	ssyncset.done $0x0  }
0x87: {  	s1 =	rddreg [dreg:$0xf];
	[sflag:s6] =	ssyncadd.s32 $0xFFFFA000  }
0x88: {  	[tilespmem:s4], [sflag:$0x4] =	stream.linear.gather [hbm4b:s1+s2], $0x6000, $0x38;
	[tilespmem:$0x18000] =	vst v63  }
0x89: {  	_ =	swait.ge [sflag:s17], $0x6000  }
0x8a: {  	[sflag:s17] =	ssyncset.done $0x0  }
0x8b: {  	s1 =	rddreg [dreg:$0x10];
	[sflag:s17] =	ssyncadd.s32 $0xFFFFA000  }
0x8c: {  	[hbm4b:s1+s2] =	stream.linear.scatter [tilespmem:s12], [sflag:$0x6], $0x6000, $0x38;
	[tilespmem:$0x18000] =	vst v63  }
0x8d: {  	_ =	swait.ge [sflag:s18], $0x6000  }
0x8e: {  	[sflag:s18] =	ssyncset.done $0x0  }
0x8f: {  	s1 =	rddreg [dreg:$0x11];
	[sflag:s18] =	ssyncadd.s32 $0xFFFFA000  }
0x90: {  	[tilespmem:s2], [sflag:$0x1] =	stream.linear.gather [hbm4b:s1+s2], $0x6000, $0x38;
	[tilespmem:$0x18000] =	vst v63  }
0x91: {  	_ =	swait.ge [sflag:s15], $0x6000  }
0x92: {  	[sflag:s15] =	ssyncset.done $0x0  }
0x93: {  	s1 =	rddreg [dreg:$0x12];
	[sflag:s15] =	ssyncadd.s32 $0xFFFFA000  }
0x94: {  	[hbm4b:s1+s2] =	stream.linear.scatter [tilespmem:s7], [sflag:$0x7], $0x6000, $0x38;
	[tilespmem:$0x18000] =	vst v63  }
0x95: {  	_ =	swait.ge [sflag:s13], $0x6000  }
0x96: {  	[sflag:s13] =	ssyncset.done $0x0  }
0x97: {  	s1 =	rddreg [dreg:$0x13];
	[sflag:s13] =	ssyncadd.s32 $0xFFFFA000  }
0x98: {  	[tilespmem:s12], [sflag:$0x2] =	stream.linear.gather [hbm4b:s1+s2], $0x6000, $0x38;
	[tilespmem:$0x18000] =	vst v63  }
0x99: {  	_ =	swait.ge [sflag:s10], $0x6000  }
0x9a: {  	[sflag:s10] =	ssyncset.done $0x0  }
0x9b: {  	s1 =	rddreg [dreg:$0x14];
	[sflag:s10] =	ssyncadd.s32 $0xFFFFA000  }
0x9c: {  	[hbm4b:s1+s2] =	stream.linear.scatter [tilespmem:s4], [sflag:$0x8], $0x6000, $0x38;
	[tilespmem:$0x18000] =	vst v63  }
0x9d: {  	_ =	swait.ge [sflag:s8], $0x6000  }
0x9e: {  	[sflag:s8] =	ssyncset.done $0x0  }
0x9f: {  	s1 =	rddreg [dreg:$0x15];
	[sflag:s8] =	ssyncadd.s32 $0xFFFFA000  }
0xa0: {  	[tilespmem:s7], [sflag:$0x3] =	stream.linear.gather [hbm4b:s1+s2], $0x6000, $0x38;
	[tilespmem:$0x18000] =	vst v63  }
0xa1: {  	_ =	swait.ge [sflag:s21], $0x6000  }
0xa2: {  	[sflag:s21] =	ssyncset.done $0x0  }
0xa3: {  	s1 =	rddreg [dreg:$0x16];
	[sflag:s21] =	ssyncadd.s32 $0xFFFFA000  }
0xa4: {  	[hbm4b:s1+s2] =	stream.linear.scatter [tilespmem:s2], [sflag:$0x5], $0x6000, $0x38;
	[tilespmem:$0x18000] =	vst v63  }
0xa5: {  	_ =	swait.ge [sflag:s6], $0x6000  }
0xa6: {  	[sflag:s6] =	ssyncset.done $0x0  }
0xa7: {  	s1 =	rddreg [dreg:$0x17];
	[sflag:s6] =	ssyncadd.s32 $0xFFFFA000  }
0xa8: {  	[tilespmem:s4], [sflag:$0x4] =	stream.linear.gather [hbm4b:s1+s2], $0x6000, $0x38;
	[tilespmem:$0x18000] =	vst v63  }
0xa9: {  	_ =	swait.ge [sflag:s17], $0x6000  }
0xaa: {  	[sflag:s17] =	ssyncset.done $0x0  }
0xab: {  	s1 =	rddreg [dreg:$0x18];
	[sflag:s17] =	ssyncadd.s32 $0xFFFFA000  }
0xac: {  	[hbm4b:s1+s2] =	stream.linear.scatter [tilespmem:s12], [sflag:$0x6], $0x6000, $0x38;
	[tilespmem:$0x18000] =	vst v63  }
0xad: {  	_ =	swait.ge [sflag:s18], $0x6000  }
0xae: {  	[sflag:s18] =	ssyncset.done $0x0  }
0xaf: {  	s1 =	rddreg [dreg:$0x19];
	[sflag:s18] =	ssyncadd.s32 $0xFFFFA000  }
0xb0: {  	[tilespmem:s2], [sflag:$0x1] =	stream.linear.gather [hbm4b:s1+s2], $0x6000, $0x38;
	[tilespmem:$0x18000] =	vst v63  }
0xb1: {  	_ =	swait.ge [sflag:s15], $0x6000  }
0xb2: {  	[sflag:s15] =	ssyncset.done $0x0  }
0xb3: {  	s1 =	rddreg [dreg:$0x1a];
	[sflag:s15] =	ssyncadd.s32 $0xFFFFA000  }
0xb4: {  	[hbm4b:s1+s2] =	stream.linear.scatter [tilespmem:s7], [sflag:$0x7], $0x6000, $0x38;
	[tilespmem:$0x18000] =	vst v63  }
0xb5: {  	_ =	swait.ge [sflag:s13], $0x6000  }
0xb6: {  	[sflag:s13] =	ssyncset.done $0x0  }
0xb7: {  	s1 =	rddreg [dreg:$0x1b];
	[sflag:s13] =	ssyncadd.s32 $0xFFFFA000  }
0xb8: {  	[tilespmem:s12], [sflag:$0x2] =	stream.linear.gather [hbm4b:s1+s2], $0x6000, $0x38;
	[tilespmem:$0x18000] =	vst v63  }
0xb9: {  	_ =	swait.ge [sflag:s10], $0x6000  }
0xba: {  	[sflag:s10] =	ssyncset.done $0x0  }
0xbb: {  	s1 =	rddreg [dreg:$0x1c];
	[sflag:s10] =	ssyncadd.s32 $0xFFFFA000  }
0xbc: {  	[hbm4b:s1+s2] =	stream.linear.scatter [tilespmem:s4], [sflag:$0x8], $0x6000, $0x38;
	[tilespmem:$0x18000] =	vst v63  }
0xbd: {  	_ =	swait.ge [sflag:s8], $0x6000  }
0xbe: {  	[sflag:s8] =	ssyncset.done $0x0  }
0xbf: {  	s1 =	rddreg [dreg:$0x1d];
	[sflag:s8] =	ssyncadd.s32 $0xFFFFA000  }
0xc0: {  	[tilespmem:s7], [sflag:$0x3] =	stream.linear.gather [hbm4b:s1+s2], $0x6000, $0x38;
	[tilespmem:$0x18000] =	vst v63  }
0xc1: {  	_ =	swait.ge [sflag:s21], $0x6000  }
0xc2: {  	[sflag:s21] =	ssyncset.done $0x0  }
0xc3: {  	s1 =	rddreg [dreg:$0x1e];
	[sflag:s21] =	ssyncadd.s32 $0xFFFFA000  }
0xc4: {  	[hbm4b:s1+s2] =	stream.linear.scatter [tilespmem:s2], [sflag:$0x5], $0x6000, $0x38;
	[tilespmem:$0x18000] =	vst v63  }
0xc5: {  	_ =	swait.ge [sflag:s6], $0x6000  }
0xc6: {  	[sflag:s6] =	ssyncset.done $0x0  }
0xc7: {  	s1 =	rddreg [dreg:$0x1f];
	[sflag:s6] =	ssyncadd.s32 $0xFFFFA000  }
0xc8: {  	[tilespmem:s4], [sflag:$0x4] =	stream.linear.gather [hbm4b:s1+s2], $0x6000, $0x38;
	[tilespmem:$0x18000] =	vst v63  }
0xc9: {  	_ =	swait.ge [sflag:s17], $0x6000  }
0xca: {  	s1 =	sld [smem:$0x7DA]  }
0xcb: {  	[sflag:s17] =	ssyncset.done $0x0  }
0xcc: {  	[sflag:s17] =	ssyncadd.s32 $0xFFFFA000  }
0xcd: {  	[hbm4b:s1+s2] =	stream.linear.scatter [tilespmem:s12], [sflag:$0x6], $0x6000, $0x38;
	[tilespmem:$0x18000] =	vst v63  }
0xce: {  	_ =	swait.ge [sflag:s18], $0x6000  }
0xcf: {  	s1 =	sld [smem:$0x7DB]  }
0xd0: {  	[sflag:s18] =	ssyncset.done $0x0  }
0xd1: {  	[sflag:s18] =	ssyncadd.s32 $0xFFFFA000  }
0xd2: {  	[tilespmem:s2], [sflag:$0x1] =	stream.linear.gather [hbm4b:s1+s2], $0x6000, $0x38;
	[tilespmem:$0x18000] =	vst v63  }
0xd3: {  	_ =	swait.ge [sflag:s15], $0x6000  }
0xd4: {  	s1 =	sld [smem:$0x7DC]  }
0xd5: {  	[sflag:s15] =	ssyncset.done $0x0  }
0xd6: {  	[sflag:s15] =	ssyncadd.s32 $0xFFFFA000  }
0xd7: {  	[hbm4b:s1+s2] =	stream.linear.scatter [tilespmem:s7], [sflag:$0x7], $0x6000, $0x38;
	[tilespmem:$0x18000] =	vst v63  }
0xd8: {  	_ =	swait.ge [sflag:s13], $0x6000  }
0xd9: {  	s1 =	sld [smem:$0x7DD]  }
0xda: {  	[sflag:s13] =	ssyncset.done $0x0  }
0xdb: {  	[sflag:s13] =	ssyncadd.s32 $0xFFFFA000  }
0xdc: {  	[tilespmem:s12], [sflag:$0x2] =	stream.linear.gather [hbm4b:s1+s2], $0x6000, $0x38;
	[tilespmem:$0x18000] =	vst v63  }
0xdd: {  	_ =	swait.ge [sflag:s10], $0x6000  }
0xde: {  	s1 =	sld [smem:$0x7DE]  }
0xdf: {  	[sflag:s10] =	ssyncset.done $0x0  }
0xe0: {  	[sflag:s10] =	ssyncadd.s32 $0xFFFFA000  }
0xe1: {  	[hbm4b:s1+s2] =	stream.linear.scatter [tilespmem:s4], [sflag:$0x8], $0x6000, $0x38;
	[tilespmem:$0x18000] =	vst v63  }
0xe2: {  	_ =	swait.ge [sflag:s8], $0x6000  }
0xe3: {  	s1 =	sld [smem:$0x7DF]  }
0xe4: {  	[sflag:s8] =	ssyncset.done $0x0  }
0xe5: {  	[sflag:s8] =	ssyncadd.s32 $0xFFFFA000  }
0xe6: {  	[tilespmem:s7], [sflag:$0x3] =	stream.linear.gather [hbm4b:s1+s2], $0x6000, $0x38;
	[tilespmem:$0x18000] =	vst v63  }
0xe7: {  	_ =	swait.ge [sflag:s21], $0x6000  }
0xe8: {  	s1 =	sld [smem:$0x7E1]  }
0xe9: {  	[sflag:s21] =	ssyncset.done $0x0  }
0xea: {  	[sflag:s21] =	ssyncadd.s32 $0xFFFFA000  }
0xeb: {  	[hbm4b:s1+s2] =	stream.linear.scatter [tilespmem:s2], [sflag:$0x5], $0x6000, $0x38;
	[tilespmem:$0x18000] =	vst v63  }
0xec: {  	_ =	swait.ge [sflag:s6], $0x6000  }
0xed: {  	s1 =	sld [smem:$0x7E2]  }
0xee: {  	[sflag:s6] =	ssyncset.done $0x0  }
0xef: {  	[sflag:s6] =	ssyncadd.s32 $0xFFFFA000  }
0xf0: {  	[tilespmem:s4], [sflag:$0x4] =	stream.linear.gather [hbm4b:s1+s2], $0x6000, $0x38;
	[tilespmem:$0x18000] =	vst v63  }
0xf1: {  	_ =	swait.ge [sflag:s17], $0x6000  }
0xf2: {  	s1 =	sld [smem:$0x7E4]  }
0xf3: {  	[sflag:s17] =	ssyncset.done $0x0  }
0xf4: {  	[sflag:s17] =	ssyncadd.s32 $0xFFFFA000  }
0xf5: {  	[hbm4b:s1+s2] =	stream.linear.scatter [tilespmem:s12], [sflag:$0x6], $0x6000, $0x38;
	[tilespmem:$0x18000] =	vst v63  }
0xf6: {  	_ =	swait.ge [sflag:s18], $0x6000  }
0xf7: {  	s1 =	sld [smem:$0x7E5]  }
0xf8: {  	[sflag:s18] =	ssyncset.done $0x0  }
0xf9: {  	[sflag:s18] =	ssyncadd.s32 $0xFFFFA000  }
0xfa: {  	[tilespmem:s2], [sflag:$0x1] =	stream.linear.gather [hbm4b:s1+s2], $0x6000, $0x38;
	[tilespmem:$0x18000] =	vst v63  }
0xfb: {  	_ =	swait.ge [sflag:s15], $0x6000  }
0xfc: {  	s1 =	sld [smem:$0x7E7]  }
0xfd: {  	[sflag:s15] =	ssyncset.done $0x0  }
0xfe: {  	[sflag:s15] =	ssyncadd.s32 $0xFFFFA000  }
0xff: {  	[hbm4b:s1+s2] =	stream.linear.scatter [tilespmem:s7], [sflag:$0x7], $0x6000, $0x38;
	[tilespmem:$0x18000] =	vst v63  }
0x100: {  	_ =	swait.ge [sflag:s13], $0x6000  }
0x101: {  	s1 =	sld [smem:$0x7E9]  }
0x102: {  	[sflag:s13] =	ssyncset.done $0x0  }
0x103: {  	[sflag:s13] =	ssyncadd.s32 $0xFFFFA000  }
0x104: {  	[tilespmem:s12], [sflag:$0x2] =	stream.linear.gather [hbm4b:s1+s2], $0x6000, $0x38;
	[tilespmem:$0x18000] =	vst v63  }
0x105: {  	_ =	swait.ge [sflag:s10], $0x6000  }
0x106: {  	s1 =	sld [smem:$0x7EB]  }
0x107: {  	[sflag:s10] =	ssyncset.done $0x0  }
0x108: {  	[sflag:s10] =	ssyncadd.s32 $0xFFFFA000  }
0x109: {  	[hbm4b:s1+s2] =	stream.linear.scatter [tilespmem:s4], [sflag:$0x8], $0x6000, $0x38;
	[tilespmem:$0x18000] =	vst v63  }
0x10a: {  	_ =	swait.ge [sflag:s8], $0x6000  }
0x10b: {  	s1 =	sld [smem:$0x7ED]  }
0x10c: {  	[sflag:s8] =	ssyncset.done $0x0  }
0x10d: {  	[sflag:s8] =	ssyncadd.s32 $0xFFFFA000  }
0x10e: {  	[tilespmem:s7], [sflag:$0x3] =	stream.linear.gather [hbm4b:s1+s2], $0x6000, $0x38;
	[tilespmem:$0x18000] =	vst v63  }
0x10f: {  	_ =	swait.ge [sflag:s21], $0x6000  }
0x110: {  	s1 =	sld [smem:$0x7EF]  }
0x111: {  	[sflag:s21] =	ssyncset.done $0x0  }
0x112: {  	[sflag:s21] =	ssyncadd.s32 $0xFFFFA000  }
0x113: {  	[hbm4b:s1+s2] =	stream.linear.scatter [tilespmem:s2], [sflag:$0x5], $0x6000, $0x38;
	[tilespmem:$0x18000] =	vst v63  }
0x114: {  	_ =	swait.ge [sflag:s6], $0x6000  }
0x115: {  	s1 =	sld [smem:$0x7F0]  }
0x116: {  	[sflag:s6] =	ssyncset.done $0x0  }
0x117: {  	[sflag:s6] =	ssyncadd.s32 $0xFFFFA000  }
0x118: {  	[tilespmem:s4], [sflag:$0x4] =	stream.linear.gather [hbm4b:s1+s2], $0x6000, $0x38;
	[tilespmem:$0x18000] =	vst v63  }
0x119: {  	_ =	swait.ge [sflag:s17], $0x6000  }
0x11a: {  	s1 =	sld [smem:$0x7F2]  }
0x11b: {  	[sflag:s17] =	ssyncset.done $0x0  }
0x11c: {  	[sflag:s17] =	ssyncadd.s32 $0xFFFFA000  }
0x11d: {  	[hbm4b:s1+s2] =	stream.linear.scatter [tilespmem:s12], [sflag:$0x6], $0x6000, $0x38;
	[tilespmem:$0x18000] =	vst v63  }
0x11e: {  	_ =	swait.ge [sflag:s18], $0x6000  }
0x11f: {  	s1 =	sld [smem:$0x7F3]  }
0x120: {  	[sflag:s18] =	ssyncset.done $0x0  }
0x121: {  	[sflag:s18] =	ssyncadd.s32 $0xFFFFA000  }
0x122: {  	[tilespmem:s2], [sflag:$0x1] =	stream.linear.gather [hbm4b:s1+s2], $0x6000, $0x38;
	[tilespmem:$0x18000] =	vst v63  }
0x123: {  	_ =	swait.ge [sflag:s15], $0x6000  }
0x124: {  	s1 =	sld [smem:$0x7F5]  }
0x125: {  	[sflag:s15] =	ssyncset.done $0x0  }
0x126: {  	[sflag:s15] =	ssyncadd.s32 $0xFFFFA000  }
0x127: {  	[hbm4b:s1+s2] =	stream.linear.scatter [tilespmem:s7], [sflag:$0x7], $0x6000, $0x38;
	[tilespmem:$0x18000] =	vst v63  }
0x128: {  	_ =	swait.ge [sflag:s13], $0x6000  }
0x129: {  	s1 =	sld [smem:$0x7F6]  }
0x12a: {  	[sflag:s13] =	ssyncset.done $0x0  }
0x12b: {  	[sflag:s13] =	ssyncadd.s32 $0xFFFFA000  }
0x12c: {  	[tilespmem:s12], [sflag:$0x2] =	stream.linear.gather [hbm4b:s1+s2], $0x6000, $0x38;
	[tilespmem:$0x18000] =	vst v63  }
0x12d: {  	_ =	swait.ge [sflag:s10], $0x6000  }
0x12e: {  	s1 =	sld [smem:$0x7F7]  }
0x12f: {  	[sflag:s10] =	ssyncset.done $0x0  }
0x130: {  	[sflag:s10] =	ssyncadd.s32 $0xFFFFA000  }
0x131: {  	[hbm4b:s1+s2] =	stream.linear.scatter [tilespmem:s4], [sflag:$0x8], $0x6000, $0x38;
	[tilespmem:$0x18000] =	vst v63  }
0x132: {  	_ =	swait.ge [sflag:s8], $0x6000  }
0x133: {  	s1 =	sld [smem:$0x7F8]  }
0x134: {  	[sflag:s8] =	ssyncset.done $0x0  }
0x135: {  	[sflag:s8] =	ssyncadd.s32 $0xFFFFA000  }
0x136: {  	[tilespmem:s7], [sflag:$0x3] =	stream.linear.gather [hbm4b:s1+s2], $0x6000, $0x38;
	[tilespmem:$0x18000] =	vst v63  }
0x137: {  	_ =	swait.ge [sflag:s21], $0x6000  }
0x138: {  	s1 =	sld [smem:$0x7F9]  }
0x139: {  	[sflag:s21] =	ssyncset.done $0x0  }
0x13a: {  	[sflag:s21] =	ssyncadd.s32 $0xFFFFA000  }
0x13b: {  	[hbm4b:s1+s2] =	stream.linear.scatter [tilespmem:s2], [sflag:$0x5], $0x6000, $0x38;
	[tilespmem:$0x18000] =	vst v63  }
0x13c: {  	_ =	swait.ge [sflag:s6], $0x6000  }
0x13d: {  	s1 =	sld [smem:$0x7FB]  }
0x13e: {  	[sflag:s6] =	ssyncset.done $0x0  }
0x13f: {  	[sflag:s6] =	ssyncadd.s32 $0xFFFFA000  }
0x140: {  	[tilespmem:s4], [sflag:$0x4] =	stream.linear.gather [hbm4b:s1+s2], $0x6000, $0x38;
	[tilespmem:$0x18000] =	vst v63  }
0x141: {  	_ =	swait.ge [sflag:s17], $0x6000  }
0x142: {  	s1 =	sld [smem:$0x7FC]  }
0x143: {  	[sflag:s17] =	ssyncset.done $0x0  }
0x144: {  	[sflag:s17] =	ssyncadd.s32 $0xFFFFA000  }
0x145: {  	[hbm4b:s1+s2] =	stream.linear.scatter [tilespmem:s12], [sflag:$0x6], $0x6000, $0x38;
	[tilespmem:$0x18000] =	vst v63  }
0x146: {  	_ =	swait.ge [sflag:s18], $0x6000  }
0x147: {  	s1 =	sld [smem:$0x7FD]  }
0x148: {  	[sflag:s18] =	ssyncset.done $0x0  }
0x149: {  	[sflag:s18] =	ssyncadd.s32 $0xFFFFA000  }
0x14a: {  	[tilespmem:s2], [sflag:$0x1] =	stream.linear.gather [hbm4b:s1+s2], $0x6000, $0x38;
	[tilespmem:$0x18000] =	vst v63  }
0x14b: {  	_ =	swait.ge [sflag:s15], $0x6000  }
0x14c: {  	[sflag:s15] =	ssyncset.done $0x0  }
0x14d: {  	[sflag:s15] =	ssyncadd.s32 $0xFFFFA000  }
0x14e: {  	[hbm4b:s31+s2] =	stream.linear.scatter [tilespmem:s7], [sflag:$0x7], $0x6000, $0x38;
	[tilespmem:$0x18000] =	vst v63  }
0x14f: {  	_ =	swait.ge [sflag:s13], $0x6000  }
0x150: {  	[sflag:s13] =	ssyncset.done $0x0  }
0x151: {  	[sflag:s13] =	ssyncadd.s32 $0xFFFFA000  }
0x152: {  	[tilespmem:s12], [sflag:$0x2] =	stream.linear.gather [hbm4b:s30+s2], $0x6000, $0x38;
	[tilespmem:$0x18000] =	vst v63  }
0x153: {  	_ =	swait.ge [sflag:s10], $0x6000  }
0x154: {  	[sflag:s10] =	ssyncset.done $0x0  }
0x155: {  	[sflag:s10] =	ssyncadd.s32 $0xFFFFA000  }
0x156: {  	[hbm4b:s29+s2] =	stream.linear.scatter [tilespmem:s4], [sflag:$0x8], $0x6000, $0x38;
	[tilespmem:$0x18000] =	vst v63  }
0x157: {  	_ =	swait.ge [sflag:s8], $0x6000  }
0x158: {  	[sflag:s8] =	ssyncset.done $0x0  }
0x159: {  	[sflag:s8] =	ssyncadd.s32 $0xFFFFA000  }
0x15a: {  	[tilespmem:s7], [sflag:$0x3] =	stream.linear.gather [hbm4b:s28+s2], $0x6000, $0x38;
	[tilespmem:$0x18000] =	vst v63  }
0x15b: {  	_ =	swait.ge [sflag:s21], $0x6000  }
0x15c: {  	[sflag:s21] =	ssyncset.done $0x0  }
0x15d: {  	[sflag:s21] =	ssyncadd.s32 $0xFFFFA000  }
0x15e: {  	[hbm4b:s26+s2] =	stream.linear.scatter [tilespmem:s2], [sflag:$0x5], $0x6000, $0x38;
	[tilespmem:$0x18000] =	vst v63  }
0x15f: {  	_ =	swait.ge [sflag:s6], $0x6000  }
0x160: {  	[sflag:s6] =	ssyncset.done $0x0  }
0x161: {  	[sflag:s6] =	ssyncadd.s32 $0xFFFFA000  }
0x162: {  	[tilespmem:s4], [sflag:$0x4] =	stream.linear.gather [hbm4b:s25+s2], $0x6000, $0x38;
	[tilespmem:$0x18000] =	vst v63  }
0x163: {  	_ =	swait.ge [sflag:s17], $0x6000  }
0x164: {  	[sflag:s17] =	ssyncset.done $0x0  }
0x165: {  	[sflag:s17] =	ssyncadd.s32 $0xFFFFA000  }
0x166: {  	[hbm4b:s24+s2] =	stream.linear.scatter [tilespmem:s12], [sflag:$0x6], $0x6000, $0x38;
	[tilespmem:$0x18000] =	vst v63  }
0x167: {  	_ =	swait.ge [sflag:s18], $0x6000  }
0x168: {  	[sflag:s18] =	ssyncset.done $0x0  }
0x169: {  	[sflag:s18] =	ssyncadd.s32 $0xFFFFA000  }
0x16a: {  	[tilespmem:s2], [sflag:$0x1] =	stream.linear.gather [hbm4b:s23+s2], $0x6000, $0x38;
	[tilespmem:$0x18000] =	vst v63  }
0x16b: {  	_ =	swait.ge [sflag:s15], $0x6000  }
0x16c: {  	[sflag:s15] =	ssyncset.done $0x0  }
0x16d: {  	[sflag:s15] =	ssyncadd.s32 $0xFFFFA000  }
0x16e: {  	[hbm4b:s22+s2] =	stream.linear.scatter [tilespmem:s7], [sflag:$0x7], $0x6000, $0x38;
	[tilespmem:$0x18000] =	vst v63  }
0x16f: {  	_ =	swait.ge [sflag:s13], $0x6000  }
0x170: {  	[sflag:s13] =	ssyncset.done $0x0  }
0x171: {  	[sflag:s13] =	ssyncadd.s32 $0xFFFFA000  }
0x172: {  	[tilespmem:s12], [sflag:$0x2] =	stream.linear.gather [hbm4b:s20+s2], $0x6000, $0x38;
	[tilespmem:$0x18000] =	vst v63  }
0x173: {  	_ =	swait.ge [sflag:s10], $0x6000  }
0x174: {  	[sflag:s10] =	ssyncset.done $0x0  }
0x175: {  	[sflag:s10] =	ssyncadd.s32 $0xFFFFA000  }
0x176: {  	[hbm4b:s19+s2] =	stream.linear.scatter [tilespmem:s4], [sflag:$0x8], $0x6000, $0x38;
	[tilespmem:$0x18000] =	vst v63  }
0x177: {  	_ =	swait.ge [sflag:s8], $0x6000  }
0x178: {  	[sflag:s8] =	ssyncset.done $0x0  }
0x179: {  	[sflag:s8] =	ssyncadd.s32 $0xFFFFA000  }
0x17a: {  	[tilespmem:s7], [sflag:$0x3] =	stream.linear.gather [hbm4b:s16+s2], $0x6000, $0x38;
	[tilespmem:$0x18000] =	vst v63  }
0x17b: {  	_ =	swait.ge [sflag:s21], $0x6000  }
0x17c: {  	[sflag:s21] =	ssyncset.done $0x0  }
0x17d: {  	[sflag:s21] =	ssyncadd.s32 $0xFFFFA000  }
0x17e: {  	[hbm4b:s14+s2] =	stream.linear.scatter [tilespmem:s2], [sflag:$0x5], $0x6000, $0x38;
	[tilespmem:$0x18000] =	vst v63  }
0x17f: {  	_ =	swait.ge [sflag:s6], $0x6000  }
0x180: {  	[sflag:s6] =	ssyncset.done $0x0  }
0x181: {  	[sflag:s6] =	ssyncadd.s32 $0xFFFFA000  }
0x182: {  	[tilespmem:s4], [sflag:$0x4] =	stream.linear.gather [hbm4b:s11+s2], $0x6000, $0x38;
	[tilespmem:$0x18000] =	vst v63  }
0x183: {  	_ =	swait.ge [sflag:s17], $0x6000  }
0x184: {  	[sflag:s17] =	ssyncset.done $0x0  }
0x185: {  	[sflag:s17] =	ssyncadd.s32 $0xFFFFA000  }
0x186: {  	[hbm4b:s9+s2] =	stream.linear.scatter [tilespmem:s12], [sflag:$0x6], $0x6000, $0x38;
	[tilespmem:$0x18000] =	vst v63  }
0x187: {  	_ =	swait.ge [sflag:s18], $0x6000  }
0x188: {  	[sflag:s18] =	ssyncset.done $0x0  }
0x189: {  	[sflag:s18] =	ssyncadd.s32 $0xFFFFA000  }
0x18a: {  	_ =	swait.ge [sflag:s15], $0x6000  }
0x18b: {  	[sflag:s15] =	ssyncset.done $0x0  }
0x18c: {  	[sflag:s15] =	ssyncadd.s32 $0xFFFFA000  }
0x18d: {  	[hbm4b:s5+s2] =	stream.linear.scatter [tilespmem:s7], [sflag:$0x7], $0x6000, $0x38;
	[tilespmem:$0x18000] =	vst v63  }
0x18e: {  	_ =	swait.ge [sflag:s13], $0x6000  }
0x18f: {  	[sflag:s13] =	ssyncset.done $0x0  }
0x190: {  	[sflag:s13] =	ssyncadd.s32 $0xFFFFA000  }
0x191: {  	_ =	swait.ge [sflag:s10], $0x6000  }
0x192: {  	[sflag:s10] =	ssyncset.done $0x0  }
0x193: {  	[sflag:s10] =	ssyncadd.s32 $0xFFFFA000  }
0x194: {  	[hbm4b:s3+s2] =	stream.linear.scatter [tilespmem:s4], [sflag:$0x8], $0x6000, $0x38;
	[tilespmem:$0x18000] =	vst v63  }
0x195: {  	_ =	swait.ge [sflag:s8], $0x6000  }
0x196: {  	s1 =	sld [smem:$0x7D9];
	_ =	sdelay $0x2  }
0x197: {  	p1 =	sne.s32 s1, $0x1  }
.Ltmp1:
0x198: {  	_ = 	snop;
	(pc) =	sbr.rel @!p1 .LBB2_3-.Ltmp1, $4  }
0x199: {  	[sflag:s8] =	ssyncset.done $0x0  }
0x19a: {  	[sflag:s8] =	ssyncadd.s32 $0xFFFFA000  }
0x19b: {  	p0 =	por $0x1, $0x1;
	_ =	swait.ge [sflag:s6], $0x6000  }
0x19c: {  	s1 =	sadd.s32 $0xFFFFFFFF, s1;
	s0 =	rddreg [dreg:$0x3];
	[sflag:s6] =	ssyncset.done $0x0  }
.LBB2_2:
0x19d: {  	[sflag:s6] =	ssyncadd.s32 $0xFFFFA000;
	s6 =	simm.s32 $0x6000  }
0x19e: {  	s4 =	smov.u32 s31;
	s31 =	smov.u32 s30;
	s30 =	smov.u32 s29  }
0x19f: {  	s29 =	smov.u32 s28;
	s28 =	smov.u32 s26;
	s26 =	smov.u32 s25  }
0x1a0: {  	s25 =	smov.u32 s24;
	s24 =	smov.u32 s23;
	s23 =	smov.u32 s22  }
0x1a1: {  	s22 =	smov.u32 s20;
	s20 =	smov.u32 s19;
	s19 =	smov.u32 s16  }
0x1a2: {  	s16 =	smov.u32 s14;
	s14 =	smov.u32 s11;
	s11 =	smov.u32 s9  }
0x1a3: {  	[tilespmem:s2], [sflag:$0x1] =	stream.linear.gather [hbm4b:s0+s2], $0x6000, $0x38;
	[tilespmem:$0x18000] =	vst v63  }
0x1a4: {  	s9 =	smov.u32 s5;
	s5 =	smov.u32 s3;
	s3 =	rddreg [dreg:$0x4]  }
0x1a5: {  	[tilespmem:s6], [sflag:$0x2] =	stream.linear.gather [hbm4b:s3+s2], $0x6000, $0x38;
	[tilespmem:$0x18000] =	vst v63  }
0x1a6: {  	s12 =	simm.s32 $0xC000;
	s0 =	rddreg [dreg:$0x5]  }
0x1a7: {  	[tilespmem:s12], [sflag:$0x3] =	stream.linear.gather [hbm4b:s0+s2], $0x6000, $0x38;
	[tilespmem:$0x18000] =	vst v63  }
0x1a8: {  	s7 =	simm.s32 $0x12000;
	s3 =	rddreg [dreg:$0x6]  }
0x1a9: {  	[tilespmem:s7], [sflag:$0x4] =	stream.linear.gather [hbm4b:s3+s2], $0x6000, $0x38;
	[tilespmem:$0x18000] =	vst v63  }
0x1aa: {  	_ =	swait.ge [sflag:s21], $0x6000  }
0x1ab: {  	[sflag:s21] =	ssyncset.done $0x0  }
0x1ac: {  	s0 =	rddreg [dreg:$0x7];
	[sflag:s21] =	ssyncadd.s32 $0xFFFFA000  }
0x1ad: {  	[hbm4b:s0+s2] =	stream.linear.scatter [tilespmem:s2], [sflag:$0x5], $0x6000, $0x38;
	[tilespmem:$0x18000] =	vst v63  }
0x1ae: {  	_ =	swait.ge [sflag:s17], $0x6000  }
0x1af: {  	[sflag:s17] =	ssyncset.done $0x0  }
0x1b0: {  	s12 =	simm.s32 $0x6000;
	s0 =	rddreg [dreg:$0x8];
	[sflag:s17] =	ssyncadd.s32 $0xFFFFA000  }
0x1b1: {  	[hbm4b:s0+s2] =	stream.linear.scatter [tilespmem:s12], [sflag:$0x6], $0x6000, $0x38;
	[tilespmem:$0x18000] =	vst v63  }
0x1b2: {  	s7 =	simm.s32 $0xC000;
	_ =	swait.ge [sflag:s18], $0x6000  }
0x1b3: {  	s3 =	smov.u32 s5;
	s5 =	smov.u32 s9;
	[sflag:s18] =	ssyncset.done $0x0  }
0x1b4: {  	s9 =	smov.u32 s11;
	s0 =	rddreg [dreg:$0x9];
	[sflag:s18] =	ssyncadd.s32 $0xFFFFA000  }
0x1b5: {  	[tilespmem:s2], [sflag:$0x1] =	stream.linear.gather [hbm4b:s0+s2], $0x6000, $0x38;
	[tilespmem:$0x18000] =	vst v63  }
0x1b6: {  	s11 =	smov.u32 s14;
	s14 =	smov.u32 s16;
	_ =	swait.ge [sflag:s15], $0x6000  }
0x1b7: {  	s16 =	smov.u32 s19;
	s19 =	smov.u32 s20;
	[sflag:s15] =	ssyncset.done $0x0  }
0x1b8: {  	s20 =	smov.u32 s22;
	s0 =	rddreg [dreg:$0xa];
	[sflag:s15] =	ssyncadd.s32 $0xFFFFA000  }
0x1b9: {  	[hbm4b:s0+s2] =	stream.linear.scatter [tilespmem:s7], [sflag:$0x7], $0x6000, $0x38;
	[tilespmem:$0x18000] =	vst v63  }
0x1ba: {  	s22 =	smov.u32 s23;
	s23 =	smov.u32 s24;
	_ =	swait.ge [sflag:s13], $0x6000  }
0x1bb: {  	s24 =	smov.u32 s25;
	s25 =	smov.u32 s26;
	[sflag:s13] =	ssyncset.done $0x0  }
0x1bc: {  	s26 =	smov.u32 s28;
	s0 =	rddreg [dreg:$0xb];
	[sflag:s13] =	ssyncadd.s32 $0xFFFFA000  }
0x1bd: {  	[tilespmem:s12], [sflag:$0x2] =	stream.linear.gather [hbm4b:s0+s2], $0x6000, $0x38;
	[tilespmem:$0x18000] =	vst v63  }
0x1be: {  	s28 =	smov.u32 s29;
	s29 =	smov.u32 s30;
	_ =	swait.ge [sflag:s10], $0x6000  }
0x1bf: {  	s30 =	smov.u32 s31;
	s31 =	smov.u32 s4;
	[sflag:s10] =	ssyncset.done $0x0  }
0x1c0: {  	s4 =	simm.s32 $0x12000;
	s0 =	rddreg [dreg:$0xc];
	[sflag:s10] =	ssyncadd.s32 $0xFFFFA000  }
0x1c1: {  	[hbm4b:s0+s2] =	stream.linear.scatter [tilespmem:s4], [sflag:$0x8], $0x6000, $0x38;
	[tilespmem:$0x18000] =	vst v63  }
0x1c2: {  	_ =	swait.ge [sflag:s8], $0x6000  }
0x1c3: {  	[sflag:s8] =	ssyncset.done $0x0  }
0x1c4: {  	s0 =	rddreg [dreg:$0xd];
	[sflag:s8] =	ssyncadd.s32 $0xFFFFA000  }
0x1c5: {  	[tilespmem:s7], [sflag:$0x3] =	stream.linear.gather [hbm4b:s0+s2], $0x6000, $0x38;
	[tilespmem:$0x18000] =	vst v63  }
0x1c6: {  	_ =	swait.ge [sflag:s21], $0x6000  }
0x1c7: {  	[sflag:s21] =	ssyncset.done $0x0  }
0x1c8: {  	s6 =	simm.s32 $0x8;
	s0 =	rddreg [dreg:$0xe];
	[sflag:s21] =	ssyncadd.s32 $0xFFFFA000  }
0x1c9: {  	[hbm4b:s0+s2] =	stream.linear.scatter [tilespmem:s2], [sflag:$0x5], $0x6000, $0x38;
	[tilespmem:$0x18000] =	vst v63  }
0x1ca: {  	_ =	swait.ge [sflag:s6], $0x6000  }
0x1cb: {  	[sflag:s6] =	ssyncset.done $0x0  }
0x1cc: {  	s0 =	rddreg [dreg:$0xf];
	[sflag:s6] =	ssyncadd.s32 $0xFFFFA000  }
0x1cd: {  	[tilespmem:s4], [sflag:$0x4] =	stream.linear.gather [hbm4b:s0+s2], $0x6000, $0x38;
	[tilespmem:$0x18000] =	vst v63  }
0x1ce: {  	_ =	swait.ge [sflag:s17], $0x6000  }
0x1cf: {  	[sflag:s17] =	ssyncset.done $0x0  }
0x1d0: {  	s0 =	rddreg [dreg:$0x10];
	[sflag:s17] =	ssyncadd.s32 $0xFFFFA000  }
0x1d1: {  	[hbm4b:s0+s2] =	stream.linear.scatter [tilespmem:s12], [sflag:$0x6], $0x6000, $0x38;
	[tilespmem:$0x18000] =	vst v63  }
0x1d2: {  	_ =	swait.ge [sflag:s18], $0x6000  }
0x1d3: {  	[sflag:s18] =	ssyncset.done $0x0  }
0x1d4: {  	s0 =	rddreg [dreg:$0x11];
	[sflag:s18] =	ssyncadd.s32 $0xFFFFA000  }
0x1d5: {  	[tilespmem:s2], [sflag:$0x1] =	stream.linear.gather [hbm4b:s0+s2], $0x6000, $0x38;
	[tilespmem:$0x18000] =	vst v63  }
0x1d6: {  	_ =	swait.ge [sflag:s15], $0x6000  }
0x1d7: {  	[sflag:s15] =	ssyncset.done $0x0  }
0x1d8: {  	s0 =	rddreg [dreg:$0x12];
	[sflag:s15] =	ssyncadd.s32 $0xFFFFA000  }
0x1d9: {  	[hbm4b:s0+s2] =	stream.linear.scatter [tilespmem:s7], [sflag:$0x7], $0x6000, $0x38;
	[tilespmem:$0x18000] =	vst v63  }
0x1da: {  	_ =	swait.ge [sflag:s13], $0x6000  }
0x1db: {  	[sflag:s13] =	ssyncset.done $0x0  }
0x1dc: {  	s0 =	rddreg [dreg:$0x13];
	[sflag:s13] =	ssyncadd.s32 $0xFFFFA000  }
0x1dd: {  	[tilespmem:s12], [sflag:$0x2] =	stream.linear.gather [hbm4b:s0+s2], $0x6000, $0x38;
	[tilespmem:$0x18000] =	vst v63  }
0x1de: {  	_ =	swait.ge [sflag:s10], $0x6000  }
0x1df: {  	[sflag:s10] =	ssyncset.done $0x0  }
0x1e0: {  	s0 =	rddreg [dreg:$0x14];
	[sflag:s10] =	ssyncadd.s32 $0xFFFFA000  }
0x1e1: {  	[hbm4b:s0+s2] =	stream.linear.scatter [tilespmem:s4], [sflag:$0x8], $0x6000, $0x38;
	[tilespmem:$0x18000] =	vst v63  }
0x1e2: {  	_ =	swait.ge [sflag:s8], $0x6000  }
0x1e3: {  	[sflag:s8] =	ssyncset.done $0x0  }
0x1e4: {  	s0 =	rddreg [dreg:$0x15];
	[sflag:s8] =	ssyncadd.s32 $0xFFFFA000  }
0x1e5: {  	[tilespmem:s7], [sflag:$0x3] =	stream.linear.gather [hbm4b:s0+s2], $0x6000, $0x38;
	[tilespmem:$0x18000] =	vst v63  }
0x1e6: {  	_ =	swait.ge [sflag:s21], $0x6000  }
0x1e7: {  	[sflag:s21] =	ssyncset.done $0x0  }
0x1e8: {  	s0 =	rddreg [dreg:$0x16];
	[sflag:s21] =	ssyncadd.s32 $0xFFFFA000  }
0x1e9: {  	[hbm4b:s0+s2] =	stream.linear.scatter [tilespmem:s2], [sflag:$0x5], $0x6000, $0x38;
	[tilespmem:$0x18000] =	vst v63  }
0x1ea: {  	_ =	swait.ge [sflag:s6], $0x6000  }
0x1eb: {  	[sflag:s6] =	ssyncset.done $0x0  }
0x1ec: {  	s0 =	rddreg [dreg:$0x17];
	[sflag:s6] =	ssyncadd.s32 $0xFFFFA000  }
0x1ed: {  	[tilespmem:s4], [sflag:$0x4] =	stream.linear.gather [hbm4b:s0+s2], $0x6000, $0x38;
	[tilespmem:$0x18000] =	vst v63  }
0x1ee: {  	_ =	swait.ge [sflag:s17], $0x6000  }
0x1ef: {  	[sflag:s17] =	ssyncset.done $0x0  }
0x1f0: {  	s0 =	rddreg [dreg:$0x18];
	[sflag:s17] =	ssyncadd.s32 $0xFFFFA000  }
0x1f1: {  	[hbm4b:s0+s2] =	stream.linear.scatter [tilespmem:s12], [sflag:$0x6], $0x6000, $0x38;
	[tilespmem:$0x18000] =	vst v63  }
0x1f2: {  	_ =	swait.ge [sflag:s18], $0x6000  }
0x1f3: {  	[sflag:s18] =	ssyncset.done $0x0  }
0x1f4: {  	s0 =	rddreg [dreg:$0x19];
	[sflag:s18] =	ssyncadd.s32 $0xFFFFA000  }
0x1f5: {  	[tilespmem:s2], [sflag:$0x1] =	stream.linear.gather [hbm4b:s0+s2], $0x6000, $0x38;
	[tilespmem:$0x18000] =	vst v63  }
0x1f6: {  	_ =	swait.ge [sflag:s15], $0x6000  }
0x1f7: {  	[sflag:s15] =	ssyncset.done $0x0  }
0x1f8: {  	s0 =	rddreg [dreg:$0x1a];
	[sflag:s15] =	ssyncadd.s32 $0xFFFFA000  }
0x1f9: {  	[hbm4b:s0+s2] =	stream.linear.scatter [tilespmem:s7], [sflag:$0x7], $0x6000, $0x38;
	[tilespmem:$0x18000] =	vst v63  }
0x1fa: {  	_ =	swait.ge [sflag:s13], $0x6000  }
0x1fb: {  	[sflag:s13] =	ssyncset.done $0x0  }
0x1fc: {  	s0 =	rddreg [dreg:$0x1b];
	[sflag:s13] =	ssyncadd.s32 $0xFFFFA000  }
0x1fd: {  	[tilespmem:s12], [sflag:$0x2] =	stream.linear.gather [hbm4b:s0+s2], $0x6000, $0x38;
	[tilespmem:$0x18000] =	vst v63  }
0x1fe: {  	_ =	swait.ge [sflag:s10], $0x6000  }
0x1ff: {  	[sflag:s10] =	ssyncset.done $0x0  }
0x200: {  	s0 =	rddreg [dreg:$0x1c];
	[sflag:s10] =	ssyncadd.s32 $0xFFFFA000  }
0x201: {  	[hbm4b:s0+s2] =	stream.linear.scatter [tilespmem:s4], [sflag:$0x8], $0x6000, $0x38;
	[tilespmem:$0x18000] =	vst v63  }
0x202: {  	_ =	swait.ge [sflag:s8], $0x6000  }
0x203: {  	[sflag:s8] =	ssyncset.done $0x0  }
0x204: {  	s0 =	rddreg [dreg:$0x1d];
	[sflag:s8] =	ssyncadd.s32 $0xFFFFA000  }
0x205: {  	[tilespmem:s7], [sflag:$0x3] =	stream.linear.gather [hbm4b:s0+s2], $0x6000, $0x38;
	[tilespmem:$0x18000] =	vst v63  }
0x206: {  	_ =	swait.ge [sflag:s21], $0x6000  }
0x207: {  	[sflag:s21] =	ssyncset.done $0x0  }
0x208: {  	s0 =	rddreg [dreg:$0x1e];
	[sflag:s21] =	ssyncadd.s32 $0xFFFFA000  }
0x209: {  	[hbm4b:s0+s2] =	stream.linear.scatter [tilespmem:s2], [sflag:$0x5], $0x6000, $0x38;
	[tilespmem:$0x18000] =	vst v63  }
0x20a: {  	_ =	swait.ge [sflag:s6], $0x6000  }
0x20b: {  	[sflag:s6] =	ssyncset.done $0x0  }
0x20c: {  	s0 =	rddreg [dreg:$0x1f];
	[sflag:s6] =	ssyncadd.s32 $0xFFFFA000  }
0x20d: {  	[tilespmem:s4], [sflag:$0x4] =	stream.linear.gather [hbm4b:s0+s2], $0x6000, $0x38;
	[tilespmem:$0x18000] =	vst v63  }
0x20e: {  	_ =	swait.ge [sflag:s17], $0x6000  }
0x20f: {  	s0 =	sld [smem:$0x7DA]  }
0x210: {  	[sflag:s17] =	ssyncset.done $0x0  }
0x211: {  	[sflag:s17] =	ssyncadd.s32 $0xFFFFA000  }
0x212: {  	[hbm4b:s0+s2] =	stream.linear.scatter [tilespmem:s12], [sflag:$0x6], $0x6000, $0x38;
	[tilespmem:$0x18000] =	vst v63  }
0x213: {  	_ =	swait.ge [sflag:s18], $0x6000  }
0x214: {  	s0 =	sld [smem:$0x7DB]  }
0x215: {  	[sflag:s18] =	ssyncset.done $0x0  }
0x216: {  	[sflag:s18] =	ssyncadd.s32 $0xFFFFA000  }
0x217: {  	[tilespmem:s2], [sflag:$0x1] =	stream.linear.gather [hbm4b:s0+s2], $0x6000, $0x38;
	[tilespmem:$0x18000] =	vst v63  }
0x218: {  	_ =	swait.ge [sflag:s15], $0x6000  }
0x219: {  	s0 =	sld [smem:$0x7DC]  }
0x21a: {  	[sflag:s15] =	ssyncset.done $0x0  }
0x21b: {  	[sflag:s15] =	ssyncadd.s32 $0xFFFFA000  }
0x21c: {  	[hbm4b:s0+s2] =	stream.linear.scatter [tilespmem:s7], [sflag:$0x7], $0x6000, $0x38;
	[tilespmem:$0x18000] =	vst v63  }
0x21d: {  	_ =	swait.ge [sflag:s13], $0x6000  }
0x21e: {  	s0 =	sld [smem:$0x7DD]  }
0x21f: {  	[sflag:s13] =	ssyncset.done $0x0  }
0x220: {  	[sflag:s13] =	ssyncadd.s32 $0xFFFFA000  }
0x221: {  	[tilespmem:s12], [sflag:$0x2] =	stream.linear.gather [hbm4b:s0+s2], $0x6000, $0x38;
	[tilespmem:$0x18000] =	vst v63  }
0x222: {  	_ =	swait.ge [sflag:s10], $0x6000  }
0x223: {  	s0 =	sld [smem:$0x7DE]  }
0x224: {  	[sflag:s10] =	ssyncset.done $0x0  }
0x225: {  	[sflag:s10] =	ssyncadd.s32 $0xFFFFA000  }
0x226: {  	[hbm4b:s0+s2] =	stream.linear.scatter [tilespmem:s4], [sflag:$0x8], $0x6000, $0x38;
	[tilespmem:$0x18000] =	vst v63  }
0x227: {  	_ =	swait.ge [sflag:s8], $0x6000  }
0x228: {  	s0 =	sld [smem:$0x7DF]  }
0x229: {  	[sflag:s8] =	ssyncset.done $0x0  }
0x22a: {  	[sflag:s8] =	ssyncadd.s32 $0xFFFFA000  }
0x22b: {  	[tilespmem:s7], [sflag:$0x3] =	stream.linear.gather [hbm4b:s0+s2], $0x6000, $0x38;
	[tilespmem:$0x18000] =	vst v63  }
0x22c: {  	_ =	swait.ge [sflag:s21], $0x6000  }
0x22d: {  	s0 =	sld [smem:$0x7E1]  }
0x22e: {  	[sflag:s21] =	ssyncset.done $0x0  }
0x22f: {  	[sflag:s21] =	ssyncadd.s32 $0xFFFFA000  }
0x230: {  	[hbm4b:s0+s2] =	stream.linear.scatter [tilespmem:s2], [sflag:$0x5], $0x6000, $0x38;
	[tilespmem:$0x18000] =	vst v63  }
0x231: {  	_ =	swait.ge [sflag:s6], $0x6000  }
0x232: {  	s0 =	sld [smem:$0x7E2]  }
0x233: {  	[sflag:s6] =	ssyncset.done $0x0  }
0x234: {  	[sflag:s6] =	ssyncadd.s32 $0xFFFFA000  }
0x235: {  	[tilespmem:s4], [sflag:$0x4] =	stream.linear.gather [hbm4b:s0+s2], $0x6000, $0x38;
	[tilespmem:$0x18000] =	vst v63  }
0x236: {  	_ =	swait.ge [sflag:s17], $0x6000  }
0x237: {  	s0 =	sld [smem:$0x7E4]  }
0x238: {  	[sflag:s17] =	ssyncset.done $0x0  }
0x239: {  	[sflag:s17] =	ssyncadd.s32 $0xFFFFA000  }
0x23a: {  	[hbm4b:s0+s2] =	stream.linear.scatter [tilespmem:s12], [sflag:$0x6], $0x6000, $0x38;
	[tilespmem:$0x18000] =	vst v63  }
0x23b: {  	_ =	swait.ge [sflag:s18], $0x6000  }
0x23c: {  	s0 =	sld [smem:$0x7E5]  }
0x23d: {  	[sflag:s18] =	ssyncset.done $0x0  }
0x23e: {  	[sflag:s18] =	ssyncadd.s32 $0xFFFFA000  }
0x23f: {  	[tilespmem:s2], [sflag:$0x1] =	stream.linear.gather [hbm4b:s0+s2], $0x6000, $0x38;
	[tilespmem:$0x18000] =	vst v63  }
0x240: {  	_ =	swait.ge [sflag:s15], $0x6000  }
0x241: {  	s0 =	sld [smem:$0x7E7]  }
0x242: {  	[sflag:s15] =	ssyncset.done $0x0  }
0x243: {  	[sflag:s15] =	ssyncadd.s32 $0xFFFFA000  }
0x244: {  	[hbm4b:s0+s2] =	stream.linear.scatter [tilespmem:s7], [sflag:$0x7], $0x6000, $0x38;
	[tilespmem:$0x18000] =	vst v63  }
0x245: {  	_ =	swait.ge [sflag:s13], $0x6000  }
0x246: {  	s0 =	sld [smem:$0x7E9]  }
0x247: {  	[sflag:s13] =	ssyncset.done $0x0  }
0x248: {  	[sflag:s13] =	ssyncadd.s32 $0xFFFFA000  }
0x249: {  	[tilespmem:s12], [sflag:$0x2] =	stream.linear.gather [hbm4b:s0+s2], $0x6000, $0x38;
	[tilespmem:$0x18000] =	vst v63  }
0x24a: {  	_ =	swait.ge [sflag:s10], $0x6000  }
0x24b: {  	s0 =	sld [smem:$0x7EB]  }
0x24c: {  	[sflag:s10] =	ssyncset.done $0x0  }
0x24d: {  	[sflag:s10] =	ssyncadd.s32 $0xFFFFA000  }
0x24e: {  	[hbm4b:s0+s2] =	stream.linear.scatter [tilespmem:s4], [sflag:$0x8], $0x6000, $0x38;
	[tilespmem:$0x18000] =	vst v63  }
0x24f: {  	_ =	swait.ge [sflag:s8], $0x6000  }
0x250: {  	s0 =	sld [smem:$0x7ED]  }
0x251: {  	[sflag:s8] =	ssyncset.done $0x0  }
0x252: {  	[sflag:s8] =	ssyncadd.s32 $0xFFFFA000  }
0x253: {  	[tilespmem:s7], [sflag:$0x3] =	stream.linear.gather [hbm4b:s0+s2], $0x6000, $0x38;
	[tilespmem:$0x18000] =	vst v63  }
0x254: {  	_ =	swait.ge [sflag:s21], $0x6000  }
0x255: {  	s0 =	sld [smem:$0x7EF]  }
0x256: {  	[sflag:s21] =	ssyncset.done $0x0  }
0x257: {  	[sflag:s21] =	ssyncadd.s32 $0xFFFFA000  }
0x258: {  	[hbm4b:s0+s2] =	stream.linear.scatter [tilespmem:s2], [sflag:$0x5], $0x6000, $0x38;
	[tilespmem:$0x18000] =	vst v63  }
0x259: {  	_ =	swait.ge [sflag:s6], $0x6000  }
0x25a: {  	s0 =	sld [smem:$0x7F0]  }
0x25b: {  	[sflag:s6] =	ssyncset.done $0x0  }
0x25c: {  	[sflag:s6] =	ssyncadd.s32 $0xFFFFA000  }
0x25d: {  	[tilespmem:s4], [sflag:$0x4] =	stream.linear.gather [hbm4b:s0+s2], $0x6000, $0x38;
	[tilespmem:$0x18000] =	vst v63  }
0x25e: {  	_ =	swait.ge [sflag:s17], $0x6000  }
0x25f: {  	s0 =	sld [smem:$0x7F2]  }
0x260: {  	[sflag:s17] =	ssyncset.done $0x0  }
0x261: {  	[sflag:s17] =	ssyncadd.s32 $0xFFFFA000  }
0x262: {  	[hbm4b:s0+s2] =	stream.linear.scatter [tilespmem:s12], [sflag:$0x6], $0x6000, $0x38;
	[tilespmem:$0x18000] =	vst v63  }
0x263: {  	_ =	swait.ge [sflag:s18], $0x6000  }
0x264: {  	s0 =	sld [smem:$0x7F3]  }
0x265: {  	[sflag:s18] =	ssyncset.done $0x0  }
0x266: {  	[sflag:s18] =	ssyncadd.s32 $0xFFFFA000  }
0x267: {  	[tilespmem:s2], [sflag:$0x1] =	stream.linear.gather [hbm4b:s0+s2], $0x6000, $0x38;
	[tilespmem:$0x18000] =	vst v63  }
0x268: {  	_ =	swait.ge [sflag:s15], $0x6000  }
0x269: {  	s0 =	sld [smem:$0x7F5]  }
0x26a: {  	[sflag:s15] =	ssyncset.done $0x0  }
0x26b: {  	[sflag:s15] =	ssyncadd.s32 $0xFFFFA000  }
0x26c: {  	[hbm4b:s0+s2] =	stream.linear.scatter [tilespmem:s7], [sflag:$0x7], $0x6000, $0x38;
	[tilespmem:$0x18000] =	vst v63  }
0x26d: {  	_ =	swait.ge [sflag:s13], $0x6000  }
0x26e: {  	s0 =	sld [smem:$0x7F6]  }
0x26f: {  	[sflag:s13] =	ssyncset.done $0x0  }
0x270: {  	[sflag:s13] =	ssyncadd.s32 $0xFFFFA000  }
0x271: {  	[tilespmem:s12], [sflag:$0x2] =	stream.linear.gather [hbm4b:s0+s2], $0x6000, $0x38;
	[tilespmem:$0x18000] =	vst v63  }
0x272: {  	_ =	swait.ge [sflag:s10], $0x6000  }
0x273: {  	s0 =	sld [smem:$0x7F7]  }
0x274: {  	[sflag:s10] =	ssyncset.done $0x0  }
0x275: {  	[sflag:s10] =	ssyncadd.s32 $0xFFFFA000  }
0x276: {  	[hbm4b:s0+s2] =	stream.linear.scatter [tilespmem:s4], [sflag:$0x8], $0x6000, $0x38;
	[tilespmem:$0x18000] =	vst v63  }
0x277: {  	_ =	swait.ge [sflag:s8], $0x6000  }
0x278: {  	s0 =	sld [smem:$0x7F8]  }
0x279: {  	[sflag:s8] =	ssyncset.done $0x0  }
0x27a: {  	[sflag:s8] =	ssyncadd.s32 $0xFFFFA000  }
0x27b: {  	[tilespmem:s7], [sflag:$0x3] =	stream.linear.gather [hbm4b:s0+s2], $0x6000, $0x38;
	[tilespmem:$0x18000] =	vst v63  }
0x27c: {  	_ =	swait.ge [sflag:s21], $0x6000  }
0x27d: {  	s0 =	sld [smem:$0x7F9]  }
0x27e: {  	[sflag:s21] =	ssyncset.done $0x0  }
0x27f: {  	[sflag:s21] =	ssyncadd.s32 $0xFFFFA000  }
0x280: {  	[hbm4b:s0+s2] =	stream.linear.scatter [tilespmem:s2], [sflag:$0x5], $0x6000, $0x38;
	[tilespmem:$0x18000] =	vst v63  }
0x281: {  	_ =	swait.ge [sflag:s6], $0x6000  }
0x282: {  	s0 =	sld [smem:$0x7FB]  }
0x283: {  	[sflag:s6] =	ssyncset.done $0x0  }
0x284: {  	[sflag:s6] =	ssyncadd.s32 $0xFFFFA000  }
0x285: {  	[tilespmem:s4], [sflag:$0x4] =	stream.linear.gather [hbm4b:s0+s2], $0x6000, $0x38;
	[tilespmem:$0x18000] =	vst v63  }
0x286: {  	_ =	swait.ge [sflag:s17], $0x6000  }
0x287: {  	s0 =	sld [smem:$0x7FC]  }
0x288: {  	[sflag:s17] =	ssyncset.done $0x0  }
0x289: {  	[sflag:s17] =	ssyncadd.s32 $0xFFFFA000  }
0x28a: {  	[hbm4b:s0+s2] =	stream.linear.scatter [tilespmem:s12], [sflag:$0x6], $0x6000, $0x38;
	[tilespmem:$0x18000] =	vst v63  }
0x28b: {  	_ =	swait.ge [sflag:s18], $0x6000  }
0x28c: {  	s0 =	sld [smem:$0x7FD]  }
0x28d: {  	[sflag:s18] =	ssyncset.done $0x0  }
0x28e: {  	[sflag:s18] =	ssyncadd.s32 $0xFFFFA000  }
0x28f: {  	[tilespmem:s2], [sflag:$0x1] =	stream.linear.gather [hbm4b:s0+s2], $0x6000, $0x38;
	[tilespmem:$0x18000] =	vst v63  }
0x290: {  	_ =	swait.ge [sflag:s15], $0x6000  }
0x291: {  	[sflag:s15] =	ssyncset.done $0x0  }
0x292: {  	[sflag:s15] =	ssyncadd.s32 $0xFFFFA000  }
0x293: {  	[hbm4b:s31+s2] =	stream.linear.scatter [tilespmem:s7], [sflag:$0x7], $0x6000, $0x38;
	[tilespmem:$0x18000] =	vst v63  }
0x294: {  	_ =	swait.ge [sflag:s13], $0x6000  }
0x295: {  	[sflag:s13] =	ssyncset.done $0x0  }
0x296: {  	[sflag:s13] =	ssyncadd.s32 $0xFFFFA000  }
0x297: {  	[tilespmem:s12], [sflag:$0x2] =	stream.linear.gather [hbm4b:s30+s2], $0x6000, $0x38;
	[tilespmem:$0x18000] =	vst v63  }
0x298: {  	_ =	swait.ge [sflag:s10], $0x6000  }
0x299: {  	[sflag:s10] =	ssyncset.done $0x0  }
0x29a: {  	[sflag:s10] =	ssyncadd.s32 $0xFFFFA000  }
0x29b: {  	[hbm4b:s29+s2] =	stream.linear.scatter [tilespmem:s4], [sflag:$0x8], $0x6000, $0x38;
	[tilespmem:$0x18000] =	vst v63  }
0x29c: {  	_ =	swait.ge [sflag:s8], $0x6000  }
0x29d: {  	[sflag:s8] =	ssyncset.done $0x0  }
0x29e: {  	[sflag:s8] =	ssyncadd.s32 $0xFFFFA000  }
0x29f: {  	[tilespmem:s7], [sflag:$0x3] =	stream.linear.gather [hbm4b:s28+s2], $0x6000, $0x38;
	[tilespmem:$0x18000] =	vst v63  }
0x2a0: {  	_ =	swait.ge [sflag:s21], $0x6000  }
0x2a1: {  	[sflag:s21] =	ssyncset.done $0x0  }
0x2a2: {  	[sflag:s21] =	ssyncadd.s32 $0xFFFFA000  }
0x2a3: {  	[hbm4b:s26+s2] =	stream.linear.scatter [tilespmem:s2], [sflag:$0x5], $0x6000, $0x38;
	[tilespmem:$0x18000] =	vst v63  }
0x2a4: {  	_ =	swait.ge [sflag:s6], $0x6000  }
0x2a5: {  	[sflag:s6] =	ssyncset.done $0x0  }
0x2a6: {  	[sflag:s6] =	ssyncadd.s32 $0xFFFFA000  }
0x2a7: {  	[tilespmem:s4], [sflag:$0x4] =	stream.linear.gather [hbm4b:s25+s2], $0x6000, $0x38;
	[tilespmem:$0x18000] =	vst v63  }
0x2a8: {  	_ =	swait.ge [sflag:s17], $0x6000  }
0x2a9: {  	[sflag:s17] =	ssyncset.done $0x0  }
0x2aa: {  	[sflag:s17] =	ssyncadd.s32 $0xFFFFA000  }
0x2ab: {  	[hbm4b:s24+s2] =	stream.linear.scatter [tilespmem:s12], [sflag:$0x6], $0x6000, $0x38;
	[tilespmem:$0x18000] =	vst v63  }
0x2ac: {  	_ =	swait.ge [sflag:s18], $0x6000  }
0x2ad: {  	[sflag:s18] =	ssyncset.done $0x0  }
0x2ae: {  	[sflag:s18] =	ssyncadd.s32 $0xFFFFA000  }
0x2af: {  	[tilespmem:s2], [sflag:$0x1] =	stream.linear.gather [hbm4b:s23+s2], $0x6000, $0x38;
	[tilespmem:$0x18000] =	vst v63  }
0x2b0: {  	_ =	swait.ge [sflag:s15], $0x6000  }
0x2b1: {  	[sflag:s15] =	ssyncset.done $0x0  }
0x2b2: {  	[sflag:s15] =	ssyncadd.s32 $0xFFFFA000  }
0x2b3: {  	[hbm4b:s22+s2] =	stream.linear.scatter [tilespmem:s7], [sflag:$0x7], $0x6000, $0x38;
	[tilespmem:$0x18000] =	vst v63  }
0x2b4: {  	_ =	swait.ge [sflag:s13], $0x6000  }
0x2b5: {  	[sflag:s13] =	ssyncset.done $0x0  }
0x2b6: {  	[sflag:s13] =	ssyncadd.s32 $0xFFFFA000  }
0x2b7: {  	[tilespmem:s12], [sflag:$0x2] =	stream.linear.gather [hbm4b:s20+s2], $0x6000, $0x38;
	[tilespmem:$0x18000] =	vst v63  }
0x2b8: {  	_ =	swait.ge [sflag:s10], $0x6000  }
0x2b9: {  	[sflag:s10] =	ssyncset.done $0x0  }
0x2ba: {  	[sflag:s10] =	ssyncadd.s32 $0xFFFFA000  }
0x2bb: {  	[hbm4b:s19+s2] =	stream.linear.scatter [tilespmem:s4], [sflag:$0x8], $0x6000, $0x38;
	[tilespmem:$0x18000] =	vst v63  }
0x2bc: {  	_ =	swait.ge [sflag:s8], $0x6000  }
0x2bd: {  	[sflag:s8] =	ssyncset.done $0x0  }
0x2be: {  	[sflag:s8] =	ssyncadd.s32 $0xFFFFA000  }
0x2bf: {  	[tilespmem:s7], [sflag:$0x3] =	stream.linear.gather [hbm4b:s16+s2], $0x6000, $0x38;
	[tilespmem:$0x18000] =	vst v63  }
0x2c0: {  	_ =	swait.ge [sflag:s21], $0x6000  }
0x2c1: {  	[sflag:s21] =	ssyncset.done $0x0  }
0x2c2: {  	[sflag:s21] =	ssyncadd.s32 $0xFFFFA000  }
0x2c3: {  	[hbm4b:s14+s2] =	stream.linear.scatter [tilespmem:s2], [sflag:$0x5], $0x6000, $0x38;
	[tilespmem:$0x18000] =	vst v63  }
0x2c4: {  	_ =	swait.ge [sflag:s6], $0x6000  }
0x2c5: {  	[sflag:s6] =	ssyncset.done $0x0  }
0x2c6: {  	[sflag:s6] =	ssyncadd.s32 $0xFFFFA000  }
0x2c7: {  	[tilespmem:s4], [sflag:$0x4] =	stream.linear.gather [hbm4b:s11+s2], $0x6000, $0x38;
	[tilespmem:$0x18000] =	vst v63  }
0x2c8: {  	_ =	swait.ge [sflag:s17], $0x6000  }
0x2c9: {  	[sflag:s17] =	ssyncset.done $0x0  }
0x2ca: {  	[sflag:s17] =	ssyncadd.s32 $0xFFFFA000  }
0x2cb: {  	[hbm4b:s9+s2] =	stream.linear.scatter [tilespmem:s12], [sflag:$0x6], $0x6000, $0x38;
	[tilespmem:$0x18000] =	vst v63  }
0x2cc: {  	_ =	swait.ge [sflag:s18], $0x6000  }
0x2cd: {  	[sflag:s18] =	ssyncset.done $0x0  }
0x2ce: {  	[sflag:s18] =	ssyncadd.s32 $0xFFFFA000  }
0x2cf: {  	_ =	swait.ge [sflag:s15], $0x6000  }
0x2d0: {  	[sflag:s15] =	ssyncset.done $0x0  }
0x2d1: {  	[sflag:s15] =	ssyncadd.s32 $0xFFFFA000  }
0x2d2: {  	[hbm4b:s5+s2] =	stream.linear.scatter [tilespmem:s7], [sflag:$0x7], $0x6000, $0x38;
	[tilespmem:$0x18000] =	vst v63  }
0x2d3: {  	_ =	swait.ge [sflag:s13], $0x6000  }
0x2d4: {  	[sflag:s13] =	ssyncset.done $0x0  }
0x2d5: {  	[sflag:s13] =	ssyncadd.s32 $0xFFFFA000  }
0x2d6: {  	_ =	swait.ge [sflag:s10], $0x6000  }
0x2d7: {  	[sflag:s10] =	ssyncset.done $0x0  }
0x2d8: {  	p1 =	sne.s32 s1, $0x1;
	[sflag:s10] =	ssyncadd.s32 $0xFFFFA000  }
0x2d9: {  	[hbm4b:s3+s2] =	stream.linear.scatter [tilespmem:s4], [sflag:$0x8], $0x6000, $0x38;
	[tilespmem:$0x18000] =	vst v63  }
.Ltmp2:
0x2da: {  	_ =	swait.ge [sflag:s8], $0x6000;
	(pc) =	sbr.rel @p1 .LBB2_2-.Ltmp2, $4  }
0x2db: {  	[sflag:s8] =	ssyncset.done $0x0  }
0x2dc: {  	[sflag:s8] =	ssyncadd.s32 $0xFFFFA000  }
0x2dd: {  	_ =	swait.ge [sflag:s6], $0x6000  }
0x2de: {  	s1 =	sadd.s32 $0xFFFFFFFF, s1;
	s0 =	rddreg [dreg:$0x3];
	[sflag:s6] =	ssyncset.done $0x0  }
.LBB2_3:
0x2df: {  	[sflag:s6] =	ssyncadd.s32 @p0 $0xFFFFA000  }
0x2e0: {  	[tilespmem:s2], [sflag:$0x1] =	stream.linear.gather [hbm4b:s0+s2], $0x6000, $0x38;
	[tilespmem:$0x18000] =	vst v63  }
0x2e1: {  	s1 =	rddreg [dreg:$0x4]  }
0x2e2: {  	[tilespmem:s12], [sflag:$0x2] =	stream.linear.gather [hbm4b:s1+s2], $0x6000, $0x38;
	[tilespmem:$0x18000] =	vst v63  }
0x2e3: {  	s0 =	rddreg [dreg:$0x5]  }
0x2e4: {  	[tilespmem:s7], [sflag:$0x3] =	stream.linear.gather [hbm4b:s0+s2], $0x6000, $0x38;
	[tilespmem:$0x18000] =	vst v63  }
0x2e5: {  	s1 =	rddreg [dreg:$0x6]  }
0x2e6: {  	[tilespmem:s4], [sflag:$0x4] =	stream.linear.gather [hbm4b:s1+s2], $0x6000, $0x38;
	[tilespmem:$0x18000] =	vst v63  }
0x2e7: {  	_ =	swait.ge [sflag:s21], $0x6000  }
0x2e8: {  	[sflag:s21] =	ssyncset.done $0x0  }
0x2e9: {  	s1 =	rddreg [dreg:$0x7];
	[sflag:s21] =	ssyncadd.s32 $0xFFFFA000  }
0x2ea: {  	[hbm4b:s1+s2] =	stream.linear.scatter [tilespmem:s2], [sflag:$0x5], $0x6000, $0x38;
	[tilespmem:$0x18000] =	vst v63  }
0x2eb: {  	_ =	swait.ge [sflag:s17], $0x6000  }
0x2ec: {  	[sflag:s17] =	ssyncset.done $0x0  }
0x2ed: {  	s1 =	rddreg [dreg:$0x8];
	[sflag:s17] =	ssyncadd.s32 $0xFFFFA000  }
0x2ee: {  	[hbm4b:s1+s2] =	stream.linear.scatter [tilespmem:s12], [sflag:$0x6], $0x6000, $0x38;
	[tilespmem:$0x18000] =	vst v63  }
0x2ef: {  	_ =	swait.ge [sflag:s18], $0x6000  }
0x2f0: {  	[sflag:s18] =	ssyncset.done $0x0  }
0x2f1: {  	s1 =	rddreg [dreg:$0x9];
	[sflag:s18] =	ssyncadd.s32 $0xFFFFA000  }
0x2f2: {  	[tilespmem:s2], [sflag:$0x1] =	stream.linear.gather [hbm4b:s1+s2], $0x6000, $0x38;
	[tilespmem:$0x18000] =	vst v63  }
0x2f3: {  	_ =	swait.ge [sflag:s15], $0x6000  }
0x2f4: {  	[sflag:s15] =	ssyncset.done $0x0  }
0x2f5: {  	s1 =	rddreg [dreg:$0xa];
	[sflag:s15] =	ssyncadd.s32 $0xFFFFA000  }
0x2f6: {  	[hbm4b:s1+s2] =	stream.linear.scatter [tilespmem:s7], [sflag:$0x7], $0x6000, $0x38;
	[tilespmem:$0x18000] =	vst v63  }
0x2f7: {  	_ =	swait.ge [sflag:s13], $0x6000  }
0x2f8: {  	[sflag:s13] =	ssyncset.done $0x0  }
0x2f9: {  	s1 =	rddreg [dreg:$0xb];
	[sflag:s13] =	ssyncadd.s32 $0xFFFFA000  }
0x2fa: {  	[tilespmem:s12], [sflag:$0x2] =	stream.linear.gather [hbm4b:s1+s2], $0x6000, $0x38;
	[tilespmem:$0x18000] =	vst v63  }
0x2fb: {  	_ =	swait.ge [sflag:s10], $0x6000  }
0x2fc: {  	[sflag:s10] =	ssyncset.done $0x0  }
0x2fd: {  	s1 =	rddreg [dreg:$0xc];
	[sflag:s10] =	ssyncadd.s32 $0xFFFFA000  }
0x2fe: {  	[hbm4b:s1+s2] =	stream.linear.scatter [tilespmem:s4], [sflag:$0x8], $0x6000, $0x38;
	[tilespmem:$0x18000] =	vst v63  }
0x2ff: {  	_ =	swait.ge [sflag:s8], $0x6000  }
0x300: {  	[sflag:s8] =	ssyncset.done $0x0  }
0x301: {  	s1 =	rddreg [dreg:$0xd];
	[sflag:s8] =	ssyncadd.s32 $0xFFFFA000  }
0x302: {  	[tilespmem:s7], [sflag:$0x3] =	stream.linear.gather [hbm4b:s1+s2], $0x6000, $0x38;
	[tilespmem:$0x18000] =	vst v63  }
0x303: {  	_ =	swait.ge [sflag:s21], $0x6000  }
0x304: {  	[sflag:s21] =	ssyncset.done $0x0  }
0x305: {  	s1 =	rddreg [dreg:$0xe];
	[sflag:s21] =	ssyncadd.s32 $0xFFFFA000  }
0x306: {  	[hbm4b:s1+s2] =	stream.linear.scatter [tilespmem:s2], [sflag:$0x5], $0x6000, $0x38;
	[tilespmem:$0x18000] =	vst v63  }
0x307: {  	_ =	swait.ge [sflag:s6], $0x6000  }
0x308: {  	[sflag:s6] =	ssyncset.done $0x0  }
0x309: {  	s1 =	rddreg [dreg:$0xf];
	[sflag:s6] =	ssyncadd.s32 $0xFFFFA000  }
0x30a: {  	[tilespmem:s4], [sflag:$0x4] =	stream.linear.gather [hbm4b:s1+s2], $0x6000, $0x38;
	[tilespmem:$0x18000] =	vst v63  }
0x30b: {  	_ =	swait.ge [sflag:s17], $0x6000  }
0x30c: {  	[sflag:s17] =	ssyncset.done $0x0  }
0x30d: {  	s1 =	rddreg [dreg:$0x10];
	[sflag:s17] =	ssyncadd.s32 $0xFFFFA000  }
0x30e: {  	[hbm4b:s1+s2] =	stream.linear.scatter [tilespmem:s12], [sflag:$0x6], $0x6000, $0x38;
	[tilespmem:$0x18000] =	vst v63  }
0x30f: {  	_ =	swait.ge [sflag:s18], $0x6000  }
0x310: {  	[sflag:s18] =	ssyncset.done $0x0  }
0x311: {  	s1 =	rddreg [dreg:$0x11];
	[sflag:s18] =	ssyncadd.s32 $0xFFFFA000  }
0x312: {  	[tilespmem:s2], [sflag:$0x1] =	stream.linear.gather [hbm4b:s1+s2], $0x6000, $0x38;
	[tilespmem:$0x18000] =	vst v63  }
0x313: {  	_ =	swait.ge [sflag:s15], $0x6000  }
0x314: {  	[sflag:s15] =	ssyncset.done $0x0  }
0x315: {  	s1 =	rddreg [dreg:$0x12];
	[sflag:s15] =	ssyncadd.s32 $0xFFFFA000  }
0x316: {  	[hbm4b:s1+s2] =	stream.linear.scatter [tilespmem:s7], [sflag:$0x7], $0x6000, $0x38;
	[tilespmem:$0x18000] =	vst v63  }
0x317: {  	_ =	swait.ge [sflag:s13], $0x6000  }
0x318: {  	[sflag:s13] =	ssyncset.done $0x0  }
0x319: {  	s1 =	rddreg [dreg:$0x13];
	[sflag:s13] =	ssyncadd.s32 $0xFFFFA000  }
0x31a: {  	[tilespmem:s12], [sflag:$0x2] =	stream.linear.gather [hbm4b:s1+s2], $0x6000, $0x38;
	[tilespmem:$0x18000] =	vst v63  }
0x31b: {  	_ =	swait.ge [sflag:s10], $0x6000  }
0x31c: {  	[sflag:s10] =	ssyncset.done $0x0  }
0x31d: {  	s1 =	rddreg [dreg:$0x14];
	[sflag:s10] =	ssyncadd.s32 $0xFFFFA000  }
0x31e: {  	[hbm4b:s1+s2] =	stream.linear.scatter [tilespmem:s4], [sflag:$0x8], $0x6000, $0x38;
	[tilespmem:$0x18000] =	vst v63  }
0x31f: {  	_ =	swait.ge [sflag:s8], $0x6000  }
0x320: {  	[sflag:s8] =	ssyncset.done $0x0  }
0x321: {  	s1 =	rddreg [dreg:$0x15];
	[sflag:s8] =	ssyncadd.s32 $0xFFFFA000  }
0x322: {  	[tilespmem:s7], [sflag:$0x3] =	stream.linear.gather [hbm4b:s1+s2], $0x6000, $0x38;
	[tilespmem:$0x18000] =	vst v63  }
0x323: {  	_ =	swait.ge [sflag:s21], $0x6000  }
0x324: {  	[sflag:s21] =	ssyncset.done $0x0  }
0x325: {  	s1 =	rddreg [dreg:$0x16];
	[sflag:s21] =	ssyncadd.s32 $0xFFFFA000  }
0x326: {  	[hbm4b:s1+s2] =	stream.linear.scatter [tilespmem:s2], [sflag:$0x5], $0x6000, $0x38;
	[tilespmem:$0x18000] =	vst v63  }
0x327: {  	_ =	swait.ge [sflag:s6], $0x6000  }
0x328: {  	[sflag:s6] =	ssyncset.done $0x0  }
0x329: {  	s1 =	rddreg [dreg:$0x17];
	[sflag:s6] =	ssyncadd.s32 $0xFFFFA000  }
0x32a: {  	[tilespmem:s4], [sflag:$0x4] =	stream.linear.gather [hbm4b:s1+s2], $0x6000, $0x38;
	[tilespmem:$0x18000] =	vst v63  }
0x32b: {  	_ =	swait.ge [sflag:s17], $0x6000  }
0x32c: {  	[sflag:s17] =	ssyncset.done $0x0  }
0x32d: {  	s1 =	rddreg [dreg:$0x18];
	[sflag:s17] =	ssyncadd.s32 $0xFFFFA000  }
0x32e: {  	[hbm4b:s1+s2] =	stream.linear.scatter [tilespmem:s12], [sflag:$0x6], $0x6000, $0x38;
	[tilespmem:$0x18000] =	vst v63  }
0x32f: {  	_ =	swait.ge [sflag:s18], $0x6000  }
0x330: {  	[sflag:s18] =	ssyncset.done $0x0  }
0x331: {  	s1 =	rddreg [dreg:$0x19];
	[sflag:s18] =	ssyncadd.s32 $0xFFFFA000  }
0x332: {  	[tilespmem:s2], [sflag:$0x1] =	stream.linear.gather [hbm4b:s1+s2], $0x6000, $0x38;
	[tilespmem:$0x18000] =	vst v63  }
0x333: {  	_ =	swait.ge [sflag:s15], $0x6000  }
0x334: {  	[sflag:s15] =	ssyncset.done $0x0  }
0x335: {  	s1 =	rddreg [dreg:$0x1a];
	[sflag:s15] =	ssyncadd.s32 $0xFFFFA000  }
0x336: {  	[hbm4b:s1+s2] =	stream.linear.scatter [tilespmem:s7], [sflag:$0x7], $0x6000, $0x38;
	[tilespmem:$0x18000] =	vst v63  }
0x337: {  	_ =	swait.ge [sflag:s13], $0x6000  }
0x338: {  	[sflag:s13] =	ssyncset.done $0x0  }
0x339: {  	s1 =	rddreg [dreg:$0x1b];
	[sflag:s13] =	ssyncadd.s32 $0xFFFFA000  }
0x33a: {  	[tilespmem:s12], [sflag:$0x2] =	stream.linear.gather [hbm4b:s1+s2], $0x6000, $0x38;
	[tilespmem:$0x18000] =	vst v63  }
0x33b: {  	_ =	swait.ge [sflag:s10], $0x6000  }
0x33c: {  	[sflag:s10] =	ssyncset.done $0x0  }
0x33d: {  	s1 =	rddreg [dreg:$0x1c];
	[sflag:s10] =	ssyncadd.s32 $0xFFFFA000  }
0x33e: {  	[hbm4b:s1+s2] =	stream.linear.scatter [tilespmem:s4], [sflag:$0x8], $0x6000, $0x38;
	[tilespmem:$0x18000] =	vst v63  }
0x33f: {  	_ =	swait.ge [sflag:s8], $0x6000  }
0x340: {  	[sflag:s8] =	ssyncset.done $0x0  }
0x341: {  	s1 =	rddreg [dreg:$0x1d];
	[sflag:s8] =	ssyncadd.s32 $0xFFFFA000  }
0x342: {  	[tilespmem:s7], [sflag:$0x3] =	stream.linear.gather [hbm4b:s1+s2], $0x6000, $0x38;
	[tilespmem:$0x18000] =	vst v63  }
0x343: {  	_ =	swait.ge [sflag:s21], $0x6000  }
0x344: {  	[sflag:s21] =	ssyncset.done $0x0  }
0x345: {  	s1 =	rddreg [dreg:$0x1e];
	[sflag:s21] =	ssyncadd.s32 $0xFFFFA000  }
0x346: {  	[hbm4b:s1+s2] =	stream.linear.scatter [tilespmem:s2], [sflag:$0x5], $0x6000, $0x38;
	[tilespmem:$0x18000] =	vst v63  }
0x347: {  	_ =	swait.ge [sflag:s6], $0x6000  }
0x348: {  	[sflag:s6] =	ssyncset.done $0x0  }
0x349: {  	s1 =	rddreg [dreg:$0x1f];
	[sflag:s6] =	ssyncadd.s32 $0xFFFFA000  }
0x34a: {  	[tilespmem:s4], [sflag:$0x4] =	stream.linear.gather [hbm4b:s1+s2], $0x6000, $0x38;
	[tilespmem:$0x18000] =	vst v63  }
0x34b: {  	_ =	swait.ge [sflag:s17], $0x6000  }
0x34c: {  	s1 =	sld [smem:$0x7DA]  }
0x34d: {  	[sflag:s17] =	ssyncset.done $0x0  }
0x34e: {  	[sflag:s17] =	ssyncadd.s32 $0xFFFFA000  }
0x34f: {  	[hbm4b:s1+s2] =	stream.linear.scatter [tilespmem:s12], [sflag:$0x6], $0x6000, $0x38;
	[tilespmem:$0x18000] =	vst v63  }
0x350: {  	_ =	swait.ge [sflag:s18], $0x6000  }
0x351: {  	s1 =	sld [smem:$0x7DB]  }
0x352: {  	[sflag:s18] =	ssyncset.done $0x0  }
0x353: {  	[sflag:s18] =	ssyncadd.s32 $0xFFFFA000  }
0x354: {  	[tilespmem:s2], [sflag:$0x1] =	stream.linear.gather [hbm4b:s1+s2], $0x6000, $0x38;
	[tilespmem:$0x18000] =	vst v63  }
0x355: {  	_ =	swait.ge [sflag:s15], $0x6000  }
0x356: {  	s1 =	sld [smem:$0x7DC]  }
0x357: {  	[sflag:s15] =	ssyncset.done $0x0  }
0x358: {  	[sflag:s15] =	ssyncadd.s32 $0xFFFFA000  }
0x359: {  	[hbm4b:s1+s2] =	stream.linear.scatter [tilespmem:s7], [sflag:$0x7], $0x6000, $0x38;
	[tilespmem:$0x18000] =	vst v63  }
0x35a: {  	_ =	swait.ge [sflag:s13], $0x6000  }
0x35b: {  	s1 =	sld [smem:$0x7DD]  }
0x35c: {  	[sflag:s13] =	ssyncset.done $0x0  }
0x35d: {  	[sflag:s13] =	ssyncadd.s32 $0xFFFFA000  }
0x35e: {  	[tilespmem:s12], [sflag:$0x2] =	stream.linear.gather [hbm4b:s1+s2], $0x6000, $0x38;
	[tilespmem:$0x18000] =	vst v63  }
0x35f: {  	_ =	swait.ge [sflag:s10], $0x6000  }
0x360: {  	s1 =	sld [smem:$0x7DE]  }
0x361: {  	[sflag:s10] =	ssyncset.done $0x0  }
0x362: {  	[sflag:s10] =	ssyncadd.s32 $0xFFFFA000  }
0x363: {  	[hbm4b:s1+s2] =	stream.linear.scatter [tilespmem:s4], [sflag:$0x8], $0x6000, $0x38;
	[tilespmem:$0x18000] =	vst v63  }
0x364: {  	_ =	swait.ge [sflag:s8], $0x6000  }
0x365: {  	s1 =	sld [smem:$0x7DF]  }
0x366: {  	[sflag:s8] =	ssyncset.done $0x0  }
0x367: {  	[sflag:s8] =	ssyncadd.s32 $0xFFFFA000  }
0x368: {  	[tilespmem:s7], [sflag:$0x3] =	stream.linear.gather [hbm4b:s1+s2], $0x6000, $0x38;
	[tilespmem:$0x18000] =	vst v63  }
0x369: {  	_ =	swait.ge [sflag:s21], $0x6000  }
0x36a: {  	s1 =	sld [smem:$0x7E1]  }
0x36b: {  	[sflag:s21] =	ssyncset.done $0x0  }
0x36c: {  	[sflag:s21] =	ssyncadd.s32 $0xFFFFA000  }
0x36d: {  	[hbm4b:s1+s2] =	stream.linear.scatter [tilespmem:s2], [sflag:$0x5], $0x6000, $0x38;
	[tilespmem:$0x18000] =	vst v63  }
0x36e: {  	_ =	swait.ge [sflag:s6], $0x6000  }
0x36f: {  	s1 =	sld [smem:$0x7E2]  }
0x370: {  	[sflag:s6] =	ssyncset.done $0x0  }
0x371: {  	[sflag:s6] =	ssyncadd.s32 $0xFFFFA000  }
0x372: {  	[tilespmem:s4], [sflag:$0x4] =	stream.linear.gather [hbm4b:s1+s2], $0x6000, $0x38;
	[tilespmem:$0x18000] =	vst v63  }
0x373: {  	_ =	swait.ge [sflag:s17], $0x6000  }
0x374: {  	s1 =	sld [smem:$0x7E4]  }
0x375: {  	[sflag:s17] =	ssyncset.done $0x0  }
0x376: {  	[sflag:s17] =	ssyncadd.s32 $0xFFFFA000  }
0x377: {  	[hbm4b:s1+s2] =	stream.linear.scatter [tilespmem:s12], [sflag:$0x6], $0x6000, $0x38;
	[tilespmem:$0x18000] =	vst v63  }
0x378: {  	_ =	swait.ge [sflag:s18], $0x6000  }
0x379: {  	s1 =	sld [smem:$0x7E5]  }
0x37a: {  	[sflag:s18] =	ssyncset.done $0x0  }
0x37b: {  	[sflag:s18] =	ssyncadd.s32 $0xFFFFA000  }
0x37c: {  	[tilespmem:s2], [sflag:$0x1] =	stream.linear.gather [hbm4b:s1+s2], $0x6000, $0x38;
	[tilespmem:$0x18000] =	vst v63  }
0x37d: {  	_ =	swait.ge [sflag:s15], $0x6000  }
0x37e: {  	s1 =	sld [smem:$0x7E7]  }
0x37f: {  	[sflag:s15] =	ssyncset.done $0x0  }
0x380: {  	[sflag:s15] =	ssyncadd.s32 $0xFFFFA000  }
0x381: {  	[hbm4b:s1+s2] =	stream.linear.scatter [tilespmem:s7], [sflag:$0x7], $0x6000, $0x38;
	[tilespmem:$0x18000] =	vst v63  }
0x382: {  	_ =	swait.ge [sflag:s13], $0x6000  }
0x383: {  	s1 =	sld [smem:$0x7E9]  }
0x384: {  	[sflag:s13] =	ssyncset.done $0x0  }
0x385: {  	[sflag:s13] =	ssyncadd.s32 $0xFFFFA000  }
0x386: {  	[tilespmem:s12], [sflag:$0x2] =	stream.linear.gather [hbm4b:s1+s2], $0x6000, $0x38;
	[tilespmem:$0x18000] =	vst v63  }
0x387: {  	_ =	swait.ge [sflag:s10], $0x6000  }
0x388: {  	s1 =	sld [smem:$0x7EB]  }
0x389: {  	[sflag:s10] =	ssyncset.done $0x0  }
0x38a: {  	[sflag:s10] =	ssyncadd.s32 $0xFFFFA000  }
0x38b: {  	[hbm4b:s1+s2] =	stream.linear.scatter [tilespmem:s4], [sflag:$0x8], $0x6000, $0x38;
	[tilespmem:$0x18000] =	vst v63  }
0x38c: {  	_ =	swait.ge [sflag:s8], $0x6000  }
0x38d: {  	s1 =	sld [smem:$0x7ED]  }
0x38e: {  	[sflag:s8] =	ssyncset.done $0x0  }
0x38f: {  	[sflag:s8] =	ssyncadd.s32 $0xFFFFA000  }
0x390: {  	[tilespmem:s7], [sflag:$0x3] =	stream.linear.gather [hbm4b:s1+s2], $0x6000, $0x38;
	[tilespmem:$0x18000] =	vst v63  }
0x391: {  	_ =	swait.ge [sflag:s21], $0x6000  }
0x392: {  	s1 =	sld [smem:$0x7EF]  }
0x393: {  	[sflag:s21] =	ssyncset.done $0x0  }
0x394: {  	[sflag:s21] =	ssyncadd.s32 $0xFFFFA000  }
0x395: {  	[hbm4b:s1+s2] =	stream.linear.scatter [tilespmem:s2], [sflag:$0x5], $0x6000, $0x38;
	[tilespmem:$0x18000] =	vst v63  }
0x396: {  	_ =	swait.ge [sflag:s6], $0x6000  }
0x397: {  	s1 =	sld [smem:$0x7F0]  }
0x398: {  	[sflag:s6] =	ssyncset.done $0x0  }
0x399: {  	[sflag:s6] =	ssyncadd.s32 $0xFFFFA000  }
0x39a: {  	[tilespmem:s4], [sflag:$0x4] =	stream.linear.gather [hbm4b:s1+s2], $0x6000, $0x38;
	[tilespmem:$0x18000] =	vst v63  }
0x39b: {  	_ =	swait.ge [sflag:s17], $0x6000  }
0x39c: {  	s1 =	sld [smem:$0x7F2]  }
0x39d: {  	[sflag:s17] =	ssyncset.done $0x0  }
0x39e: {  	[sflag:s17] =	ssyncadd.s32 $0xFFFFA000  }
0x39f: {  	[hbm4b:s1+s2] =	stream.linear.scatter [tilespmem:s12], [sflag:$0x6], $0x6000, $0x38;
	[tilespmem:$0x18000] =	vst v63  }
0x3a0: {  	_ =	swait.ge [sflag:s18], $0x6000  }
0x3a1: {  	s1 =	sld [smem:$0x7F3]  }
0x3a2: {  	[sflag:s18] =	ssyncset.done $0x0  }
0x3a3: {  	[sflag:s18] =	ssyncadd.s32 $0xFFFFA000  }
0x3a4: {  	[tilespmem:s2], [sflag:$0x1] =	stream.linear.gather [hbm4b:s1+s2], $0x6000, $0x38;
	[tilespmem:$0x18000] =	vst v63  }
0x3a5: {  	_ =	swait.ge [sflag:s15], $0x6000  }
0x3a6: {  	s1 =	sld [smem:$0x7F5]  }
0x3a7: {  	[sflag:s15] =	ssyncset.done $0x0  }
0x3a8: {  	[sflag:s15] =	ssyncadd.s32 $0xFFFFA000  }
0x3a9: {  	[hbm4b:s1+s2] =	stream.linear.scatter [tilespmem:s7], [sflag:$0x7], $0x6000, $0x38;
	[tilespmem:$0x18000] =	vst v63  }
0x3aa: {  	_ =	swait.ge [sflag:s13], $0x6000  }
0x3ab: {  	s1 =	sld [smem:$0x7F6]  }
0x3ac: {  	[sflag:s13] =	ssyncset.done $0x0  }
0x3ad: {  	[sflag:s13] =	ssyncadd.s32 $0xFFFFA000  }
0x3ae: {  	[tilespmem:s12], [sflag:$0x2] =	stream.linear.gather [hbm4b:s1+s2], $0x6000, $0x38;
	[tilespmem:$0x18000] =	vst v63  }
0x3af: {  	_ =	swait.ge [sflag:s10], $0x6000  }
0x3b0: {  	s1 =	sld [smem:$0x7F7]  }
0x3b1: {  	[sflag:s10] =	ssyncset.done $0x0  }
0x3b2: {  	[sflag:s10] =	ssyncadd.s32 $0xFFFFA000  }
0x3b3: {  	[hbm4b:s1+s2] =	stream.linear.scatter [tilespmem:s4], [sflag:$0x8], $0x6000, $0x38;
	[tilespmem:$0x18000] =	vst v63  }
0x3b4: {  	_ =	swait.ge [sflag:s8], $0x6000  }
0x3b5: {  	s1 =	sld [smem:$0x7F8]  }
0x3b6: {  	[sflag:s8] =	ssyncset.done $0x0  }
0x3b7: {  	[sflag:s8] =	ssyncadd.s32 $0xFFFFA000  }
0x3b8: {  	[tilespmem:s7], [sflag:$0x3] =	stream.linear.gather [hbm4b:s1+s2], $0x6000, $0x38;
	[tilespmem:$0x18000] =	vst v63  }
0x3b9: {  	_ =	swait.ge [sflag:s21], $0x6000  }
0x3ba: {  	s1 =	sld [smem:$0x7F9]  }
0x3bb: {  	[sflag:s21] =	ssyncset.done $0x0  }
0x3bc: {  	[sflag:s21] =	ssyncadd.s32 $0xFFFFA000  }
0x3bd: {  	[hbm4b:s1+s2] =	stream.linear.scatter [tilespmem:s2], [sflag:$0x5], $0x6000, $0x38;
	[tilespmem:$0x18000] =	vst v63  }
0x3be: {  	_ =	swait.ge [sflag:s6], $0x6000  }
0x3bf: {  	s1 =	sld [smem:$0x7FB]  }
0x3c0: {  	[sflag:s6] =	ssyncset.done $0x0  }
0x3c1: {  	[sflag:s6] =	ssyncadd.s32 $0xFFFFA000  }
0x3c2: {  	[tilespmem:s4], [sflag:$0x4] =	stream.linear.gather [hbm4b:s1+s2], $0x6000, $0x38;
	[tilespmem:$0x18000] =	vst v63  }
0x3c3: {  	_ =	swait.ge [sflag:s17], $0x6000  }
0x3c4: {  	s1 =	sld [smem:$0x7FC]  }
0x3c5: {  	[sflag:s17] =	ssyncset.done $0x0  }
0x3c6: {  	[sflag:s17] =	ssyncadd.s32 $0xFFFFA000  }
0x3c7: {  	[hbm4b:s1+s2] =	stream.linear.scatter [tilespmem:s12], [sflag:$0x6], $0x6000, $0x38;
	[tilespmem:$0x18000] =	vst v63  }
0x3c8: {  	_ =	swait.ge [sflag:s18], $0x6000  }
0x3c9: {  	s1 =	sld [smem:$0x7FD]  }
0x3ca: {  	[sflag:s18] =	ssyncset.done $0x0  }
0x3cb: {  	[sflag:s18] =	ssyncadd.s32 $0xFFFFA000  }
0x3cc: {  	[tilespmem:s2], [sflag:$0x1] =	stream.linear.gather [hbm4b:s1+s2], $0x6000, $0x38;
	[tilespmem:$0x18000] =	vst v63  }
0x3cd: {  	_ =	swait.ge [sflag:s15], $0x6000  }
0x3ce: {  	[sflag:s15] =	ssyncset.done $0x0  }
0x3cf: {  	[sflag:s15] =	ssyncadd.s32 $0xFFFFA000  }
0x3d0: {  	[hbm4b:s31+s2] =	stream.linear.scatter [tilespmem:s7], [sflag:$0x7], $0x6000, $0x38;
	[tilespmem:$0x18000] =	vst v63  }
0x3d1: {  	_ =	swait.ge [sflag:s13], $0x6000  }
0x3d2: {  	[sflag:s13] =	ssyncset.done $0x0  }
0x3d3: {  	[sflag:s13] =	ssyncadd.s32 $0xFFFFA000  }
0x3d4: {  	[tilespmem:s12], [sflag:$0x2] =	stream.linear.gather [hbm4b:s30+s2], $0x6000, $0x38;
	[tilespmem:$0x18000] =	vst v63  }
0x3d5: {  	_ =	swait.ge [sflag:s10], $0x6000  }
0x3d6: {  	[sflag:s10] =	ssyncset.done $0x0  }
0x3d7: {  	[sflag:s10] =	ssyncadd.s32 $0xFFFFA000  }
0x3d8: {  	[hbm4b:s29+s2] =	stream.linear.scatter [tilespmem:s4], [sflag:$0x8], $0x6000, $0x38;
	[tilespmem:$0x18000] =	vst v63  }
0x3d9: {  	_ =	swait.ge [sflag:s8], $0x6000  }
0x3da: {  	[sflag:s8] =	ssyncset.done $0x0  }
0x3db: {  	[sflag:s8] =	ssyncadd.s32 $0xFFFFA000  }
0x3dc: {  	[tilespmem:s7], [sflag:$0x3] =	stream.linear.gather [hbm4b:s28+s2], $0x6000, $0x38;
	[tilespmem:$0x18000] =	vst v63  }
0x3dd: {  	_ =	swait.ge [sflag:s21], $0x6000  }
0x3de: {  	[sflag:s21] =	ssyncset.done $0x0  }
0x3df: {  	[sflag:s21] =	ssyncadd.s32 $0xFFFFA000  }
0x3e0: {  	[hbm4b:s26+s2] =	stream.linear.scatter [tilespmem:s2], [sflag:$0x5], $0x6000, $0x38;
	[tilespmem:$0x18000] =	vst v63  }
0x3e1: {  	_ =	swait.ge [sflag:s6], $0x6000  }
0x3e2: {  	[sflag:s6] =	ssyncset.done $0x0  }
0x3e3: {  	[sflag:s6] =	ssyncadd.s32 $0xFFFFA000  }
0x3e4: {  	[tilespmem:s4], [sflag:$0x4] =	stream.linear.gather [hbm4b:s25+s2], $0x6000, $0x38;
	[tilespmem:$0x18000] =	vst v63  }
0x3e5: {  	_ =	swait.ge [sflag:s17], $0x6000  }
0x3e6: {  	[sflag:s17] =	ssyncset.done $0x0  }
0x3e7: {  	[sflag:s17] =	ssyncadd.s32 $0xFFFFA000  }
0x3e8: {  	[hbm4b:s24+s2] =	stream.linear.scatter [tilespmem:s12], [sflag:$0x6], $0x6000, $0x38;
	[tilespmem:$0x18000] =	vst v63  }
0x3e9: {  	_ =	swait.ge [sflag:s18], $0x6000  }
0x3ea: {  	[sflag:s18] =	ssyncset.done $0x0  }
0x3eb: {  	[sflag:s18] =	ssyncadd.s32 $0xFFFFA000  }
0x3ec: {  	[tilespmem:s2], [sflag:$0x1] =	stream.linear.gather [hbm4b:s23+s2], $0x6000, $0x38;
	[tilespmem:$0x18000] =	vst v63  }
0x3ed: {  	_ =	swait.ge [sflag:s15], $0x6000  }
0x3ee: {  	[sflag:s15] =	ssyncset.done $0x0  }
0x3ef: {  	[sflag:s15] =	ssyncadd.s32 $0xFFFFA000  }
0x3f0: {  	[hbm4b:s22+s2] =	stream.linear.scatter [tilespmem:s7], [sflag:$0x7], $0x6000, $0x38;
	[tilespmem:$0x18000] =	vst v63  }
0x3f1: {  	_ =	swait.ge [sflag:s13], $0x6000  }
0x3f2: {  	[sflag:s13] =	ssyncset.done $0x0  }
0x3f3: {  	[sflag:s13] =	ssyncadd.s32 $0xFFFFA000  }
0x3f4: {  	[tilespmem:s12], [sflag:$0x2] =	stream.linear.gather [hbm4b:s20+s2], $0x6000, $0x38;
	[tilespmem:$0x18000] =	vst v63  }
0x3f5: {  	_ =	swait.ge [sflag:s10], $0x6000  }
0x3f6: {  	[sflag:s10] =	ssyncset.done $0x0  }
0x3f7: {  	[sflag:s10] =	ssyncadd.s32 $0xFFFFA000  }
0x3f8: {  	[hbm4b:s19+s2] =	stream.linear.scatter [tilespmem:s4], [sflag:$0x8], $0x6000, $0x38;
	[tilespmem:$0x18000] =	vst v63  }
0x3f9: {  	_ =	swait.ge [sflag:s8], $0x6000  }
0x3fa: {  	[sflag:s8] =	ssyncset.done $0x0  }
0x3fb: {  	[sflag:s8] =	ssyncadd.s32 $0xFFFFA000  }
0x3fc: {  	[tilespmem:s7], [sflag:$0x3] =	stream.linear.gather [hbm4b:s16+s2], $0x6000, $0x38;
	[tilespmem:$0x18000] =	vst v63  }
0x3fd: {  	_ =	swait.ge [sflag:s21], $0x6000  }
0x3fe: {  	[sflag:s21] =	ssyncset.done $0x0  }
0x3ff: {  	[sflag:s21] =	ssyncadd.s32 $0xFFFFA000  }
0x400: {  	[hbm4b:s14+s2] =	stream.linear.scatter [tilespmem:s2], [sflag:$0x5], $0x6000, $0x38;
	[tilespmem:$0x18000] =	vst v63  }
0x401: {  	_ =	swait.ge [sflag:s6], $0x6000  }
0x402: {  	[sflag:s6] =	ssyncset.done $0x0  }
0x403: {  	[sflag:s6] =	ssyncadd.s32 $0xFFFFA000  }
0x404: {  	[tilespmem:s4], [sflag:$0x4] =	stream.linear.gather [hbm4b:s11+s2], $0x6000, $0x38;
	[tilespmem:$0x18000] =	vst v63  }
0x405: {  	_ =	swait.ge [sflag:s17], $0x6000  }
0x406: {  	[sflag:s17] =	ssyncset.done $0x0  }
0x407: {  	[sflag:s17] =	ssyncadd.s32 $0xFFFFA000  }
0x408: {  	[hbm4b:s9+s2] =	stream.linear.scatter [tilespmem:s12], [sflag:$0x6], $0x6000, $0x38;
	[tilespmem:$0x18000] =	vst v63  }
0x409: {  	_ =	swait.ge [sflag:s18], $0x6000  }
0x40a: {  	[sflag:s18] =	ssyncset.done $0x0  }
0x40b: {  	[sflag:s18] =	ssyncadd.s32 $0xFFFFA000  }
0x40c: {  	_ =	swait.ge [sflag:s15], $0x6000  }
0x40d: {  	[sflag:s15] =	ssyncset.done $0x0  }
0x40e: {  	[sflag:s15] =	ssyncadd.s32 $0xFFFFA000  }
0x40f: {  	[hbm4b:s5+s2] =	stream.linear.scatter [tilespmem:s7], [sflag:$0x7], $0x6000, $0x38;
	[tilespmem:$0x18000] =	vst v63  }
0x410: {  	_ =	swait.ge [sflag:s13], $0x6000  }
0x411: {  	[sflag:s13] =	ssyncset.done $0x0  }
0x412: {  	[sflag:s13] =	ssyncadd.s32 $0xFFFFA000  }
0x413: {  	_ =	swait.ge [sflag:s10], $0x6000  }
0x414: {  	[sflag:s10] =	ssyncset.done $0x0  }
0x415: {  	[sflag:s10] =	ssyncadd.s32 $0xFFFFA000  }
0x416: {  	[hbm4b:s3+s2] =	stream.linear.scatter [tilespmem:s4], [sflag:$0x8], $0x6000, $0x38;
	[tilespmem:$0x18000] =	vst v63  }
0x417: {  	_ =	swait.ge [sflag:s8], $0x6000  }
0x418: {  	[sflag:s8] =	ssyncset.done $0x0  }
0x419: {  	[sflag:s8] =	ssyncadd.s32 $0xFFFFA000  }
0x41a: {  	_ =	swait.ge [sflag:s6], $0x6000  }
0x41b: {  	[sflag:s6] =	ssyncset.done $0x0  }
0x41c: {  	[sflag:s6] =	ssyncadd.s32 $0xFFFFA000  }
0x41d: {  	_ =	sfence.sel $0x180000  }
0x41e: {  	[bflag:$0x0] =	sbarrier.arrive $0xFFFF  }
0x41f: {  	_ =	strace $0x90000047  }
0x420: {  	s31 =	stileid.u32;
	[bflag:$0x2] =	sbarrier.arrive $0xFFFF  }
0x421: {  	p0 =	sne.s32 s31, $0x0;
	s0 =	rddreg [dreg:$0x2]  }
0x422: {  	s0 =	sadd.s32 @!p0 $0x100000, s0  }
0x423: {  	[sflag:s0] =	ssyncadd.tile.s32 @!p0 $0x1;
	_ =	shalt  }
.Lfunc_end2:
_tile_overlayer_lowered:
.L_overlay_start_2:
0x424: {  	(tag) =	ssettag $0x2  }
0x425: {  	s0 =	rddreg [dreg:$0x0];
	s2 =	stileid.u32  }
0x426: {  	s1 =	rddreg [dreg:$0x1];
	p0 =	sne.s32 s2, $0x0  }
0x427: {  	s3 =	rddreg [dreg:$0x2];
	[bflag:$0x3] =	sbarrier.arrive $0xFFFF;
	s2 =	simm.s32 @!p0 $0x1C09  }
0x428: {  	[timem:s3], [sflag:s2] =	dma.local @!p0 [hbm:s0], s1  }
0x429: {  	s0 =	simm.s32 @!p0 $0x9  }
0x42a: {  	_ =	swait.ge @!p0 [sflag:s0], s1  }
0x42b: {  	s1 =	ssub.s32 @!p0 $0x0, s1;
	[sflag:s0] =	ssyncset.done @!p0 $0x0  }
0x42c: {  	[sflag:s0] =	ssyncadd.s32 @!p0 s1  }
0x42d: {  	[bflag:$0x3] =	sbarrier.arrive $0xFFFF  }
0x42e: {  	_ =	shalt  }

</sc_bundles>
